<compile_context>
chip_gen: v7x
topology: tpu7x:2x2x1
jax: 0.10.2.dev20260603
libtpu: 0.0.44.dev20260713+nightly
codegen_flags: <defaults>
</compile_context>

<pallas_src>
import jax
import jax.numpy as jnp
from jax import lax
from jax.experimental import pallas as pl
from jax.experimental.pallas import tpu as pltpu
from jax.experimental.pallas import tpu_sc as plsc

VOCAB = 1000000
DIM = 64
BATCH = 16384
NEG = 20

NC = 2
NS = 16
NW = NC * NS

BW = BATCH // NW
BWN = BW * NEG
CH = 256
K = 6
D = 3


def _worker_base():
    c = lax.axis_index("c")
    s = lax.axis_index("s")
    return s * NC + c


def _pipelined_gather(chunks, bufs, gsems, wsems):
    n = len(chunks)
    gcp = [None] * K
    wcp = [None] * K
    for i in range(n + D):
        if i < n:
            k = i % K
            if wcp[k] is not None:
                wcp[k].wait()
            tbl, idx, io, _, _ = chunks[i]
            gcp[k] = pltpu.async_copy(
                tbl.at[idx.at[pl.ds(io, CH)]], bufs[k], gsems[k])
        if i >= D:
            j = i - D
            k = j % K
            gcp[k].wait()
            _, _, _, out, oo = chunks[j]
            wcp[k] = pltpu.async_copy(
                bufs[k], out.at[pl.ds(oo, CH)], wsems[k])
    for k in range(K):
        if wcp[k] is not None:
            wcp[k].wait()


def _center_body(cw_hbm, ie_hbm, outc_hbm, idx_c, *scratch):
    bufs = scratch[:K]
    gsems = scratch[K:2 * K]
    wsems = scratch[2 * K:3 * K]
    b0 = _worker_base() * BW
    pltpu.sync_copy(cw_hbm.at[pl.ds(b0, BW)], idx_c)
    chunks = [(ie_hbm, idx_c, j * CH, outc_hbm, b0 + j * CH)
              for j in range(BW // CH)]
    _pipelined_gather(chunks, bufs, gsems, wsems)


def _context_neg_body(xw_hbm, nw_hbm, oe_hbm, outx_hbm, outn_hbm,
                      idx_x, idx_n, *scratch):
    bufs = scratch[:K]
    gsems = scratch[K:2 * K]
    wsems = scratch[2 * K:3 * K]
    wid = _worker_base()
    b0 = wid * BW
    n0 = wid * BWN
    pltpu.sync_copy(xw_hbm.at[pl.ds(b0, BW)], idx_x)
    pltpu.sync_copy(nw_hbm.at[pl.ds(n0, BWN)], idx_n)
    chunks = [(oe_hbm, idx_x, j * CH, outx_hbm, b0 + j * CH)
              for j in range(BW // CH)]
    chunks += [(oe_hbm, idx_n, j * CH, outn_hbm, n0 + j * CH)
               for j in range(BWN // CH)]
    _pipelined_gather(chunks, bufs, gsems, wsems)


_BUF_SCRATCH = (
    [pltpu.VMEM((CH, DIM), jnp.float32)] * K
    + [pltpu.SemaphoreType.DMA] * (2 * K)
)


@jax.jit
def kernel(center_words, context_words, negative_words,
           input_embeddings, output_embeddings):
    mesh = plsc.VectorSubcoreMesh(core_axis_name="c", subcore_axis_name="s")
    params = pltpu.CompilerParams(use_tc_tiling_on_sc=False)

    run_center = pl.kernel(
        _center_body,
        mesh=mesh,
        compiler_params=params,
        out_type=jax.ShapeDtypeStruct((BATCH, DIM), jnp.float32),
        scratch_types=[pltpu.VMEM((BW,), jnp.int32)] + _BUF_SCRATCH,
    )
    run_ctx_neg = pl.kernel(
        _context_neg_body,
        mesh=mesh,
        compiler_params=params,
        out_type=[
            jax.ShapeDtypeStruct((BATCH, DIM), jnp.float32),
            jax.ShapeDtypeStruct((BATCH * NEG, DIM), jnp.float32),
        ],
        scratch_types=[pltpu.VMEM((BW,), jnp.int32),
                       pltpu.VMEM((BWN,), jnp.int32)] + _BUF_SCRATCH,
    )

    center = run_center(center_words.astype(jnp.int32), input_embeddings)
    context, neg_flat = run_ctx_neg(
        context_words.astype(jnp.int32),
        negative_words.reshape(-1).astype(jnp.int32),
        output_embeddings,
    )
    return center, context, neg_flat.reshape(BATCH, NEG, DIM)

# --- scband reference (transcript-rebuilt; emitter-appended) ---
"""Pipeline reference for scband-skip-gram-neg-sampling-88141318848949 (READ-ONLY COPY).

The authoritative reference and input builder live on the scoring server;
editing this copy changes nothing except your own understanding.
"""

import jax, jax.numpy as jnp
import numpy as np

VOCAB = 1000000
DIM = 64
BATCH = 16384
NEG = 20

def setup_inputs(seed: int = 0) -> dict:
    key = jax.random.key(seed)
    k1, k2, k3, k4, k5 = jax.random.split(key, 5)
    center_words = jax.random.randint(k1, (BATCH,), 0, VOCAB)
    context_words = jax.random.randint(k2, (BATCH,), 0, VOCAB)
    negative_words = jax.random.randint(k3, (BATCH, NEG), 0, VOCAB)
    input_embeddings = jax.random.normal(k4, (VOCAB, DIM), dtype=jnp.float32) * 0.01
    output_embeddings = jax.random.normal(k5, (VOCAB, DIM), dtype=jnp.float32) * 0.01
    return {
        "center_words": center_words,
        "context_words": context_words,
        "negative_words": negative_words,
        "input_embeddings": input_embeddings,
        "output_embeddings": output_embeddings,
    }

def reference(center_words, context_words, negative_words, input_embeddings, output_embeddings):
    center = jnp.take(input_embeddings, center_words, axis=0)
    context = jnp.take(output_embeddings, context_words, axis=0)
    negatives = jnp.take(output_embeddings, negative_words, axis=0)
    return (center, context, negatives)

if __name__ == "__main__":
    import jax
    _d = setup_inputs()
    print(jax.jit(kernel)(*tuple(_d.values())))

</pallas_src>

<mosaic_0001>
#map = affine_map<(d0, d1) -> (0)>
#map1 = affine_map<(d0, d1) -> (0, 0)>
module attributes {stable_mosaic.version = 14 : i64} {
  func.func @_center_body(%arg0: i32, %arg1: i32, %arg2: memref<16384xi32, #tpu.memory_space<hbm>>, %arg3: memref<1000000x64xf32, #tpu.memory_space<hbm>>, %arg4: memref<16384x64xf32, #tpu.memory_space<hbm>>, %arg5: memref<512xi32, #tpu.memory_space<vmem>>, %arg6: memref<256x64xf32, #tpu.memory_space<vmem>>, %arg7: memref<256x64xf32, #tpu.memory_space<vmem>>, %arg8: memref<256x64xf32, #tpu.memory_space<vmem>>, %arg9: memref<256x64xf32, #tpu.memory_space<vmem>>, %arg10: memref<256x64xf32, #tpu.memory_space<vmem>>, %arg11: memref<256x64xf32, #tpu.memory_space<vmem>>, %arg12: memref<!tpu.dma_semaphore, #tpu.memory_space<semaphore_mem>>, %arg13: memref<!tpu.dma_semaphore, #tpu.memory_space<semaphore_mem>>, %arg14: memref<!tpu.dma_semaphore, #tpu.memory_space<semaphore_mem>>, %arg15: memref<!tpu.dma_semaphore, #tpu.memory_space<semaphore_mem>>, %arg16: memref<!tpu.dma_semaphore, #tpu.memory_space<semaphore_mem>>, %arg17: memref<!tpu.dma_semaphore, #tpu.memory_space<semaphore_mem>>, %arg18: memref<!tpu.dma_semaphore, #tpu.memory_space<semaphore_mem>>, %arg19: memref<!tpu.dma_semaphore, #tpu.memory_space<semaphore_mem>>, %arg20: memref<!tpu.dma_semaphore, #tpu.memory_space<semaphore_mem>>, %arg21: memref<!tpu.dma_semaphore, #tpu.memory_space<semaphore_mem>>, %arg22: memref<!tpu.dma_semaphore, #tpu.memory_space<semaphore_mem>>, %arg23: memref<!tpu.dma_semaphore, #tpu.memory_space<semaphore_mem>>) attributes {dimension_semantics = [#tpu.dimension_semantics<core_parallel>, #tpu.dimension_semantics<subcore_parallel>], iteration_bounds = array<i64: 2, 16>, scalar_prefetch = 0 : i64, scratch_operands = 19 : i64, tpu.core_type = #tpu.core_type<sc_vector_subcore>, window_params = [{transform_indices = #map}, {transform_indices = #map1}, {transform_indices = #map1}]} {
    %mul3A = arith.constant 2 : i32
    %mul3A_0 = arith.muli %arg1, %mul3A : i32
    %add3A = arith.addi %mul3A_0, %arg0 : i32
    %mul3A_1 = arith.constant 512 : i32
    %mul3A_2 = arith.muli %add3A, %mul3A_1 : i32
    "tpu.region"() ({
      %run_scoped3A = tpu.sem_alloc : memref<!tpu.dma_semaphore, #tpu.memory_space<semaphore_mem>>
      %dma_start3A_41 = tpu.memref_slice %arg2[%mul3A_2] : memref<16384xi32, #tpu.memory_space<hbm>> -> memref<512xi32, #tpu.memory_space<hbm>>
      %dma_start3A_42 = tpu.memref_slice %arg2[%mul3A_2] : memref<16384xi32, #tpu.memory_space<hbm>> -> memref<512xi32, #tpu.memory_space<hbm>>
      tpu.enqueue_dma source(%dma_start3A_42 : memref<512xi32, #tpu.memory_space<hbm>>) target(%arg5 : memref<512xi32, #tpu.memory_space<vmem>>) target_semaphore(%run_scoped3A : memref<!tpu.dma_semaphore, #tpu.memory_space<semaphore_mem>>)
      %dma_wait3A_43 = tpu.memref_slice %arg2[%mul3A_2] : memref<16384xi32, #tpu.memory_space<hbm>> -> memref<512xi32, #tpu.memory_space<hbm>>
      %dma_wait3A_44 = tpu.memref_slice %arg2[%mul3A_2] : memref<16384xi32, #tpu.memory_space<hbm>> -> memref<512xi32, #tpu.memory_space<hbm>>
      tpu.wait_dma2 semaphore(%run_scoped3A : memref<!tpu.dma_semaphore, #tpu.memory_space<semaphore_mem>>) src(%dma_wait3A_44 : memref<512xi32, #tpu.memory_space<hbm>>) dst(%arg5 : memref<512xi32, #tpu.memory_space<vmem>>)
      tpu.yield
    }) : () -> ()
    %add3A_3 = arith.constant 0 : i32
    %add3A_4 = arith.addi %mul3A_2, %add3A_3 : i32
    %add3A_5 = arith.constant 256 : i32
    %add3A_6 = arith.addi %mul3A_2, %add3A_5 : i32
    %dma_start3A = arith.constant 0 : i32
    %dma_start3A_7 = tpu.memref_slice %arg5[%dma_start3A] : memref<512xi32, #tpu.memory_space<vmem>> -> memref<256xi32, #tpu.memory_space<vmem>>
    %dma_start3A_8 = arith.constant 0 : i32
    %dma_start3A_9 = arith.constant 0 : i32
    %dma_start3A_10 = tpu.memref_slice %arg3[%dma_start3A_8, %dma_start3A_9] : memref<1000000x64xf32, #tpu.memory_space<hbm>> -> memref<1000000x64xf32, #tpu.memory_space<hbm>>
    tpu.enqueue_indirect_dma source(%dma_start3A_10 : memref<1000000x64xf32, #tpu.memory_space<hbm>>) target(%arg6 : memref<256x64xf32, #tpu.memory_space<vmem>>) offsets(%dma_start3A_7 : memref<256xi32, #tpu.memory_space<vmem>>) semaphore(%arg12 : memref<!tpu.dma_semaphore, #tpu.memory_space<semaphore_mem>>)
    %dma_start3A_11 = arith.constant 256 : i32
    %dma_start3A_12 = tpu.memref_slice %arg5[%dma_start3A_11] : memref<512xi32, #tpu.memory_space<vmem>> -> memref<256xi32, #tpu.memory_space<vmem>>
    %dma_start3A_13 = arith.constant 0 : i32
    %dma_start3A_14 = arith.constant 0 : i32
    %dma_start3A_15 = tpu.memref_slice %arg3[%dma_start3A_13, %dma_start3A_14] : memref<1000000x64xf32, #tpu.memory_space<hbm>> -> memref<1000000x64xf32, #tpu.memory_space<hbm>>
    tpu.enqueue_indirect_dma source(%dma_start3A_15 : memref<1000000x64xf32, #tpu.memory_space<hbm>>) target(%arg7 : memref<256x64xf32, #tpu.memory_space<vmem>>) offsets(%dma_start3A_12 : memref<256xi32, #tpu.memory_space<vmem>>) semaphore(%arg13 : memref<!tpu.dma_semaphore, #tpu.memory_space<semaphore_mem>>)
    %dma_wait3A = arith.constant 0 : i32
    %dma_wait3A_16 = tpu.memref_slice %arg5[%dma_wait3A] : memref<512xi32, #tpu.memory_space<vmem>> -> memref<256xi32, #tpu.memory_space<vmem>>
    %dma_wait3A_17 = arith.constant 0 : i32
    %dma_wait3A_18 = arith.constant 0 : i32
    %dma_wait3A_19 = tpu.memref_slice %arg3[%dma_wait3A_17, %dma_wait3A_18] : memref<1000000x64xf32, #tpu.memory_space<hbm>> -> memref<1000000x64xf32, #tpu.memory_space<hbm>>
    tpu.wait_indirect_dma semaphore(%arg12 : memref<!tpu.dma_semaphore, #tpu.memory_space<semaphore_mem>>) src(%dma_wait3A_19 : memref<1000000x64xf32, #tpu.memory_space<hbm>>) dst(%arg6 : memref<256x64xf32, #tpu.memory_space<vmem>>)
    %dma_start3A_20 = arith.constant 0 : i32
    %dma_start3A_21 = tpu.memref_slice %arg4[%add3A_4, %dma_start3A_20] : memref<16384x64xf32, #tpu.memory_space<hbm>> -> memref<256x64xf32, #tpu.memory_space<hbm>>
    %dma_start3A_22 = arith.constant 0 : i32
    %dma_start3A_23 = tpu.memref_slice %arg4[%add3A_4, %dma_start3A_22] : memref<16384x64xf32, #tpu.memory_space<hbm>> -> memref<256x64xf32, #tpu.memory_space<hbm>>
    tpu.enqueue_dma source(%arg6 : memref<256x64xf32, #tpu.memory_space<vmem>>) target(%dma_start3A_23 : memref<256x64xf32, #tpu.memory_space<hbm>>) target_semaphore(%arg18 : memref<!tpu.dma_semaphore, #tpu.memory_space<semaphore_mem>>)
    %dma_wait3A_24 = arith.constant 256 : i32
    %dma_wait3A_25 = tpu.memref_slice %arg5[%dma_wait3A_24] : memref<512xi32, #tpu.memory_space<vmem>> -> memref<256xi32, #tpu.memory_space<vmem>>
    %dma_wait3A_26 = arith.constant 0 : i32
    %dma_wait3A_27 = arith.constant 0 : i32
    %dma_wait3A_28 = tpu.memref_slice %arg3[%dma_wait3A_26, %dma_wait3A_27] : memref<1000000x64xf32, #tpu.memory_space<hbm>> -> memref<1000000x64xf32, #tpu.memory_space<hbm>>
    tpu.wait_indirect_dma semaphore(%arg13 : memref<!tpu.dma_semaphore, #tpu.memory_space<semaphore_mem>>) src(%dma_wait3A_28 : memref<1000000x64xf32, #tpu.memory_space<hbm>>) dst(%arg7 : memref<256x64xf32, #tpu.memory_space<vmem>>)
    %dma_start3A_29 = arith.constant 0 : i32
    %dma_start3A_30 = tpu.memref_slice %arg4[%add3A_6, %dma_start3A_29] : memref<16384x64xf32, #tpu.memory_space<hbm>> -> memref<256x64xf32, #tpu.memory_space<hbm>>
    %dma_start3A_31 = arith.constant 0 : i32
    %dma_start3A_32 = tpu.memref_slice %arg4[%add3A_6, %dma_start3A_31] : memref<16384x64xf32, #tpu.memory_space<hbm>> -> memref<256x64xf32, #tpu.memory_space<hbm>>
    tpu.enqueue_dma source(%arg7 : memref<256x64xf32, #tpu.memory_space<vmem>>) target(%dma_start3A_32 : memref<256x64xf32, #tpu.memory_space<hbm>>) target_semaphore(%arg19 : memref<!tpu.dma_semaphore, #tpu.memory_space<semaphore_mem>>)
    %dma_wait3A_33 = arith.constant 0 : i32
    %dma_wait3A_34 = tpu.memref_slice %arg4[%add3A_4, %dma_wait3A_33] : memref<16384x64xf32, #tpu.memory_space<hbm>> -> memref<256x64xf32, #tpu.memory_space<hbm>>
    %dma_wait3A_35 = arith.constant 0 : i32
    %dma_wait3A_36 = tpu.memref_slice %arg4[%add3A_4, %dma_wait3A_35] : memref<16384x64xf32, #tpu.memory_space<hbm>> -> memref<256x64xf32, #tpu.memory_space<hbm>>
    tpu.wait_dma2 semaphore(%arg18 : memref<!tpu.dma_semaphore, #tpu.memory_space<semaphore_mem>>) src(%arg6 : memref<256x64xf32, #tpu.memory_space<vmem>>) dst(%dma_wait3A_36 : memref<256x64xf32, #tpu.memory_space<hbm>>)
    %dma_wait3A_37 = arith.constant 0 : i32
    %dma_wait3A_38 = tpu.memref_slice %arg4[%add3A_6, %dma_wait3A_37] : memref<16384x64xf32, #tpu.memory_space<hbm>> -> memref<256x64xf32, #tpu.memory_space<hbm>>
    %dma_wait3A_39 = arith.constant 0 : i32
    %dma_wait3A_40 = tpu.memref_slice %arg4[%add3A_6, %dma_wait3A_39] : memref<16384x64xf32, #tpu.memory_space<hbm>> -> memref<256x64xf32, #tpu.memory_space<hbm>>
    tpu.wait_dma2 semaphore(%arg19 : memref<!tpu.dma_semaphore, #tpu.memory_space<semaphore_mem>>) src(%arg7 : memref<256x64xf32, #tpu.memory_space<vmem>>) dst(%dma_wait3A_40 : memref<256x64xf32, #tpu.memory_space<hbm>>)
    return
  }
}

#map = affine_map<(d0, d1) -> (0)>
#map1 = affine_map<(d0, d1) -> (0, 0)>
module attributes {stable_mosaic.version = 14 : i64} {
  func.func @_context_neg_body(%arg0: i32, %arg1: i32, %arg2: memref<16384xi32, #tpu.memory_space<hbm>>, %arg3: memref<327680xi32, #tpu.memory_space<hbm>>, %arg4: memref<1000000x64xf32, #tpu.memory_space<hbm>>, %arg5: memref<16384x64xf32, #tpu.memory_space<hbm>>, %arg6: memref<327680x64xf32, #tpu.memory_space<hbm>>, %arg7: memref<512xi32, #tpu.memory_space<vmem>>, %arg8: memref<10240xi32, #tpu.memory_space<vmem>>, %arg9: memref<256x64xf32, #tpu.memory_space<vmem>>, %arg10: memref<256x64xf32, #tpu.memory_space<vmem>>, %arg11: memref<256x64xf32, #tpu.memory_space<vmem>>, %arg12: memref<256x64xf32, #tpu.memory_space<vmem>>, %arg13: memref<256x64xf32, #tpu.memory_space<vmem>>, %arg14: memref<256x64xf32, #tpu.memory_space<vmem>>, %arg15: memref<!tpu.dma_semaphore, #tpu.memory_space<semaphore_mem>>, %arg16: memref<!tpu.dma_semaphore, #tpu.memory_space<semaphore_mem>>, %arg17: memref<!tpu.dma_semaphore, #tpu.memory_space<semaphore_mem>>, %arg18: memref<!tpu.dma_semaphore, #tpu.memory_space<semaphore_mem>>, %arg19: memref<!tpu.dma_semaphore, #tpu.memory_space<semaphore_mem>>, %arg20: memref<!tpu.dma_semaphore, #tpu.memory_space<semaphore_mem>>, %arg21: memref<!tpu.dma_semaphore, #tpu.memory_space<semaphore_mem>>, %arg22: memref<!tpu.dma_semaphore, #tpu.memory_space<semaphore_mem>>, %arg23: memref<!tpu.dma_semaphore, #tpu.memory_space<semaphore_mem>>, %arg24: memref<!tpu.dma_semaphore, #tpu.memory_space<semaphore_mem>>, %arg25: memref<!tpu.dma_semaphore, #tpu.memory_space<semaphore_mem>>, %arg26: memref<!tpu.dma_semaphore, #tpu.memory_space<semaphore_mem>>) attributes {dimension_semantics = [#tpu.dimension_semantics<core_parallel>, #tpu.dimension_semantics<subcore_parallel>], iteration_bounds = array<i64: 2, 16>, scalar_prefetch = 0 : i64, scratch_operands = 20 : i64, tpu.core_type = #tpu.core_type<sc_vector_subcore>, window_params = [{transform_indices = #map}, {transform_indices = #map}, {transform_indices = #map1}, {transform_indices = #map1}, {transform_indices = #map1}]} {
    %mul3A = arith.constant 2 : i32
    %mul3A_0 = arith.muli %arg1, %mul3A : i32
    %add3A = arith.addi %mul3A_0, %arg0 : i32
    %mul3A_1 = arith.constant 512 : i32
    %mul3A_2 = arith.muli %add3A, %mul3A_1 : i32
    %mul3A_3 = arith.constant 10240 : i32
    %mul3A_4 = arith.muli %add3A, %mul3A_3 : i32
    "tpu.region"() ({
      %run_scoped3A = tpu.sem_alloc : memref<!tpu.dma_semaphore, #tpu.memory_space<semaphore_mem>>
      %dma_start3A_843 = tpu.memref_slice %arg2[%mul3A_2] : memref<16384xi32, #tpu.memory_space<hbm>> -> memref<512xi32, #tpu.memory_space<hbm>>
      %dma_start3A_844 = tpu.memref_slice %arg2[%mul3A_2] : memref<16384xi32, #tpu.memory_space<hbm>> -> memref<512xi32, #tpu.memory_space<hbm>>
      tpu.enqueue_dma source(%dma_start3A_844 : memref<512xi32, #tpu.memory_space<hbm>>) target(%arg7 : memref<512xi32, #tpu.memory_space<vmem>>) target_semaphore(%run_scoped3A : memref<!tpu.dma_semaphore, #tpu.memory_space<semaphore_mem>>)
      %dma_wait3A_845 = tpu.memref_slice %arg2[%mul3A_2] : memref<16384xi32, #tpu.memory_space<hbm>> -> memref<512xi32, #tpu.memory_space<hbm>>
      %dma_wait3A_846 = tpu.memref_slice %arg2[%mul3A_2] : memref<16384xi32, #tpu.memory_space<hbm>> -> memref<512xi32, #tpu.memory_space<hbm>>
      tpu.wait_dma2 semaphore(%run_scoped3A : memref<!tpu.dma_semaphore, #tpu.memory_space<semaphore_mem>>) src(%dma_wait3A_846 : memref<512xi32, #tpu.memory_space<hbm>>) dst(%arg7 : memref<512xi32, #tpu.memory_space<vmem>>)
      tpu.yield
    }) : () -> ()
    "tpu.region"() ({
      %run_scoped3A = tpu.sem_alloc : memref<!tpu.dma_semaphore, #tpu.memory_space<semaphore_mem>>
      %dma_start3A_843 = tpu.memref_slice %arg3[%mul3A_4] : memref<327680xi32, #tpu.memory_space<hbm>> -> memref<10240xi32, #tpu.memory_space<hbm>>
      %dma_start3A_844 = tpu.memref_slice %arg3[%mul3A_4] : memref<327680xi32, #tpu.memory_space<hbm>> -> memref<10240xi32, #tpu.memory_space<hbm>>
      tpu.enqueue_dma source(%dma_start3A_844 : memref<10240xi32, #tpu.memory_space<hbm>>) target(%arg8 : memref<10240xi32, #tpu.memory_space<vmem>>) target_semaphore(%run_scoped3A : memref<!tpu.dma_semaphore, #tpu.memory_space<semaphore_mem>>)
      %dma_wait3A_845 = tpu.memref_slice %arg3[%mul3A_4] : memref<327680xi32, #tpu.memory_space<hbm>> -> memref<10240xi32, #tpu.memory_space<hbm>>
      %dma_wait3A_846 = tpu.memref_slice %arg3[%mul3A_4] : memref<327680xi32, #tpu.memory_space<hbm>> -> memref<10240xi32, #tpu.memory_space<hbm>>
      tpu.wait_dma2 semaphore(%run_scoped3A : memref<!tpu.dma_semaphore, #tpu.memory_space<semaphore_mem>>) src(%dma_wait3A_846 : memref<10240xi32, #tpu.memory_space<hbm>>) dst(%arg8 : memref<10240xi32, #tpu.memory_space<vmem>>)
      tpu.yield
    }) : () -> ()
    %add3A_5 = arith.constant 0 : i32
    %add3A_6 = arith.addi %mul3A_2, %add3A_5 : i32
    %add3A_7 = arith.constant 256 : i32
    %add3A_8 = arith.addi %mul3A_2, %add3A_7 : i32
    %add3A_9 = arith.constant 0 : i32
    %add3A_10 = arith.addi %mul3A_4, %add3A_9 : i32
    %add3A_11 = arith.constant 256 : i32
    %add3A_12 = arith.addi %mul3A_4, %add3A_11 : i32
    %add3A_13 = arith.constant 512 : i32
    %add3A_14 = arith.addi %mul3A_4, %add3A_13 : i32
    %add3A_15 = arith.constant 768 : i32
    %add3A_16 = arith.addi %mul3A_4, %add3A_15 : i32
    %add3A_17 = arith.constant 1024 : i32
    %add3A_18 = arith.addi %mul3A_4, %add3A_17 : i32
    %add3A_19 = arith.constant 1280 : i32
    %add3A_20 = arith.addi %mul3A_4, %add3A_19 : i32
    %add3A_21 = arith.constant 1536 : i32
    %add3A_22 = arith.addi %mul3A_4, %add3A_21 : i32
    %add3A_23 = arith.constant 1792 : i32
    %add3A_24 = arith.addi %mul3A_4, %add3A_23 : i32
    %add3A_25 = arith.constant 2048 : i32
    %add3A_26 = arith.addi %mul3A_4, %add3A_25 : i32
    %add3A_27 = arith.constant 2304 : i32
    %add3A_28 = arith.addi %mul3A_4, %add3A_27 : i32
    %add3A_29 = arith.constant 2560 : i32
    %add3A_30 = arith.addi %mul3A_4, %add3A_29 : i32
    %add3A_31 = arith.constant 2816 : i32
    %add3A_32 = arith.addi %mul3A_4, %add3A_31 : i32
    %add3A_33 = arith.constant 3072 : i32
    %add3A_34 = arith.addi %mul3A_4, %add3A_33 : i32
    %add3A_35 = arith.constant 3328 : i32
    %add3A_36 = arith.addi %mul3A_4, %add3A_35 : i32
    %add3A_37 = arith.constant 3584 : i32
    %add3A_38 = arith.addi %mul3A_4, %add3A_37 : i32
    %add3A_39 = arith.constant 3840 : i32
    %add3A_40 = arith.addi %mul3A_4, %add3A_39 : i32
    %add3A_41 = arith.constant 4096 : i32
    %add3A_42 = arith.addi %mul3A_4, %add3A_41 : i32
    %add3A_43 = arith.constant 4352 : i32
    %add3A_44 = arith.addi %mul3A_4, %add3A_43 : i32
    %add3A_45 = arith.constant 4608 : i32
    %add3A_46 = arith.addi %mul3A_4, %add3A_45 : i32
    %add3A_47 = arith.constant 4864 : i32
    %add3A_48 = arith.addi %mul3A_4, %add3A_47 : i32
    %add3A_49 = arith.constant 5120 : i32
    %add3A_50 = arith.addi %mul3A_4, %add3A_49 : i32
    %add3A_51 = arith.constant 5376 : i32
    %add3A_52 = arith.addi %mul3A_4, %add3A_51 : i32
    %add3A_53 = arith.constant 5632 : i32
    %add3A_54 = arith.addi %mul3A_4, %add3A_53 : i32
    %add3A_55 = arith.constant 5888 : i32
    %add3A_56 = arith.addi %mul3A_4, %add3A_55 : i32
    %add3A_57 = arith.constant 6144 : i32
    %add3A_58 = arith.addi %mul3A_4, %add3A_57 : i32
    %add3A_59 = arith.constant 6400 : i32
    %add3A_60 = arith.addi %mul3A_4, %add3A_59 : i32
    %add3A_61 = arith.constant 6656 : i32
    %add3A_62 = arith.addi %mul3A_4, %add3A_61 : i32
    %add3A_63 = arith.constant 6912 : i32
    %add3A_64 = arith.addi %mul3A_4, %add3A_63 : i32
    %add3A_65 = arith.constant 7168 : i32
    %add3A_66 = arith.addi %mul3A_4, %add3A_65 : i32
    %add3A_67 = arith.constant 7424 : i32
    %add3A_68 = arith.addi %mul3A_4, %add3A_67 : i32
    %add3A_69 = arith.constant 7680 : i32
    %add3A_70 = arith.addi %mul3A_4, %add3A_69 : i32
    %add3A_71 = arith.constant 7936 : i32
    %add3A_72 = arith.addi %mul3A_4, %add3A_71 : i32
    %add3A_73 = arith.constant 8192 : i32
    %add3A_74 = arith.addi %mul3A_4, %add3A_73 : i32
    %add3A_75 = arith.constant 8448 : i32
    %add3A_76 = arith.addi %mul3A_4, %add3A_75 : i32
    %add3A_77 = arith.constant 8704 : i32
    %add3A_78 = arith.addi %mul3A_4, %add3A_77 : i32
    %add3A_79 = arith.constant 8960 : i32
    %add3A_80 = arith.addi %mul3A_4, %add3A_79 : i32
    %add3A_81 = arith.constant 9216 : i32
    %add3A_82 = arith.addi %mul3A_4, %add3A_81 : i32
    %add3A_83 = arith.constant 9472 : i32
    %add3A_84 = arith.addi %mul3A_4, %add3A_83 : i32
    %add3A_85 = arith.constant 9728 : i32
    %add3A_86 = arith.addi %mul3A_4, %add3A_85 : i32
    %add3A_87 = arith.constant 9984 : i32
    %add3A_88 = arith.addi %mul3A_4, %add3A_87 : i32
    %dma_start3A = arith.constant 0 : i32
    %dma_start3A_89 = tpu.memref_slice %arg7[%dma_start3A] : memref<512xi32, #tpu.memory_space<vmem>> -> memref<256xi32, #tpu.memory_space<vmem>>
    %dma_start3A_90 = arith.constant 0 : i32
    %dma_start3A_91 = arith.constant 0 : i32
    %dma_start3A_92 = tpu.memref_slice %arg4[%dma_start3A_90, %dma_start3A_91] : memref<1000000x64xf32, #tpu.memory_space<hbm>> -> memref<1000000x64xf32, #tpu.memory_space<hbm>>
    tpu.enqueue_indirect_dma source(%dma_start3A_92 : memref<1000000x64xf32, #tpu.memory_space<hbm>>) target(%arg9 : memref<256x64xf32, #tpu.memory_space<vmem>>) offsets(%dma_start3A_89 : memref<256xi32, #tpu.memory_space<vmem>>) semaphore(%arg15 : memref<!tpu.dma_semaphore, #tpu.memory_space<semaphore_mem>>)
    %dma_start3A_93 = arith.constant 256 : i32
    %dma_start3A_94 = tpu.memref_slice %arg7[%dma_start3A_93] : memref<512xi32, #tpu.memory_space<vmem>> -> memref<256xi32, #tpu.memory_space<vmem>>
    %dma_start3A_95 = arith.constant 0 : i32
    %dma_start3A_96 = arith.constant 0 : i32
    %dma_start3A_97 = tpu.memref_slice %arg4[%dma_start3A_95, %dma_start3A_96] : memref<1000000x64xf32, #tpu.memory_space<hbm>> -> memref<1000000x64xf32, #tpu.memory_space<hbm>>
    tpu.enqueue_indirect_dma source(%dma_start3A_97 : memref<1000000x64xf32, #tpu.memory_space<hbm>>) target(%arg10 : memref<256x64xf32, #tpu.memory_space<vmem>>) offsets(%dma_start3A_94 : memref<256xi32, #tpu.memory_space<vmem>>) semaphore(%arg16 : memref<!tpu.dma_semaphore, #tpu.memory_space<semaphore_mem>>)
    %dma_start3A_98 = arith.constant 0 : i32
    %dma_start3A_99 = tpu.memref_slice %arg8[%dma_start3A_98] : memref<10240xi32, #tpu.memory_space<vmem>> -> memref<256xi32, #tpu.memory_space<vmem>>
    %dma_start3A_100 = arith.constant 0 : i32
    %dma_start3A_101 = arith.constant 0 : i32
    %dma_start3A_102 = tpu.memref_slice %arg4[%dma_start3A_100, %dma_start3A_101] : memref<1000000x64xf32, #tpu.memory_space<hbm>> -> memref<1000000x64xf32, #tpu.memory_space<hbm>>
    tpu.enqueue_indirect_dma source(%dma_start3A_102 : memref<1000000x64xf32, #tpu.memory_space<hbm>>) target(%arg11 : memref<256x64xf32, #tpu.memory_space<vmem>>) offsets(%dma_start3A_99 : memref<256xi32, #tpu.memory_space<vmem>>) semaphore(%arg17 : memref<!tpu.dma_semaphore, #tpu.memory_space<semaphore_mem>>)
    %dma_start3A_103 = arith.constant 256 : i32
    %dma_start3A_104 = tpu.memref_slice %arg8[%dma_start3A_103] : memref<10240xi32, #tpu.memory_space<vmem>> -> memref<256xi32, #tpu.memory_space<vmem>>
    %dma_start3A_105 = arith.constant 0 : i32
    %dma_start3A_106 = arith.constant 0 : i32
    %dma_start3A_107 = tpu.memref_slice %arg4[%dma_start3A_105, %dma_start3A_106] : memref<1000000x64xf32, #tpu.memory_space<hbm>> -> memref<1000000x64xf32, #tpu.memory_space<hbm>>
    tpu.enqueue_indirect_dma source(%dma_start3A_107 : memref<1000000x64xf32, #tpu.memory_space<hbm>>) target(%arg12 : memref<256x64xf32, #tpu.memory_space<vmem>>) offsets(%dma_start3A_104 : memref<256xi32, #tpu.memory_space<vmem>>) semaphore(%arg18 : memref<!tpu.dma_semaphore, #tpu.memory_space<semaphore_mem>>)
    %dma_wait3A = arith.constant 0 : i32
    %dma_wait3A_108 = tpu.memref_slice %arg7[%dma_wait3A] : memref<512xi32, #tpu.memory_space<vmem>> -> memref<256xi32, #tpu.memory_space<vmem>>
    %dma_wait3A_109 = arith.constant 0 : i32
    %dma_wait3A_110 = arith.constant 0 : i32
    %dma_wait3A_111 = tpu.memref_slice %arg4[%dma_wait3A_109, %dma_wait3A_110] : memref<1000000x64xf32, #tpu.memory_space<hbm>> -> memref<1000000x64xf32, #tpu.memory_space<hbm>>
    tpu.wait_indirect_dma semaphore(%arg15 : memref<!tpu.dma_semaphore, #tpu.memory_space<semaphore_mem>>) src(%dma_wait3A_111 : memref<1000000x64xf32, #tpu.memory_space<hbm>>) dst(%arg9 : memref<256x64xf32, #tpu.memory_space<vmem>>)
    %dma_start3A_112 = arith.constant 0 : i32
    %dma_start3A_113 = tpu.memref_slice %arg5[%add3A_6, %dma_start3A_112] : memref<16384x64xf32, #tpu.memory_space<hbm>> -> memref<256x64xf32, #tpu.memory_space<hbm>>
    %dma_start3A_114 = arith.constant 0 : i32
    %dma_start3A_115 = tpu.memref_slice %arg5[%add3A_6, %dma_start3A_114] : memref<16384x64xf32, #tpu.memory_space<hbm>> -> memref<256x64xf32, #tpu.memory_space<hbm>>
    tpu.enqueue_dma source(%arg9 : memref<256x64xf32, #tpu.memory_space<vmem>>) target(%dma_start3A_115 : memref<256x64xf32, #tpu.memory_space<hbm>>) target_semaphore(%arg21 : memref<!tpu.dma_semaphore, #tpu.memory_space<semaphore_mem>>)
    %dma_start3A_116 = arith.constant 512 : i32
    %dma_start3A_117 = tpu.memref_slice %arg8[%dma_start3A_116] : memref<10240xi32, #tpu.memory_space<vmem>> -> memref<256xi32, #tpu.memory_space<vmem>>
    %dma_start3A_118 = arith.constant 0 : i32
    %dma_start3A_119 = arith.constant 0 : i32
    %dma_start3A_120 = tpu.memref_slice %arg4[%dma_start3A_118, %dma_start3A_119] : memref<1000000x64xf32, #tpu.memory_space<hbm>> -> memref<1000000x64xf32, #tpu.memory_space<hbm>>
    tpu.enqueue_indirect_dma source(%dma_start3A_120 : memref<1000000x64xf32, #tpu.memory_space<hbm>>) target(%arg13 : memref<256x64xf32, #tpu.memory_space<vmem>>) offsets(%dma_start3A_117 : memref<256xi32, #tpu.memory_space<vmem>>) semaphore(%arg19 : memref<!tpu.dma_semaphore, #tpu.memory_space<semaphore_mem>>)
    %dma_wait3A_121 = arith.constant 256 : i32
    %dma_wait3A_122 = tpu.memref_slice %arg7[%dma_wait3A_121] : memref<512xi32, #tpu.memory_space<vmem>> -> memref<256xi32, #tpu.memory_space<vmem>>
    %dma_wait3A_123 = arith.constant 0 : i32
    %dma_wait3A_124 = arith.constant 0 : i32
    %dma_wait3A_125 = tpu.memref_slice %arg4[%dma_wait3A_123, %dma_wait3A_124] : memref<1000000x64xf32, #tpu.memory_space<hbm>> -> memref<1000000x64xf32, #tpu.memory_space<hbm>>
    tpu.wait_indirect_dma semaphore(%arg16 : memref<!tpu.dma_semaphore, #tpu.memory_space<semaphore_mem>>) src(%dma_wait3A_125 : memref<1000000x64xf32, #tpu.memory_space<hbm>>) dst(%arg10 : memref<256x64xf32, #tpu.memory_space<vmem>>)
    %dma_start3A_126 = arith.constant 0 : i32
    %dma_start3A_127 = tpu.memref_slice %arg5[%add3A_8, %dma_start3A_126] : memref<16384x64xf32, #tpu.memory_space<hbm>> -> memref<256x64xf32, #tpu.memory_space<hbm>>
    %dma_start3A_128 = arith.constant 0 : i32
    %dma_start3A_129 = tpu.memref_slice %arg5[%add3A_8, %dma_start3A_128] : memref<16384x64xf32, #tpu.memory_space<hbm>> -> memref<256x64xf32, #tpu.memory_space<hbm>>
    tpu.enqueue_dma source(%arg10 : memref<256x64xf32, #tpu.memory_space<vmem>>) target(%dma_start3A_129 : memref<256x64xf32, #tpu.memory_space<hbm>>) target_semaphore(%arg22 : memref<!tpu.dma_semaphore, #tpu.memory_space<semaphore_mem>>)
    %dma_start3A_130 = arith.constant 768 : i32
    %dma_start3A_131 = tpu.memref_slice %arg8[%dma_start3A_130] : memref<10240xi32, #tpu.memory_space<vmem>> -> memref<256xi32, #tpu.memory_space<vmem>>
    %dma_start3A_132 = arith.constant 0 : i32
    %dma_start3A_133 = arith.constant 0 : i32
    %dma_start3A_134 = tpu.memref_slice %arg4[%dma_start3A_132, %dma_start3A_133] : memref<1000000x64xf32, #tpu.memory_space<hbm>> -> memref<1000000x64xf32, #tpu.memory_space<hbm>>
    tpu.enqueue_indirect_dma source(%dma_start3A_134 : memref<1000000x64xf32, #tpu.memory_space<hbm>>) target(%arg14 : memref<256x64xf32, #tpu.memory_space<vmem>>) offsets(%dma_start3A_131 : memref<256xi32, #tpu.memory_space<vmem>>) semaphore(%arg20 : memref<!tpu.dma_semaphore, #tpu.memory_space<semaphore_mem>>)
    %dma_wait3A_135 = arith.constant 0 : i32
    %dma_wait3A_136 = tpu.memref_slice %arg8[%dma_wait3A_135] : memref<10240xi32, #tpu.memory_space<vmem>> -> memref<256xi32, #tpu.memory_space<vmem>>
    %dma_wait3A_137 = arith.constant 0 : i32
    %dma_wait3A_138 = arith.constant 0 : i32
    %dma_wait3A_139 = tpu.memref_slice %arg4[%dma_wait3A_137, %dma_wait3A_138] : memref<1000000x64xf32, #tpu.memory_space<hbm>> -> memref<1000000x64xf32, #tpu.memory_space<hbm>>
    tpu.wait_indirect_dma semaphore(%arg17 : memref<!tpu.dma_semaphore, #tpu.memory_space<semaphore_mem>>) src(%dma_wait3A_139 : memref<1000000x64xf32, #tpu.memory_space<hbm>>) dst(%arg11 : memref<256x64xf32, #tpu.memory_space<vmem>>)
    %dma_start3A_140 = arith.constant 0 : i32
    %dma_start3A_141 = tpu.memref_slice %arg6[%add3A_10, %dma_start3A_140] : memref<327680x64xf32, #tpu.memory_space<hbm>> -> memref<256x64xf32, #tpu.memory_space<hbm>>
    %dma_start3A_142 = arith.constant 0 : i32
    %dma_start3A_143 = tpu.memref_slice %arg6[%add3A_10, %dma_start3A_142] : memref<327680x64xf32, #tpu.memory_space<hbm>> -> memref<256x64xf32, #tpu.memory_space<hbm>>
    tpu.enqueue_dma source(%arg11 : memref<256x64xf32, #tpu.memory_space<vmem>>) target(%dma_start3A_143 : memref<256x64xf32, #tpu.memory_space<hbm>>) target_semaphore(%arg23 : memref<!tpu.dma_semaphore, #tpu.memory_space<semaphore_mem>>)
    %dma_wait3A_144 = arith.constant 0 : i32
    %dma_wait3A_145 = tpu.memref_slice %arg5[%add3A_6, %dma_wait3A_144] : memref<16384x64xf32, #tpu.memory_space<hbm>> -> memref<256x64xf32, #tpu.memory_space<hbm>>
    %dma_wait3A_146 = arith.constant 0 : i32
    %dma_wait3A_147 = tpu.memref_slice %arg5[%add3A_6, %dma_wait3A_146] : memref<16384x64xf32, #tpu.memory_space<hbm>> -> memref<256x64xf32, #tpu.memory_space<hbm>>
    tpu.wait_dma2 semaphore(%arg21 : memref<!tpu.dma_semaphore, #tpu.memory_space<semaphore_mem>>) src(%arg9 : memref<256x64xf32, #tpu.memory_space<vmem>>) dst(%dma_wait3A_147 : memref<256x64xf32, #tpu.memory_space<hbm>>)
    %dma_start3A_148 = arith.constant 1024 : i32
    %dma_start3A_149 = tpu.memref_slice %arg8[%dma_start3A_148] : memref<10240xi32, #tpu.memory_space<vmem>> -> memref<256xi32, #tpu.memory_space<vmem>>
    %dma_start3A_150 = arith.constant 0 : i32
    %dma_start3A_151 = arith.constant 0 : i32
    %dma_start3A_152 = tpu.memref_slice %arg4[%dma_start3A_150, %dma_start3A_151] : memref<1000000x64xf32, #tpu.memory_space<hbm>> -> memref<1000000x64xf32, #tpu.memory_space<hbm>>
    tpu.enqueue_indirect_dma source(%dma_start3A_152 : memref<1000000x64xf32, #tpu.memory_space<hbm>>) target(%arg9 : memref<256x64xf32, #tpu.memory_space<vmem>>) offsets(%dma_start3A_149 : memref<256xi32, #tpu.memory_space<vmem>>) semaphore(%arg15 : memref<!tpu.dma_semaphore, #tpu.memory_space<semaphore_mem>>)
    %dma_wait3A_153 = arith.constant 256 : i32
    %dma_wait3A_154 = tpu.memref_slice %arg8[%dma_wait3A_153] : memref<10240xi32, #tpu.memory_space<vmem>> -> memref<256xi32, #tpu.memory_space<vmem>>
    %dma_wait3A_155 = arith.constant 0 : i32
    %dma_wait3A_156 = arith.constant 0 : i32
    %dma_wait3A_157 = tpu.memref_slice %arg4[%dma_wait3A_155, %dma_wait3A_156] : memref<1000000x64xf32, #tpu.memory_space<hbm>> -> memref<1000000x64xf32, #tpu.memory_space<hbm>>
    tpu.wait_indirect_dma semaphore(%arg18 : memref<!tpu.dma_semaphore, #tpu.memory_space<semaphore_mem>>) src(%dma_wait3A_157 : memref<1000000x64xf32, #tpu.memory_space<hbm>>) dst(%arg12 : memref<256x64xf32, #tpu.memory_space<vmem>>)
    %dma_start3A_158 = arith.constant 0 : i32
    %dma_start3A_159 = tpu.memref_slice %arg6[%add3A_12, %dma_start3A_158] : memref<327680x64xf32, #tpu.memory_space<hbm>> -> memref<256x64xf32, #tpu.memory_space<hbm>>
    %dma_start3A_160 = arith.constant 0 : i32
    %dma_start3A_161 = tpu.memref_slice %arg6[%add3A_12, %dma_start3A_160] : memref<327680x64xf32, #tpu.memory_space<hbm>> -> memref<256x64xf32, #tpu.memory_space<hbm>>
    tpu.enqueue_dma source(%arg12 : memref<256x64xf32, #tpu.memory_space<vmem>>) target(%dma_start3A_161 : memref<256x64xf32, #tpu.memory_space<hbm>>) target_semaphore(%arg24 : memref<!tpu.dma_semaphore, #tpu.memory_space<semaphore_mem>>)
    %dma_wait3A_162 = arith.constant 0 : i32
    %dma_wait3A_163 = tpu.memref_slice %arg5[%add3A_8, %dma_wait3A_162] : memref<16384x64xf32, #tpu.memory_space<hbm>> -> memref<256x64xf32, #tpu.memory_space<hbm>>
    %dma_wait3A_164 = arith.constant 0 : i32
    %dma_wait3A_165 = tpu.memref_slice %arg5[%add3A_8, %dma_wait3A_164] : memref<16384x64xf32, #tpu.memory_space<hbm>> -> memref<256x64xf32, #tpu.memory_space<hbm>>
    tpu.wait_dma2 semaphore(%arg22 : memref<!tpu.dma_semaphore, #tpu.memory_space<semaphore_mem>>) src(%arg10 : memref<256x64xf32, #tpu.memory_space<vmem>>) dst(%dma_wait3A_165 : memref<256x64xf32, #tpu.memory_space<hbm>>)
    %dma_start3A_166 = arith.constant 1280 : i32
    %dma_start3A_167 = tpu.memref_slice %arg8[%dma_start3A_166] : memref<10240xi32, #tpu.memory_space<vmem>> -> memref<256xi32, #tpu.memory_space<vmem>>
    %dma_start3A_168 = arith.constant 0 : i32
    %dma_start3A_169 = arith.constant 0 : i32
    %dma_start3A_170 = tpu.memref_slice %arg4[%dma_start3A_168, %dma_start3A_169] : memref<1000000x64xf32, #tpu.memory_space<hbm>> -> memref<1000000x64xf32, #tpu.memory_space<hbm>>
    tpu.enqueue_indirect_dma source(%dma_start3A_170 : memref<1000000x64xf32, #tpu.memory_space<hbm>>) target(%arg10 : memref<256x64xf32, #tpu.memory_space<vmem>>) offsets(%dma_start3A_167 : memref<256xi32, #tpu.memory_space<vmem>>) semaphore(%arg16 : memref<!tpu.dma_semaphore, #tpu.memory_space<semaphore_mem>>)
    %dma_wait3A_171 = arith.constant 512 : i32
    %dma_wait3A_172 = tpu.memref_slice %arg8[%dma_wait3A_171] : memref<10240xi32, #tpu.memory_space<vmem>> -> memref<256xi32, #tpu.memory_space<vmem>>
    %dma_wait3A_173 = arith.constant 0 : i32
    %dma_wait3A_174 = arith.constant 0 : i32
    %dma_wait3A_175 = tpu.memref_slice %arg4[%dma_wait3A_173, %dma_wait3A_174] : memref<1000000x64xf32, #tpu.memory_space<hbm>> -> memref<1000000x64xf32, #tpu.memory_space<hbm>>
    tpu.wait_indirect_dma semaphore(%arg19 : memref<!tpu.dma_semaphore, #tpu.memory_space<semaphore_mem>>) src(%dma_wait3A_175 : memref<1000000x64xf32, #tpu.memory_space<hbm>>) dst(%arg13 : memref<256x64xf32, #tpu.memory_space<vmem>>)
    %dma_start3A_176 = arith.constant 0 : i32
    %dma_start3A_177 = tpu.memref_slice %arg6[%add3A_14, %dma_start3A_176] : memref<327680x64xf32, #tpu.memory_space<hbm>> -> memref<256x64xf32, #tpu.memory_space<hbm>>
    %dma_start3A_178 = arith.constant 0 : i32
    %dma_start3A_179 = tpu.memref_slice %arg6[%add3A_14, %dma_start3A_178] : memref<327680x64xf32, #tpu.memory_space<hbm>> -> memref<256x64xf32, #tpu.memory_space<hbm>>
    tpu.enqueue_dma source(%arg13 : memref<256x64xf32, #tpu.memory_space<vmem>>) target(%dma_start3A_179 : memref<256x64xf32, #tpu.memory_space<hbm>>) target_semaphore(%arg25 : memref<!tpu.dma_semaphore, #tpu.memory_space<semaphore_mem>>)
    %dma_wait3A_180 = arith.constant 0 : i32
    %dma_wait3A_181 = tpu.memref_slice %arg6[%add3A_10, %dma_wait3A_180] : memref<327680x64xf32, #tpu.memory_space<hbm>> -> memref<256x64xf32, #tpu.memory_space<hbm>>
    %dma_wait3A_182 = arith.constant 0 : i32
    %dma_wait3A_183 = tpu.memref_slice %arg6[%add3A_10, %dma_wait3A_182] : memref<327680x64xf32, #tpu.memory_space<hbm>> -> memref<256x64xf32, #tpu.memory_space<hbm>>
    tpu.wait_dma2 semaphore(%arg23 : memref<!tpu.dma_semaphore, #tpu.memory_space<semaphore_mem>>) src(%arg11 : memref<256x64xf32, #tpu.memory_space<vmem>>) dst(%dma_wait3A_183 : memref<256x64xf32, #tpu.memory_space<hbm>>)
    %dma_start3A_184 = arith.constant 1536 : i32
    %dma_start3A_185 = tpu.memref_slice %arg8[%dma_start3A_184] : memref<10240xi32, #tpu.memory_space<vmem>> -> memref<256xi32, #tpu.memory_space<vmem>>
    %dma_start3A_186 = arith.constant 0 : i32
    %dma_start3A_187 = arith.constant 0 : i32
    %dma_start3A_188 = tpu.memref_slice %arg4[%dma_start3A_186, %dma_start3A_187] : memref<1000000x64xf32, #tpu.memory_space<hbm>> -> memref<1000000x64xf32, #tpu.memory_space<hbm>>
    tpu.enqueue_indirect_dma source(%dma_start3A_188 : memref<1000000x64xf32, #tpu.memory_space<hbm>>) target(%arg11 : memref<256x64xf32, #tpu.memory_space<vmem>>) offsets(%dma_start3A_185 : memref<256xi32, #tpu.memory_space<vmem>>) semaphore(%arg17 : memref<!tpu.dma_semaphore, #tpu.memory_space<semaphore_mem>>)
    %dma_wait3A_189 = arith.constant 768 : i32
    %dma_wait3A_190 = tpu.memref_slice %arg8[%dma_wait3A_189] : memref<10240xi32, #tpu.memory_space<vmem>> -> memref<256xi32, #tpu.memory_space<vmem>>
    %dma_wait3A_191 = arith.constant 0 : i32
    %dma_wait3A_192 = arith.constant 0 : i32
    %dma_wait3A_193 = tpu.memref_slice %arg4[%dma_wait3A_191, %dma_wait3A_192] : memref<1000000x64xf32, #tpu.memory_space<hbm>> -> memref<1000000x64xf32, #tpu.memory_space<hbm>>
    tpu.wait_indirect_dma semaphore(%arg20 : memref<!tpu.dma_semaphore, #tpu.memory_space<semaphore_mem>>) src(%dma_wait3A_193 : memref<1000000x64xf32, #tpu.memory_space<hbm>>) dst(%arg14 : memref<256x64xf32, #tpu.memory_space<vmem>>)
    %dma_start3A_194 = arith.constant 0 : i32
    %dma_start3A_195 = tpu.memref_slice %arg6[%add3A_16, %dma_start3A_194] : memref<327680x64xf32, #tpu.memory_space<hbm>> -> memref<256x64xf32, #tpu.memory_space<hbm>>
    %dma_start3A_196 = arith.constant 0 : i32
    %dma_start3A_197 = tpu.memref_slice %arg6[%add3A_16, %dma_start3A_196] : memref<327680x64xf32, #tpu.memory_space<hbm>> -> memref<256x64xf32, #tpu.memory_space<hbm>>
    tpu.enqueue_dma source(%arg14 : memref<256x64xf32, #tpu.memory_space<vmem>>) target(%dma_start3A_197 : memref<256x64xf32, #tpu.memory_space<hbm>>) target_semaphore(%arg26 : memref<!tpu.dma_semaphore, #tpu.memory_space<semaphore_mem>>)
    %dma_wait3A_198 = arith.constant 0 : i32
    %dma_wait3A_199 = tpu.memref_slice %arg6[%add3A_12, %dma_wait3A_198] : memref<327680x64xf32, #tpu.memory_space<hbm>> -> memref<256x64xf32, #tpu.memory_space<hbm>>
    %dma_wait3A_200 = arith.constant 0 : i32
    %dma_wait3A_201 = tpu.memref_slice %arg6[%add3A_12, %dma_wait3A_200] : memref<327680x64xf32, #tpu.memory_space<hbm>> -> memref<256x64xf32, #tpu.memory_space<hbm>>
    tpu.wait_dma2 semaphore(%arg24 : memref<!tpu.dma_semaphore, #tpu.memory_space<semaphore_mem>>) src(%arg12 : memref<256x64xf32, #tpu.memory_space<vmem>>) dst(%dma_wait3A_201 : memref<256x64xf32, #tpu.memory_space<hbm>>)
    %dma_start3A_202 = arith.constant 1792 : i32
    %dma_start3A_203 = tpu.memref_slice %arg8[%dma_start3A_202] : memref<10240xi32, #tpu.memory_space<vmem>> -> memref<256xi32, #tpu.memory_space<vmem>>
    %dma_start3A_204 = arith.constant 0 : i32
    %dma_start3A_205 = arith.constant 0 : i32
    %dma_start3A_206 = tpu.memref_slice %arg4[%dma_start3A_204, %dma_start3A_205] : memref<1000000x64xf32, #tpu.memory_space<hbm>> -> memref<1000000x64xf32, #tpu.memory_space<hbm>>
    tpu.enqueue_indirect_dma source(%dma_start3A_206 : memref<1000000x64xf32, #tpu.memory_space<hbm>>) target(%arg12 : memref<256x64xf32, #tpu.memory_space<vmem>>) offsets(%dma_start3A_203 : memref<256xi32, #tpu.memory_space<vmem>>) semaphore(%arg18 : memref<!tpu.dma_semaphore, #tpu.memory_space<semaphore_mem>>)
    %dma_wait3A_207 = arith.constant 1024 : i32
    %dma_wait3A_208 = tpu.memref_slice %arg8[%dma_wait3A_207] : memref<10240xi32, #tpu.memory_space<vmem>> -> memref<256xi32, #tpu.memory_space<vmem>>
    %dma_wait3A_209 = arith.constant 0 : i32
    %dma_wait3A_210 = arith.constant 0 : i32
    %dma_wait3A_211 = tpu.memref_slice %arg4[%dma_wait3A_209, %dma_wait3A_210] : memref<1000000x64xf32, #tpu.memory_space<hbm>> -> memref<1000000x64xf32, #tpu.memory_space<hbm>>
    tpu.wait_indirect_dma semaphore(%arg15 : memref<!tpu.dma_semaphore, #tpu.memory_space<semaphore_mem>>) src(%dma_wait3A_211 : memref<1000000x64xf32, #tpu.memory_space<hbm>>) dst(%arg9 : memref<256x64xf32, #tpu.memory_space<vmem>>)
    %dma_start3A_212 = arith.constant 0 : i32
    %dma_start3A_213 = tpu.memref_slice %arg6[%add3A_18, %dma_start3A_212] : memref<327680x64xf32, #tpu.memory_space<hbm>> -> memref<256x64xf32, #tpu.memory_space<hbm>>
    %dma_start3A_214 = arith.constant 0 : i32
    %dma_start3A_215 = tpu.memref_slice %arg6[%add3A_18, %dma_start3A_214] : memref<327680x64xf32, #tpu.memory_space<hbm>> -> memref<256x64xf32, #tpu.memory_space<hbm>>
    tpu.enqueue_dma source(%arg9 : memref<256x64xf32, #tpu.memory_space<vmem>>) target(%dma_start3A_215 : memref<256x64xf32, #tpu.memory_space<hbm>>) target_semaphore(%arg21 : memref<!tpu.dma_semaphore, #tpu.memory_space<semaphore_mem>>)
    %dma_wait3A_216 = arith.constant 0 : i32
    %dma_wait3A_217 = tpu.memref_slice %arg6[%add3A_14, %dma_wait3A_216] : memref<327680x64xf32, #tpu.memory_space<hbm>> -> memref<256x64xf32, #tpu.memory_space<hbm>>
    %dma_wait3A_218 = arith.constant 0 : i32
    %dma_wait3A_219 = tpu.memref_slice %arg6[%add3A_14, %dma_wait3A_218] : memref<327680x64xf32, #tpu.memory_space<hbm>> -> memref<256x64xf32, #tpu.memory_space<hbm>>
    tpu.wait_dma2 semaphore(%arg25 : memref<!tpu.dma_semaphore, #tpu.memory_space<semaphore_mem>>) src(%arg13 : memref<256x64xf32, #tpu.memory_space<vmem>>) dst(%dma_wait3A_219 : memref<256x64xf32, #tpu.memory_space<hbm>>)
    %dma_start3A_220 = arith.constant 2048 : i32
    %dma_start3A_221 = tpu.memref_slice %arg8[%dma_start3A_220] : memref<10240xi32, #tpu.memory_space<vmem>> -> memref<256xi32, #tpu.memory_space<vmem>>
    %dma_start3A_222 = arith.constant 0 : i32
    %dma_start3A_223 = arith.constant 0 : i32
    %dma_start3A_224 = tpu.memref_slice %arg4[%dma_start3A_222, %dma_start3A_223] : memref<1000000x64xf32, #tpu.memory_space<hbm>> -> memref<1000000x64xf32, #tpu.memory_space<hbm>>
    tpu.enqueue_indirect_dma source(%dma_start3A_224 : memref<1000000x64xf32, #tpu.memory_space<hbm>>) target(%arg13 : memref<256x64xf32, #tpu.memory_space<vmem>>) offsets(%dma_start3A_221 : memref<256xi32, #tpu.memory_space<vmem>>) semaphore(%arg19 : memref<!tpu.dma_semaphore, #tpu.memory_space<semaphore_mem>>)
    %dma_wait3A_225 = arith.constant 1280 : i32
    %dma_wait3A_226 = tpu.memref_slice %arg8[%dma_wait3A_225] : memref<10240xi32, #tpu.memory_space<vmem>> -> memref<256xi32, #tpu.memory_space<vmem>>
    %dma_wait3A_227 = arith.constant 0 : i32
    %dma_wait3A_228 = arith.constant 0 : i32
    %dma_wait3A_229 = tpu.memref_slice %arg4[%dma_wait3A_227, %dma_wait3A_228] : memref<1000000x64xf32, #tpu.memory_space<hbm>> -> memref<1000000x64xf32, #tpu.memory_space<hbm>>
    tpu.wait_indirect_dma semaphore(%arg16 : memref<!tpu.dma_semaphore, #tpu.memory_space<semaphore_mem>>) src(%dma_wait3A_229 : memref<1000000x64xf32, #tpu.memory_space<hbm>>) dst(%arg10 : memref<256x64xf32, #tpu.memory_space<vmem>>)
    %dma_start3A_230 = arith.constant 0 : i32
    %dma_start3A_231 = tpu.memref_slice %arg6[%add3A_20, %dma_start3A_230] : memref<327680x64xf32, #tpu.memory_space<hbm>> -> memref<256x64xf32, #tpu.memory_space<hbm>>
    %dma_start3A_232 = arith.constant 0 : i32
    %dma_start3A_233 = tpu.memref_slice %arg6[%add3A_20, %dma_start3A_232] : memref<327680x64xf32, #tpu.memory_space<hbm>> -> memref<256x64xf32, #tpu.memory_space<hbm>>
    tpu.enqueue_dma source(%arg10 : memref<256x64xf32, #tpu.memory_space<vmem>>) target(%dma_start3A_233 : memref<256x64xf32, #tpu.memory_space<hbm>>) target_semaphore(%arg22 : memref<!tpu.dma_semaphore, #tpu.memory_space<semaphore_mem>>)
    %dma_wait3A_234 = arith.constant 0 : i32
    %dma_wait3A_235 = tpu.memref_slice %arg6[%add3A_16, %dma_wait3A_234] : memref<327680x64xf32, #tpu.memory_space<hbm>> -> memref<256x64xf32, #tpu.memory_space<hbm>>
    %dma_wait3A_236 = arith.constant 0 : i32
    %dma_wait3A_237 = tpu.memref_slice %arg6[%add3A_16, %dma_wait3A_236] : memref<327680x64xf32, #tpu.memory_space<hbm>> -> memref<256x64xf32, #tpu.memory_space<hbm>>
    tpu.wait_dma2 semaphore(%arg26 : memref<!tpu.dma_semaphore, #tpu.memory_space<semaphore_mem>>) src(%arg14 : memref<256x64xf32, #tpu.memory_space<vmem>>) dst(%dma_wait3A_237 : memref<256x64xf32, #tpu.memory_space<hbm>>)
    %dma_start3A_238 = arith.constant 2304 : i32
    %dma_start3A_239 = tpu.memref_slice %arg8[%dma_start3A_238] : memref<10240xi32, #tpu.memory_space<vmem>> -> memref<256xi32, #tpu.memory_space<vmem>>
    %dma_start3A_240 = arith.constant 0 : i32
    %dma_start3A_241 = arith.constant 0 : i32
    %dma_start3A_242 = tpu.memref_slice %arg4[%dma_start3A_240, %dma_start3A_241] : memref<1000000x64xf32, #tpu.memory_space<hbm>> -> memref<1000000x64xf32, #tpu.memory_space<hbm>>
    tpu.enqueue_indirect_dma source(%dma_start3A_242 : memref<1000000x64xf32, #tpu.memory_space<hbm>>) target(%arg14 : memref<256x64xf32, #tpu.memory_space<vmem>>) offsets(%dma_start3A_239 : memref<256xi32, #tpu.memory_space<vmem>>) semaphore(%arg20 : memref<!tpu.dma_semaphore, #tpu.memory_space<semaphore_mem>>)
    %dma_wait3A_243 = arith.constant 1536 : i32
    %dma_wait3A_244 = tpu.memref_slice %arg8[%dma_wait3A_243] : memref<10240xi32, #tpu.memory_space<vmem>> -> memref<256xi32, #tpu.memory_space<vmem>>
    %dma_wait3A_245 = arith.constant 0 : i32
    %dma_wait3A_246 = arith.constant 0 : i32
    %dma_wait3A_247 = tpu.memref_slice %arg4[%dma_wait3A_245, %dma_wait3A_246] : memref<1000000x64xf32, #tpu.memory_space<hbm>> -> memref<1000000x64xf32, #tpu.memory_space<hbm>>
    tpu.wait_indirect_dma semaphore(%arg17 : memref<!tpu.dma_semaphore, #tpu.memory_space<semaphore_mem>>) src(%dma_wait3A_247 : memref<1000000x64xf32, #tpu.memory_space<hbm>>) dst(%arg11 : memref<256x64xf32, #tpu.memory_space<vmem>>)
    %dma_start3A_248 = arith.constant 0 : i32
    %dma_start3A_249 = tpu.memref_slice %arg6[%add3A_22, %dma_start3A_248] : memref<327680x64xf32, #tpu.memory_space<hbm>> -> memref<256x64xf32, #tpu.memory_space<hbm>>
    %dma_start3A_250 = arith.constant 0 : i32
    %dma_start3A_251 = tpu.memref_slice %arg6[%add3A_22, %dma_start3A_250] : memref<327680x64xf32, #tpu.memory_space<hbm>> -> memref<256x64xf32, #tpu.memory_space<hbm>>
    tpu.enqueue_dma source(%arg11 : memref<256x64xf32, #tpu.memory_space<vmem>>) target(%dma_start3A_251 : memref<256x64xf32, #tpu.memory_space<hbm>>) target_semaphore(%arg23 : memref<!tpu.dma_semaphore, #tpu.memory_space<semaphore_mem>>)
    %dma_wait3A_252 = arith.constant 0 : i32
    %dma_wait3A_253 = tpu.memref_slice %arg6[%add3A_18, %dma_wait3A_252] : memref<327680x64xf32, #tpu.memory_space<hbm>> -> memref<256x64xf32, #tpu.memory_space<hbm>>
    %dma_wait3A_254 = arith.constant 0 : i32
    %dma_wait3A_255 = tpu.memref_slice %arg6[%add3A_18, %dma_wait3A_254] : memref<327680x64xf32, #tpu.memory_space<hbm>> -> memref<256x64xf32, #tpu.memory_space<hbm>>
    tpu.wait_dma2 semaphore(%arg21 : memref<!tpu.dma_semaphore, #tpu.memory_space<semaphore_mem>>) src(%arg9 : memref<256x64xf32, #tpu.memory_space<vmem>>) dst(%dma_wait3A_255 : memref<256x64xf32, #tpu.memory_space<hbm>>)
    %dma_start3A_256 = arith.constant 2560 : i32
    %dma_start3A_257 = tpu.memref_slice %arg8[%dma_start3A_256] : memref<10240xi32, #tpu.memory_space<vmem>> -> memref<256xi32, #tpu.memory_space<vmem>>
    %dma_start3A_258 = arith.constant 0 : i32
    %dma_start3A_259 = arith.constant 0 : i32
    %dma_start3A_260 = tpu.memref_slice %arg4[%dma_start3A_258, %dma_start3A_259] : memref<1000000x64xf32, #tpu.memory_space<hbm>> -> memref<1000000x64xf32, #tpu.memory_space<hbm>>
    tpu.enqueue_indirect_dma source(%dma_start3A_260 : memref<1000000x64xf32, #tpu.memory_space<hbm>>) target(%arg9 : memref<256x64xf32, #tpu.memory_space<vmem>>) offsets(%dma_start3A_257 : memref<256xi32, #tpu.memory_space<vmem>>) semaphore(%arg15 : memref<!tpu.dma_semaphore, #tpu.memory_space<semaphore_mem>>)
    %dma_wait3A_261 = arith.constant 1792 : i32
    %dma_wait3A_262 = tpu.memref_slice %arg8[%dma_wait3A_261] : memref<10240xi32, #tpu.memory_space<vmem>> -> memref<256xi32, #tpu.memory_space<vmem>>
    %dma_wait3A_263 = arith.constant 0 : i32
    %dma_wait3A_264 = arith.constant 0 : i32
    %dma_wait3A_265 = tpu.memref_slice %arg4[%dma_wait3A_263, %dma_wait3A_264] : memref<1000000x64xf32, #tpu.memory_space<hbm>> -> memref<1000000x64xf32, #tpu.memory_space<hbm>>
    tpu.wait_indirect_dma semaphore(%arg18 : memref<!tpu.dma_semaphore, #tpu.memory_space<semaphore_mem>>) src(%dma_wait3A_265 : memref<1000000x64xf32, #tpu.memory_space<hbm>>) dst(%arg12 : memref<256x64xf32, #tpu.memory_space<vmem>>)
    %dma_start3A_266 = arith.constant 0 : i32
    %dma_start3A_267 = tpu.memref_slice %arg6[%add3A_24, %dma_start3A_266] : memref<327680x64xf32, #tpu.memory_space<hbm>> -> memref<256x64xf32, #tpu.memory_space<hbm>>
    %dma_start3A_268 = arith.constant 0 : i32
    %dma_start3A_269 = tpu.memref_slice %arg6[%add3A_24, %dma_start3A_268] : memref<327680x64xf32, #tpu.memory_space<hbm>> -> memref<256x64xf32, #tpu.memory_space<hbm>>
    tpu.enqueue_dma source(%arg12 : memref<256x64xf32, #tpu.memory_space<vmem>>) target(%dma_start3A_269 : memref<256x64xf32, #tpu.memory_space<hbm>>) target_semaphore(%arg24 : memref<!tpu.dma_semaphore, #tpu.memory_space<semaphore_mem>>)
    %dma_wait3A_270 = arith.constant 0 : i32
    %dma_wait3A_271 = tpu.memref_slice %arg6[%add3A_20, %dma_wait3A_270] : memref<327680x64xf32, #tpu.memory_space<hbm>> -> memref<256x64xf32, #tpu.memory_space<hbm>>
    %dma_wait3A_272 = arith.constant 0 : i32
    %dma_wait3A_273 = tpu.memref_slice %arg6[%add3A_20, %dma_wait3A_272] : memref<327680x64xf32, #tpu.memory_space<hbm>> -> memref<256x64xf32, #tpu.memory_space<hbm>>
    tpu.wait_dma2 semaphore(%arg22 : memref<!tpu.dma_semaphore, #tpu.memory_space<semaphore_mem>>) src(%arg10 : memref<256x64xf32, #tpu.memory_space<vmem>>) dst(%dma_wait3A_273 : memref<256x64xf32, #tpu.memory_space<hbm>>)
    %dma_start3A_274 = arith.constant 2816 : i32
    %dma_start3A_275 = tpu.memref_slice %arg8[%dma_start3A_274] : memref<10240xi32, #tpu.memory_space<vmem>> -> memref<256xi32, #tpu.memory_space<vmem>>
    %dma_start3A_276 = arith.constant 0 : i32
    %dma_start3A_277 = arith.constant 0 : i32
    %dma_start3A_278 = tpu.memref_slice %arg4[%dma_start3A_276, %dma_start3A_277] : memref<1000000x64xf32, #tpu.memory_space<hbm>> -> memref<1000000x64xf32, #tpu.memory_space<hbm>>
    tpu.enqueue_indirect_dma source(%dma_start3A_278 : memref<1000000x64xf32, #tpu.memory_space<hbm>>) target(%arg10 : memref<256x64xf32, #tpu.memory_space<vmem>>) offsets(%dma_start3A_275 : memref<256xi32, #tpu.memory_space<vmem>>) semaphore(%arg16 : memref<!tpu.dma_semaphore, #tpu.memory_space<semaphore_mem>>)
    %dma_wait3A_279 = arith.constant 2048 : i32
    %dma_wait3A_280 = tpu.memref_slice %arg8[%dma_wait3A_279] : memref<10240xi32, #tpu.memory_space<vmem>> -> memref<256xi32, #tpu.memory_space<vmem>>
    %dma_wait3A_281 = arith.constant 0 : i32
    %dma_wait3A_282 = arith.constant 0 : i32
    %dma_wait3A_283 = tpu.memref_slice %arg4[%dma_wait3A_281, %dma_wait3A_282] : memref<1000000x64xf32, #tpu.memory_space<hbm>> -> memref<1000000x64xf32, #tpu.memory_space<hbm>>
    tpu.wait_indirect_dma semaphore(%arg19 : memref<!tpu.dma_semaphore, #tpu.memory_space<semaphore_mem>>) src(%dma_wait3A_283 : memref<1000000x64xf32, #tpu.memory_space<hbm>>) dst(%arg13 : memref<256x64xf32, #tpu.memory_space<vmem>>)
    %dma_start3A_284 = arith.constant 0 : i32
    %dma_start3A_285 = tpu.memref_slice %arg6[%add3A_26, %dma_start3A_284] : memref<327680x64xf32, #tpu.memory_space<hbm>> -> memref<256x64xf32, #tpu.memory_space<hbm>>
    %dma_start3A_286 = arith.constant 0 : i32
    %dma_start3A_287 = tpu.memref_slice %arg6[%add3A_26, %dma_start3A_286] : memref<327680x64xf32, #tpu.memory_space<hbm>> -> memref<256x64xf32, #tpu.memory_space<hbm>>
    tpu.enqueue_dma source(%arg13 : memref<256x64xf32, #tpu.memory_space<vmem>>) target(%dma_start3A_287 : memref<256x64xf32, #tpu.memory_space<hbm>>) target_semaphore(%arg25 : memref<!tpu.dma_semaphore, #tpu.memory_space<semaphore_mem>>)
    %dma_wait3A_288 = arith.constant 0 : i32
    %dma_wait3A_289 = tpu.memref_slice %arg6[%add3A_22, %dma_wait3A_288] : memref<327680x64xf32, #tpu.memory_space<hbm>> -> memref<256x64xf32, #tpu.memory_space<hbm>>
    %dma_wait3A_290 = arith.constant 0 : i32
    %dma_wait3A_291 = tpu.memref_slice %arg6[%add3A_22, %dma_wait3A_290] : memref<327680x64xf32, #tpu.memory_space<hbm>> -> memref<256x64xf32, #tpu.memory_space<hbm>>
    tpu.wait_dma2 semaphore(%arg23 : memref<!tpu.dma_semaphore, #tpu.memory_space<semaphore_mem>>) src(%arg11 : memref<256x64xf32, #tpu.memory_space<vmem>>) dst(%dma_wait3A_291 : memref<256x64xf32, #tpu.memory_space<hbm>>)
    %dma_start3A_292 = arith.constant 3072 : i32
    %dma_start3A_293 = tpu.memref_slice %arg8[%dma_start3A_292] : memref<10240xi32, #tpu.memory_space<vmem>> -> memref<256xi32, #tpu.memory_space<vmem>>
    %dma_start3A_294 = arith.constant 0 : i32
    %dma_start3A_295 = arith.constant 0 : i32
    %dma_start3A_296 = tpu.memref_slice %arg4[%dma_start3A_294, %dma_start3A_295] : memref<1000000x64xf32, #tpu.memory_space<hbm>> -> memref<1000000x64xf32, #tpu.memory_space<hbm>>
    tpu.enqueue_indirect_dma source(%dma_start3A_296 : memref<1000000x64xf32, #tpu.memory_space<hbm>>) target(%arg11 : memref<256x64xf32, #tpu.memory_space<vmem>>) offsets(%dma_start3A_293 : memref<256xi32, #tpu.memory_space<vmem>>) semaphore(%arg17 : memref<!tpu.dma_semaphore, #tpu.memory_space<semaphore_mem>>)
    %dma_wait3A_297 = arith.constant 2304 : i32
    %dma_wait3A_298 = tpu.memref_slice %arg8[%dma_wait3A_297] : memref<10240xi32, #tpu.memory_space<vmem>> -> memref<256xi32, #tpu.memory_space<vmem>>
    %dma_wait3A_299 = arith.constant 0 : i32
    %dma_wait3A_300 = arith.constant 0 : i32
    %dma_wait3A_301 = tpu.memref_slice %arg4[%dma_wait3A_299, %dma_wait3A_300] : memref<1000000x64xf32, #tpu.memory_space<hbm>> -> memref<1000000x64xf32, #tpu.memory_space<hbm>>
    tpu.wait_indirect_dma semaphore(%arg20 : memref<!tpu.dma_semaphore, #tpu.memory_space<semaphore_mem>>) src(%dma_wait3A_301 : memref<1000000x64xf32, #tpu.memory_space<hbm>>) dst(%arg14 : memref<256x64xf32, #tpu.memory_space<vmem>>)
    %dma_start3A_302 = arith.constant 0 : i32
    %dma_start3A_303 = tpu.memref_slice %arg6[%add3A_28, %dma_start3A_302] : memref<327680x64xf32, #tpu.memory_space<hbm>> -> memref<256x64xf32, #tpu.memory_space<hbm>>
    %dma_start3A_304 = arith.constant 0 : i32
    %dma_start3A_305 = tpu.memref_slice %arg6[%add3A_28, %dma_start3A_304] : memref<327680x64xf32, #tpu.memory_space<hbm>> -> memref<256x64xf32, #tpu.memory_space<hbm>>
    tpu.enqueue_dma source(%arg14 : memref<256x64xf32, #tpu.memory_space<vmem>>) target(%dma_start3A_305 : memref<256x64xf32, #tpu.memory_space<hbm>>) target_semaphore(%arg26 : memref<!tpu.dma_semaphore, #tpu.memory_space<semaphore_mem>>)
    %dma_wait3A_306 = arith.constant 0 : i32
    %dma_wait3A_307 = tpu.memref_slice %arg6[%add3A_24, %dma_wait3A_306] : memref<327680x64xf32, #tpu.memory_space<hbm>> -> memref<256x64xf32, #tpu.memory_space<hbm>>
    %dma_wait3A_308 = arith.constant 0 : i32
    %dma_wait3A_309 = tpu.memref_slice %arg6[%add3A_24, %dma_wait3A_308] : memref<327680x64xf32, #tpu.memory_space<hbm>> -> memref<256x64xf32, #tpu.memory_space<hbm>>
    tpu.wait_dma2 semaphore(%arg24 : memref<!tpu.dma_semaphore, #tpu.memory_space<semaphore_mem>>) src(%arg12 : memref<256x64xf32, #tpu.memory_space<vmem>>) dst(%dma_wait3A_309 : memref<256x64xf32, #tpu.memory_space<hbm>>)
    %dma_start3A_310 = arith.constant 3328 : i32
    %dma_start3A_311 = tpu.memref_slice %arg8[%dma_start3A_310] : memref<10240xi32, #tpu.memory_space<vmem>> -> memref<256xi32, #tpu.memory_space<vmem>>
    %dma_start3A_312 = arith.constant 0 : i32
    %dma_start3A_313 = arith.constant 0 : i32
    %dma_start3A_314 = tpu.memref_slice %arg4[%dma_start3A_312, %dma_start3A_313] : memref<1000000x64xf32, #tpu.memory_space<hbm>> -> memref<1000000x64xf32, #tpu.memory_space<hbm>>
    tpu.enqueue_indirect_dma source(%dma_start3A_314 : memref<1000000x64xf32, #tpu.memory_space<hbm>>) target(%arg12 : memref<256x64xf32, #tpu.memory_space<vmem>>) offsets(%dma_start3A_311 : memref<256xi32, #tpu.memory_space<vmem>>) semaphore(%arg18 : memref<!tpu.dma_semaphore, #tpu.memory_space<semaphore_mem>>)
    %dma_wait3A_315 = arith.constant 2560 : i32
    %dma_wait3A_316 = tpu.memref_slice %arg8[%dma_wait3A_315] : memref<10240xi32, #tpu.memory_space<vmem>> -> memref<256xi32, #tpu.memory_space<vmem>>
    %dma_wait3A_317 = arith.constant 0 : i32
    %dma_wait3A_318 = arith.constant 0 : i32
    %dma_wait3A_319 = tpu.memref_slice %arg4[%dma_wait3A_317, %dma_wait3A_318] : memref<1000000x64xf32, #tpu.memory_space<hbm>> -> memref<1000000x64xf32, #tpu.memory_space<hbm>>
    tpu.wait_indirect_dma semaphore(%arg15 : memref<!tpu.dma_semaphore, #tpu.memory_space<semaphore_mem>>) src(%dma_wait3A_319 : memref<1000000x64xf32, #tpu.memory_space<hbm>>) dst(%arg9 : memref<256x64xf32, #tpu.memory_space<vmem>>)
    %dma_start3A_320 = arith.constant 0 : i32
    %dma_start3A_321 = tpu.memref_slice %arg6[%add3A_30, %dma_start3A_320] : memref<327680x64xf32, #tpu.memory_space<hbm>> -> memref<256x64xf32, #tpu.memory_space<hbm>>
    %dma_start3A_322 = arith.constant 0 : i32
    %dma_start3A_323 = tpu.memref_slice %arg6[%add3A_30, %dma_start3A_322] : memref<327680x64xf32, #tpu.memory_space<hbm>> -> memref<256x64xf32, #tpu.memory_space<hbm>>
    tpu.enqueue_dma source(%arg9 : memref<256x64xf32, #tpu.memory_space<vmem>>) target(%dma_start3A_323 : memref<256x64xf32, #tpu.memory_space<hbm>>) target_semaphore(%arg21 : memref<!tpu.dma_semaphore, #tpu.memory_space<semaphore_mem>>)
    %dma_wait3A_324 = arith.constant 0 : i32
    %dma_wait3A_325 = tpu.memref_slice %arg6[%add3A_26, %dma_wait3A_324] : memref<327680x64xf32, #tpu.memory_space<hbm>> -> memref<256x64xf32, #tpu.memory_space<hbm>>
    %dma_wait3A_326 = arith.constant 0 : i32
    %dma_wait3A_327 = tpu.memref_slice %arg6[%add3A_26, %dma_wait3A_326] : memref<327680x64xf32, #tpu.memory_space<hbm>> -> memref<256x64xf32, #tpu.memory_space<hbm>>
    tpu.wait_dma2 semaphore(%arg25 : memref<!tpu.dma_semaphore, #tpu.memory_space<semaphore_mem>>) src(%arg13 : memref<256x64xf32, #tpu.memory_space<vmem>>) dst(%dma_wait3A_327 : memref<256x64xf32, #tpu.memory_space<hbm>>)
    %dma_start3A_328 = arith.constant 3584 : i32
    %dma_start3A_329 = tpu.memref_slice %arg8[%dma_start3A_328] : memref<10240xi32, #tpu.memory_space<vmem>> -> memref<256xi32, #tpu.memory_space<vmem>>
    %dma_start3A_330 = arith.constant 0 : i32
    %dma_start3A_331 = arith.constant 0 : i32
    %dma_start3A_332 = tpu.memref_slice %arg4[%dma_start3A_330, %dma_start3A_331] : memref<1000000x64xf32, #tpu.memory_space<hbm>> -> memref<1000000x64xf32, #tpu.memory_space<hbm>>
    tpu.enqueue_indirect_dma source(%dma_start3A_332 : memref<1000000x64xf32, #tpu.memory_space<hbm>>) target(%arg13 : memref<256x64xf32, #tpu.memory_space<vmem>>) offsets(%dma_start3A_329 : memref<256xi32, #tpu.memory_space<vmem>>) semaphore(%arg19 : memref<!tpu.dma_semaphore, #tpu.memory_space<semaphore_mem>>)
    %dma_wait3A_333 = arith.constant 2816 : i32
    %dma_wait3A_334 = tpu.memref_slice %arg8[%dma_wait3A_333] : memref<10240xi32, #tpu.memory_space<vmem>> -> memref<256xi32, #tpu.memory_space<vmem>>
    %dma_wait3A_335 = arith.constant 0 : i32
    %dma_wait3A_336 = arith.constant 0 : i32
    %dma_wait3A_337 = tpu.memref_slice %arg4[%dma_wait3A_335, %dma_wait3A_336] : memref<1000000x64xf32, #tpu.memory_space<hbm>> -> memref<1000000x64xf32, #tpu.memory_space<hbm>>
    tpu.wait_indirect_dma semaphore(%arg16 : memref<!tpu.dma_semaphore, #tpu.memory_space<semaphore_mem>>) src(%dma_wait3A_337 : memref<1000000x64xf32, #tpu.memory_space<hbm>>) dst(%arg10 : memref<256x64xf32, #tpu.memory_space<vmem>>)
    %dma_start3A_338 = arith.constant 0 : i32
    %dma_start3A_339 = tpu.memref_slice %arg6[%add3A_32, %dma_start3A_338] : memref<327680x64xf32, #tpu.memory_space<hbm>> -> memref<256x64xf32, #tpu.memory_space<hbm>>
    %dma_start3A_340 = arith.constant 0 : i32
    %dma_start3A_341 = tpu.memref_slice %arg6[%add3A_32, %dma_start3A_340] : memref<327680x64xf32, #tpu.memory_space<hbm>> -> memref<256x64xf32, #tpu.memory_space<hbm>>
    tpu.enqueue_dma source(%arg10 : memref<256x64xf32, #tpu.memory_space<vmem>>) target(%dma_start3A_341 : memref<256x64xf32, #tpu.memory_space<hbm>>) target_semaphore(%arg22 : memref<!tpu.dma_semaphore, #tpu.memory_space<semaphore_mem>>)
    %dma_wait3A_342 = arith.constant 0 : i32
    %dma_wait3A_343 = tpu.memref_slice %arg6[%add3A_28, %dma_wait3A_342] : memref<327680x64xf32, #tpu.memory_space<hbm>> -> memref<256x64xf32, #tpu.memory_space<hbm>>
    %dma_wait3A_344 = arith.constant 0 : i32
    %dma_wait3A_345 = tpu.memref_slice %arg6[%add3A_28, %dma_wait3A_344] : memref<327680x64xf32, #tpu.memory_space<hbm>> -> memref<256x64xf32, #tpu.memory_space<hbm>>
    tpu.wait_dma2 semaphore(%arg26 : memref<!tpu.dma_semaphore, #tpu.memory_space<semaphore_mem>>) src(%arg14 : memref<256x64xf32, #tpu.memory_space<vmem>>) dst(%dma_wait3A_345 : memref<256x64xf32, #tpu.memory_space<hbm>>)
    %dma_start3A_346 = arith.constant 3840 : i32
    %dma_start3A_347 = tpu.memref_slice %arg8[%dma_start3A_346] : memref<10240xi32, #tpu.memory_space<vmem>> -> memref<256xi32, #tpu.memory_space<vmem>>
    %dma_start3A_348 = arith.constant 0 : i32
    %dma_start3A_349 = arith.constant 0 : i32
    %dma_start3A_350 = tpu.memref_slice %arg4[%dma_start3A_348, %dma_start3A_349] : memref<1000000x64xf32, #tpu.memory_space<hbm>> -> memref<1000000x64xf32, #tpu.memory_space<hbm>>
    tpu.enqueue_indirect_dma source(%dma_start3A_350 : memref<1000000x64xf32, #tpu.memory_space<hbm>>) target(%arg14 : memref<256x64xf32, #tpu.memory_space<vmem>>) offsets(%dma_start3A_347 : memref<256xi32, #tpu.memory_space<vmem>>) semaphore(%arg20 : memref<!tpu.dma_semaphore, #tpu.memory_space<semaphore_mem>>)
    %dma_wait3A_351 = arith.constant 3072 : i32
    %dma_wait3A_352 = tpu.memref_slice %arg8[%dma_wait3A_351] : memref<10240xi32, #tpu.memory_space<vmem>> -> memref<256xi32, #tpu.memory_space<vmem>>
    %dma_wait3A_353 = arith.constant 0 : i32
    %dma_wait3A_354 = arith.constant 0 : i32
    %dma_wait3A_355 = tpu.memref_slice %arg4[%dma_wait3A_353, %dma_wait3A_354] : memref<1000000x64xf32, #tpu.memory_space<hbm>> -> memref<1000000x64xf32, #tpu.memory_space<hbm>>
    tpu.wait_indirect_dma semaphore(%arg17 : memref<!tpu.dma_semaphore, #tpu.memory_space<semaphore_mem>>) src(%dma_wait3A_355 : memref<1000000x64xf32, #tpu.memory_space<hbm>>) dst(%arg11 : memref<256x64xf32, #tpu.memory_space<vmem>>)
    %dma_start3A_356 = arith.constant 0 : i32
    %dma_start3A_357 = tpu.memref_slice %arg6[%add3A_34, %dma_start3A_356] : memref<327680x64xf32, #tpu.memory_space<hbm>> -> memref<256x64xf32, #tpu.memory_space<hbm>>
    %dma_start3A_358 = arith.constant 0 : i32
    %dma_start3A_359 = tpu.memref_slice %arg6[%add3A_34, %dma_start3A_358] : memref<327680x64xf32, #tpu.memory_space<hbm>> -> memref<256x64xf32, #tpu.memory_space<hbm>>
    tpu.enqueue_dma source(%arg11 : memref<256x64xf32, #tpu.memory_space<vmem>>) target(%dma_start3A_359 : memref<256x64xf32, #tpu.memory_space<hbm>>) target_semaphore(%arg23 : memref<!tpu.dma_semaphore, #tpu.memory_space<semaphore_mem>>)
    %dma_wait3A_360 = arith.constant 0 : i32
    %dma_wait3A_361 = tpu.memref_slice %arg6[%add3A_30, %dma_wait3A_360] : memref<327680x64xf32, #tpu.memory_space<hbm>> -> memref<256x64xf32, #tpu.memory_space<hbm>>
    %dma_wait3A_362 = arith.constant 0 : i32
    %dma_wait3A_363 = tpu.memref_slice %arg6[%add3A_30, %dma_wait3A_362] : memref<327680x64xf32, #tpu.memory_space<hbm>> -> memref<256x64xf32, #tpu.memory_space<hbm>>
    tpu.wait_dma2 semaphore(%arg21 : memref<!tpu.dma_semaphore, #tpu.memory_space<semaphore_mem>>) src(%arg9 : memref<256x64xf32, #tpu.memory_space<vmem>>) dst(%dma_wait3A_363 : memref<256x64xf32, #tpu.memory_space<hbm>>)
    %dma_start3A_364 = arith.constant 4096 : i32
    %dma_start3A_365 = tpu.memref_slice %arg8[%dma_start3A_364] : memref<10240xi32, #tpu.memory_space<vmem>> -> memref<256xi32, #tpu.memory_space<vmem>>
    %dma_start3A_366 = arith.constant 0 : i32
    %dma_start3A_367 = arith.constant 0 : i32
    %dma_start3A_368 = tpu.memref_slice %arg4[%dma_start3A_366, %dma_start3A_367] : memref<1000000x64xf32, #tpu.memory_space<hbm>> -> memref<1000000x64xf32, #tpu.memory_space<hbm>>
    tpu.enqueue_indirect_dma source(%dma_start3A_368 : memref<1000000x64xf32, #tpu.memory_space<hbm>>) target(%arg9 : memref<256x64xf32, #tpu.memory_space<vmem>>) offsets(%dma_start3A_365 : memref<256xi32, #tpu.memory_space<vmem>>) semaphore(%arg15 : memref<!tpu.dma_semaphore, #tpu.memory_space<semaphore_mem>>)
    %dma_wait3A_369 = arith.constant 3328 : i32
    %dma_wait3A_370 = tpu.memref_slice %arg8[%dma_wait3A_369] : memref<10240xi32, #tpu.memory_space<vmem>> -> memref<256xi32, #tpu.memory_space<vmem>>
    %dma_wait3A_371 = arith.constant 0 : i32
    %dma_wait3A_372 = arith.constant 0 : i32
    %dma_wait3A_373 = tpu.memref_slice %arg4[%dma_wait3A_371, %dma_wait3A_372] : memref<1000000x64xf32, #tpu.memory_space<hbm>> -> memref<1000000x64xf32, #tpu.memory_space<hbm>>
    tpu.wait_indirect_dma semaphore(%arg18 : memref<!tpu.dma_semaphore, #tpu.memory_space<semaphore_mem>>) src(%dma_wait3A_373 : memref<1000000x64xf32, #tpu.memory_space<hbm>>) dst(%arg12 : memref<256x64xf32, #tpu.memory_space<vmem>>)
    %dma_start3A_374 = arith.constant 0 : i32
    %dma_start3A_375 = tpu.memref_slice %arg6[%add3A_36, %dma_start3A_374] : memref<327680x64xf32, #tpu.memory_space<hbm>> -> memref<256x64xf32, #tpu.memory_space<hbm>>
    %dma_start3A_376 = arith.constant 0 : i32
    %dma_start3A_377 = tpu.memref_slice %arg6[%add3A_36, %dma_start3A_376] : memref<327680x64xf32, #tpu.memory_space<hbm>> -> memref<256x64xf32, #tpu.memory_space<hbm>>
    tpu.enqueue_dma source(%arg12 : memref<256x64xf32, #tpu.memory_space<vmem>>) target(%dma_start3A_377 : memref<256x64xf32, #tpu.memory_space<hbm>>) target_semaphore(%arg24 : memref<!tpu.dma_semaphore, #tpu.memory_space<semaphore_mem>>)
    %dma_wait3A_378 = arith.constant 0 : i32
    %dma_wait3A_379 = tpu.memref_slice %arg6[%add3A_32, %dma_wait3A_378] : memref<327680x64xf32, #tpu.memory_space<hbm>> -> memref<256x64xf32, #tpu.memory_space<hbm>>
    %dma_wait3A_380 = arith.constant 0 : i32
    %dma_wait3A_381 = tpu.memref_slice %arg6[%add3A_32, %dma_wait3A_380] : memref<327680x64xf32, #tpu.memory_space<hbm>> -> memref<256x64xf32, #tpu.memory_space<hbm>>
    tpu.wait_dma2 semaphore(%arg22 : memref<!tpu.dma_semaphore, #tpu.memory_space<semaphore_mem>>) src(%arg10 : memref<256x64xf32, #tpu.memory_space<vmem>>) dst(%dma_wait3A_381 : memref<256x64xf32, #tpu.memory_space<hbm>>)
    %dma_start3A_382 = arith.constant 4352 : i32
    %dma_start3A_383 = tpu.memref_slice %arg8[%dma_start3A_382] : memref<10240xi32, #tpu.memory_space<vmem>> -> memref<256xi32, #tpu.memory_space<vmem>>
    %dma_start3A_384 = arith.constant 0 : i32
    %dma_start3A_385 = arith.constant 0 : i32
    %dma_start3A_386 = tpu.memref_slice %arg4[%dma_start3A_384, %dma_start3A_385] : memref<1000000x64xf32, #tpu.memory_space<hbm>> -> memref<1000000x64xf32, #tpu.memory_space<hbm>>
    tpu.enqueue_indirect_dma source(%dma_start3A_386 : memref<1000000x64xf32, #tpu.memory_space<hbm>>) target(%arg10 : memref<256x64xf32, #tpu.memory_space<vmem>>) offsets(%dma_start3A_383 : memref<256xi32, #tpu.memory_space<vmem>>) semaphore(%arg16 : memref<!tpu.dma_semaphore, #tpu.memory_space<semaphore_mem>>)
    %dma_wait3A_387 = arith.constant 3584 : i32
    %dma_wait3A_388 = tpu.memref_slice %arg8[%dma_wait3A_387] : memref<10240xi32, #tpu.memory_space<vmem>> -> memref<256xi32, #tpu.memory_space<vmem>>
    %dma_wait3A_389 = arith.constant 0 : i32
    %dma_wait3A_390 = arith.constant 0 : i32
    %dma_wait3A_391 = tpu.memref_slice %arg4[%dma_wait3A_389, %dma_wait3A_390] : memref<1000000x64xf32, #tpu.memory_space<hbm>> -> memref<1000000x64xf32, #tpu.memory_space<hbm>>
    tpu.wait_indirect_dma semaphore(%arg19 : memref<!tpu.dma_semaphore, #tpu.memory_space<semaphore_mem>>) src(%dma_wait3A_391 : memref<1000000x64xf32, #tpu.memory_space<hbm>>) dst(%arg13 : memref<256x64xf32, #tpu.memory_space<vmem>>)
    %dma_start3A_392 = arith.constant 0 : i32
    %dma_start3A_393 = tpu.memref_slice %arg6[%add3A_38, %dma_start3A_392] : memref<327680x64xf32, #tpu.memory_space<hbm>> -> memref<256x64xf32, #tpu.memory_space<hbm>>
    %dma_start3A_394 = arith.constant 0 : i32
    %dma_start3A_395 = tpu.memref_slice %arg6[%add3A_38, %dma_start3A_394] : memref<327680x64xf32, #tpu.memory_space<hbm>> -> memref<256x64xf32, #tpu.memory_space<hbm>>
    tpu.enqueue_dma source(%arg13 : memref<256x64xf32, #tpu.memory_space<vmem>>) target(%dma_start3A_395 : memref<256x64xf32, #tpu.memory_space<hbm>>) target_semaphore(%arg25 : memref<!tpu.dma_semaphore, #tpu.memory_space<semaphore_mem>>)
    %dma_wait3A_396 = arith.constant 0 : i32
    %dma_wait3A_397 = tpu.memref_slice %arg6[%add3A_34, %dma_wait3A_396] : memref<327680x64xf32, #tpu.memory_space<hbm>> -> memref<256x64xf32, #tpu.memory_space<hbm>>
    %dma_wait3A_398 = arith.constant 0 : i32
    %dma_wait3A_399 = tpu.memref_slice %arg6[%add3A_34, %dma_wait3A_398] : memref<327680x64xf32, #tpu.memory_space<hbm>> -> memref<256x64xf32, #tpu.memory_space<hbm>>
    tpu.wait_dma2 semaphore(%arg23 : memref<!tpu.dma_semaphore, #tpu.memory_space<semaphore_mem>>) src(%arg11 : memref<256x64xf32, #tpu.memory_space<vmem>>) dst(%dma_wait3A_399 : memref<256x64xf32, #tpu.memory_space<hbm>>)
    %dma_start3A_400 = arith.constant 4608 : i32
    %dma_start3A_401 = tpu.memref_slice %arg8[%dma_start3A_400] : memref<10240xi32, #tpu.memory_space<vmem>> -> memref<256xi32, #tpu.memory_space<vmem>>
    %dma_start3A_402 = arith.constant 0 : i32
    %dma_start3A_403 = arith.constant 0 : i32
    %dma_start3A_404 = tpu.memref_slice %arg4[%dma_start3A_402, %dma_start3A_403] : memref<1000000x64xf32, #tpu.memory_space<hbm>> -> memref<1000000x64xf32, #tpu.memory_space<hbm>>
    tpu.enqueue_indirect_dma source(%dma_start3A_404 : memref<1000000x64xf32, #tpu.memory_space<hbm>>) target(%arg11 : memref<256x64xf32, #tpu.memory_space<vmem>>) offsets(%dma_start3A_401 : memref<256xi32, #tpu.memory_space<vmem>>) semaphore(%arg17 : memref<!tpu.dma_semaphore, #tpu.memory_space<semaphore_mem>>)
    %dma_wait3A_405 = arith.constant 3840 : i32
    %dma_wait3A_406 = tpu.memref_slice %arg8[%dma_wait3A_405] : memref<10240xi32, #tpu.memory_space<vmem>> -> memref<256xi32, #tpu.memory_space<vmem>>
    %dma_wait3A_407 = arith.constant 0 : i32
    %dma_wait3A_408 = arith.constant 0 : i32
    %dma_wait3A_409 = tpu.memref_slice %arg4[%dma_wait3A_407, %dma_wait3A_408] : memref<1000000x64xf32, #tpu.memory_space<hbm>> -> memref<1000000x64xf32, #tpu.memory_space<hbm>>
    tpu.wait_indirect_dma semaphore(%arg20 : memref<!tpu.dma_semaphore, #tpu.memory_space<semaphore_mem>>) src(%dma_wait3A_409 : memref<1000000x64xf32, #tpu.memory_space<hbm>>) dst(%arg14 : memref<256x64xf32, #tpu.memory_space<vmem>>)
    %dma_start3A_410 = arith.constant 0 : i32
    %dma_start3A_411 = tpu.memref_slice %arg6[%add3A_40, %dma_start3A_410] : memref<327680x64xf32, #tpu.memory_space<hbm>> -> memref<256x64xf32, #tpu.memory_space<hbm>>
    %dma_start3A_412 = arith.constant 0 : i32
    %dma_start3A_413 = tpu.memref_slice %arg6[%add3A_40, %dma_start3A_412] : memref<327680x64xf32, #tpu.memory_space<hbm>> -> memref<256x64xf32, #tpu.memory_space<hbm>>
    tpu.enqueue_dma source(%arg14 : memref<256x64xf32, #tpu.memory_space<vmem>>) target(%dma_start3A_413 : memref<256x64xf32, #tpu.memory_space<hbm>>) target_semaphore(%arg26 : memref<!tpu.dma_semaphore, #tpu.memory_space<semaphore_mem>>)
    %dma_wait3A_414 = arith.constant 0 : i32
    %dma_wait3A_415 = tpu.memref_slice %arg6[%add3A_36, %dma_wait3A_414] : memref<327680x64xf32, #tpu.memory_space<hbm>> -> memref<256x64xf32, #tpu.memory_space<hbm>>
    %dma_wait3A_416 = arith.constant 0 : i32
    %dma_wait3A_417 = tpu.memref_slice %arg6[%add3A_36, %dma_wait3A_416] : memref<327680x64xf32, #tpu.memory_space<hbm>> -> memref<256x64xf32, #tpu.memory_space<hbm>>
    tpu.wait_dma2 semaphore(%arg24 : memref<!tpu.dma_semaphore, #tpu.memory_space<semaphore_mem>>) src(%arg12 : memref<256x64xf32, #tpu.memory_space<vmem>>) dst(%dma_wait3A_417 : memref<256x64xf32, #tpu.memory_space<hbm>>)
    %dma_start3A_418 = arith.constant 4864 : i32
    %dma_start3A_419 = tpu.memref_slice %arg8[%dma_start3A_418] : memref<10240xi32, #tpu.memory_space<vmem>> -> memref<256xi32, #tpu.memory_space<vmem>>
    %dma_start3A_420 = arith.constant 0 : i32
    %dma_start3A_421 = arith.constant 0 : i32
    %dma_start3A_422 = tpu.memref_slice %arg4[%dma_start3A_420, %dma_start3A_421] : memref<1000000x64xf32, #tpu.memory_space<hbm>> -> memref<1000000x64xf32, #tpu.memory_space<hbm>>
    tpu.enqueue_indirect_dma source(%dma_start3A_422 : memref<1000000x64xf32, #tpu.memory_space<hbm>>) target(%arg12 : memref<256x64xf32, #tpu.memory_space<vmem>>) offsets(%dma_start3A_419 : memref<256xi32, #tpu.memory_space<vmem>>) semaphore(%arg18 : memref<!tpu.dma_semaphore, #tpu.memory_space<semaphore_mem>>)
    %dma_wait3A_423 = arith.constant 4096 : i32
    %dma_wait3A_424 = tpu.memref_slice %arg8[%dma_wait3A_423] : memref<10240xi32, #tpu.memory_space<vmem>> -> memref<256xi32, #tpu.memory_space<vmem>>
    %dma_wait3A_425 = arith.constant 0 : i32
    %dma_wait3A_426 = arith.constant 0 : i32
    %dma_wait3A_427 = tpu.memref_slice %arg4[%dma_wait3A_425, %dma_wait3A_426] : memref<1000000x64xf32, #tpu.memory_space<hbm>> -> memref<1000000x64xf32, #tpu.memory_space<hbm>>
    tpu.wait_indirect_dma semaphore(%arg15 : memref<!tpu.dma_semaphore, #tpu.memory_space<semaphore_mem>>) src(%dma_wait3A_427 : memref<1000000x64xf32, #tpu.memory_space<hbm>>) dst(%arg9 : memref<256x64xf32, #tpu.memory_space<vmem>>)
    %dma_start3A_428 = arith.constant 0 : i32
    %dma_start3A_429 = tpu.memref_slice %arg6[%add3A_42, %dma_start3A_428] : memref<327680x64xf32, #tpu.memory_space<hbm>> -> memref<256x64xf32, #tpu.memory_space<hbm>>
    %dma_start3A_430 = arith.constant 0 : i32
    %dma_start3A_431 = tpu.memref_slice %arg6[%add3A_42, %dma_start3A_430] : memref<327680x64xf32, #tpu.memory_space<hbm>> -> memref<256x64xf32, #tpu.memory_space<hbm>>
    tpu.enqueue_dma source(%arg9 : memref<256x64xf32, #tpu.memory_space<vmem>>) target(%dma_start3A_431 : memref<256x64xf32, #tpu.memory_space<hbm>>) target_semaphore(%arg21 : memref<!tpu.dma_semaphore, #tpu.memory_space<semaphore_mem>>)
    %dma_wait3A_432 = arith.constant 0 : i32
    %dma_wait3A_433 = tpu.memref_slice %arg6[%add3A_38, %dma_wait3A_432] : memref<327680x64xf32, #tpu.memory_space<hbm>> -> memref<256x64xf32, #tpu.memory_space<hbm>>
    %dma_wait3A_434 = arith.constant 0 : i32
    %dma_wait3A_435 = tpu.memref_slice %arg6[%add3A_38, %dma_wait3A_434] : memref<327680x64xf32, #tpu.memory_space<hbm>> -> memref<256x64xf32, #tpu.memory_space<hbm>>
    tpu.wait_dma2 semaphore(%arg25 : memref<!tpu.dma_semaphore, #tpu.memory_space<semaphore_mem>>) src(%arg13 : memref<256x64xf32, #tpu.memory_space<vmem>>) dst(%dma_wait3A_435 : memref<256x64xf32, #tpu.memory_space<hbm>>)
    %dma_start3A_436 = arith.constant 5120 : i32
    %dma_start3A_437 = tpu.memref_slice %arg8[%dma_start3A_436] : memref<10240xi32, #tpu.memory_space<vmem>> -> memref<256xi32, #tpu.memory_space<vmem>>
    %dma_start3A_438 = arith.constant 0 : i32
    %dma_start3A_439 = arith.constant 0 : i32
    %dma_start3A_440 = tpu.memref_slice %arg4[%dma_start3A_438, %dma_start3A_439] : memref<1000000x64xf32, #tpu.memory_space<hbm>> -> memref<1000000x64xf32, #tpu.memory_space<hbm>>
    tpu.enqueue_indirect_dma source(%dma_start3A_440 : memref<1000000x64xf32, #tpu.memory_space<hbm>>) target(%arg13 : memref<256x64xf32, #tpu.memory_space<vmem>>) offsets(%dma_start3A_437 : memref<256xi32, #tpu.memory_space<vmem>>) semaphore(%arg19 : memref<!tpu.dma_semaphore, #tpu.memory_space<semaphore_mem>>)
    %dma_wait3A_441 = arith.constant 4352 : i32
    %dma_wait3A_442 = tpu.memref_slice %arg8[%dma_wait3A_441] : memref<10240xi32, #tpu.memory_space<vmem>> -> memref<256xi32, #tpu.memory_space<vmem>>
    %dma_wait3A_443 = arith.constant 0 : i32
    %dma_wait3A_444 = arith.constant 0 : i32
    %dma_wait3A_445 = tpu.memref_slice %arg4[%dma_wait3A_443, %dma_wait3A_444] : memref<1000000x64xf32, #tpu.memory_space<hbm>> -> memref<1000000x64xf32, #tpu.memory_space<hbm>>
    tpu.wait_indirect_dma semaphore(%arg16 : memref<!tpu.dma_semaphore, #tpu.memory_space<semaphore_mem>>) src(%dma_wait3A_445 : memref<1000000x64xf32, #tpu.memory_space<hbm>>) dst(%arg10 : memref<256x64xf32, #tpu.memory_space<vmem>>)
    %dma_start3A_446 = arith.constant 0 : i32
    %dma_start3A_447 = tpu.memref_slice %arg6[%add3A_44, %dma_start3A_446] : memref<327680x64xf32, #tpu.memory_space<hbm>> -> memref<256x64xf32, #tpu.memory_space<hbm>>
    %dma_start3A_448 = arith.constant 0 : i32
    %dma_start3A_449 = tpu.memref_slice %arg6[%add3A_44, %dma_start3A_448] : memref<327680x64xf32, #tpu.memory_space<hbm>> -> memref<256x64xf32, #tpu.memory_space<hbm>>
    tpu.enqueue_dma source(%arg10 : memref<256x64xf32, #tpu.memory_space<vmem>>) target(%dma_start3A_449 : memref<256x64xf32, #tpu.memory_space<hbm>>) target_semaphore(%arg22 : memref<!tpu.dma_semaphore, #tpu.memory_space<semaphore_mem>>)
    %dma_wait3A_450 = arith.constant 0 : i32
    %dma_wait3A_451 = tpu.memref_slice %arg6[%add3A_40, %dma_wait3A_450] : memref<327680x64xf32, #tpu.memory_space<hbm>> -> memref<256x64xf32, #tpu.memory_space<hbm>>
    %dma_wait3A_452 = arith.constant 0 : i32
    %dma_wait3A_453 = tpu.memref_slice %arg6[%add3A_40, %dma_wait3A_452] : memref<327680x64xf32, #tpu.memory_space<hbm>> -> memref<256x64xf32, #tpu.memory_space<hbm>>
    tpu.wait_dma2 semaphore(%arg26 : memref<!tpu.dma_semaphore, #tpu.memory_space<semaphore_mem>>) src(%arg14 : memref<256x64xf32, #tpu.memory_space<vmem>>) dst(%dma_wait3A_453 : memref<256x64xf32, #tpu.memory_space<hbm>>)
    %dma_start3A_454 = arith.constant 5376 : i32
    %dma_start3A_455 = tpu.memref_slice %arg8[%dma_start3A_454] : memref<10240xi32, #tpu.memory_space<vmem>> -> memref<256xi32, #tpu.memory_space<vmem>>
    %dma_start3A_456 = arith.constant 0 : i32
    %dma_start3A_457 = arith.constant 0 : i32
    %dma_start3A_458 = tpu.memref_slice %arg4[%dma_start3A_456, %dma_start3A_457] : memref<1000000x64xf32, #tpu.memory_space<hbm>> -> memref<1000000x64xf32, #tpu.memory_space<hbm>>
    tpu.enqueue_indirect_dma source(%dma_start3A_458 : memref<1000000x64xf32, #tpu.memory_space<hbm>>) target(%arg14 : memref<256x64xf32, #tpu.memory_space<vmem>>) offsets(%dma_start3A_455 : memref<256xi32, #tpu.memory_space<vmem>>) semaphore(%arg20 : memref<!tpu.dma_semaphore, #tpu.memory_space<semaphore_mem>>)
    %dma_wait3A_459 = arith.constant 4608 : i32
    %dma_wait3A_460 = tpu.memref_slice %arg8[%dma_wait3A_459] : memref<10240xi32, #tpu.memory_space<vmem>> -> memref<256xi32, #tpu.memory_space<vmem>>
    %dma_wait3A_461 = arith.constant 0 : i32
    %dma_wait3A_462 = arith.constant 0 : i32
    %dma_wait3A_463 = tpu.memref_slice %arg4[%dma_wait3A_461, %dma_wait3A_462] : memref<1000000x64xf32, #tpu.memory_space<hbm>> -> memref<1000000x64xf32, #tpu.memory_space<hbm>>
    tpu.wait_indirect_dma semaphore(%arg17 : memref<!tpu.dma_semaphore, #tpu.memory_space<semaphore_mem>>) src(%dma_wait3A_463 : memref<1000000x64xf32, #tpu.memory_space<hbm>>) dst(%arg11 : memref<256x64xf32, #tpu.memory_space<vmem>>)
    %dma_start3A_464 = arith.constant 0 : i32
    %dma_start3A_465 = tpu.memref_slice %arg6[%add3A_46, %dma_start3A_464] : memref<327680x64xf32, #tpu.memory_space<hbm>> -> memref<256x64xf32, #tpu.memory_space<hbm>>
    %dma_start3A_466 = arith.constant 0 : i32
    %dma_start3A_467 = tpu.memref_slice %arg6[%add3A_46, %dma_start3A_466] : memref<327680x64xf32, #tpu.memory_space<hbm>> -> memref<256x64xf32, #tpu.memory_space<hbm>>
    tpu.enqueue_dma source(%arg11 : memref<256x64xf32, #tpu.memory_space<vmem>>) target(%dma_start3A_467 : memref<256x64xf32, #tpu.memory_space<hbm>>) target_semaphore(%arg23 : memref<!tpu.dma_semaphore, #tpu.memory_space<semaphore_mem>>)
    %dma_wait3A_468 = arith.constant 0 : i32
    %dma_wait3A_469 = tpu.memref_slice %arg6[%add3A_42, %dma_wait3A_468] : memref<327680x64xf32, #tpu.memory_space<hbm>> -> memref<256x64xf32, #tpu.memory_space<hbm>>
    %dma_wait3A_470 = arith.constant 0 : i32
    %dma_wait3A_471 = tpu.memref_slice %arg6[%add3A_42, %dma_wait3A_470] : memref<327680x64xf32, #tpu.memory_space<hbm>> -> memref<256x64xf32, #tpu.memory_space<hbm>>
    tpu.wait_dma2 semaphore(%arg21 : memref<!tpu.dma_semaphore, #tpu.memory_space<semaphore_mem>>) src(%arg9 : memref<256x64xf32, #tpu.memory_space<vmem>>) dst(%dma_wait3A_471 : memref<256x64xf32, #tpu.memory_space<hbm>>)
    %dma_start3A_472 = arith.constant 5632 : i32
    %dma_start3A_473 = tpu.memref_slice %arg8[%dma_start3A_472] : memref<10240xi32, #tpu.memory_space<vmem>> -> memref<256xi32, #tpu.memory_space<vmem>>
    %dma_start3A_474 = arith.constant 0 : i32
    %dma_start3A_475 = arith.constant 0 : i32
    %dma_start3A_476 = tpu.memref_slice %arg4[%dma_start3A_474, %dma_start3A_475] : memref<1000000x64xf32, #tpu.memory_space<hbm>> -> memref<1000000x64xf32, #tpu.memory_space<hbm>>
    tpu.enqueue_indirect_dma source(%dma_start3A_476 : memref<1000000x64xf32, #tpu.memory_space<hbm>>) target(%arg9 : memref<256x64xf32, #tpu.memory_space<vmem>>) offsets(%dma_start3A_473 : memref<256xi32, #tpu.memory_space<vmem>>) semaphore(%arg15 : memref<!tpu.dma_semaphore, #tpu.memory_space<semaphore_mem>>)
    %dma_wait3A_477 = arith.constant 4864 : i32
    %dma_wait3A_478 = tpu.memref_slice %arg8[%dma_wait3A_477] : memref<10240xi32, #tpu.memory_space<vmem>> -> memref<256xi32, #tpu.memory_space<vmem>>
    %dma_wait3A_479 = arith.constant 0 : i32
    %dma_wait3A_480 = arith.constant 0 : i32
    %dma_wait3A_481 = tpu.memref_slice %arg4[%dma_wait3A_479, %dma_wait3A_480] : memref<1000000x64xf32, #tpu.memory_space<hbm>> -> memref<1000000x64xf32, #tpu.memory_space<hbm>>
    tpu.wait_indirect_dma semaphore(%arg18 : memref<!tpu.dma_semaphore, #tpu.memory_space<semaphore_mem>>) src(%dma_wait3A_481 : memref<1000000x64xf32, #tpu.memory_space<hbm>>) dst(%arg12 : memref<256x64xf32, #tpu.memory_space<vmem>>)
    %dma_start3A_482 = arith.constant 0 : i32
    %dma_start3A_483 = tpu.memref_slice %arg6[%add3A_48, %dma_start3A_482] : memref<327680x64xf32, #tpu.memory_space<hbm>> -> memref<256x64xf32, #tpu.memory_space<hbm>>
    %dma_start3A_484 = arith.constant 0 : i32
    %dma_start3A_485 = tpu.memref_slice %arg6[%add3A_48, %dma_start3A_484] : memref<327680x64xf32, #tpu.memory_space<hbm>> -> memref<256x64xf32, #tpu.memory_space<hbm>>
    tpu.enqueue_dma source(%arg12 : memref<256x64xf32, #tpu.memory_space<vmem>>) target(%dma_start3A_485 : memref<256x64xf32, #tpu.memory_space<hbm>>) target_semaphore(%arg24 : memref<!tpu.dma_semaphore, #tpu.memory_space<semaphore_mem>>)
    %dma_wait3A_486 = arith.constant 0 : i32
    %dma_wait3A_487 = tpu.memref_slice %arg6[%add3A_44, %dma_wait3A_486] : memref<327680x64xf32, #tpu.memory_space<hbm>> -> memref<256x64xf32, #tpu.memory_space<hbm>>
    %dma_wait3A_488 = arith.constant 0 : i32
    %dma_wait3A_489 = tpu.memref_slice %arg6[%add3A_44, %dma_wait3A_488] : memref<327680x64xf32, #tpu.memory_space<hbm>> -> memref<256x64xf32, #tpu.memory_space<hbm>>
    tpu.wait_dma2 semaphore(%arg22 : memref<!tpu.dma_semaphore, #tpu.memory_space<semaphore_mem>>) src(%arg10 : memref<256x64xf32, #tpu.memory_space<vmem>>) dst(%dma_wait3A_489 : memref<256x64xf32, #tpu.memory_space<hbm>>)
    %dma_start3A_490 = arith.constant 5888 : i32
    %dma_start3A_491 = tpu.memref_slice %arg8[%dma_start3A_490] : memref<10240xi32, #tpu.memory_space<vmem>> -> memref<256xi32, #tpu.memory_space<vmem>>
    %dma_start3A_492 = arith.constant 0 : i32
    %dma_start3A_493 = arith.constant 0 : i32
    %dma_start3A_494 = tpu.memref_slice %arg4[%dma_start3A_492, %dma_start3A_493] : memref<1000000x64xf32, #tpu.memory_space<hbm>> -> memref<1000000x64xf32, #tpu.memory_space<hbm>>
    tpu.enqueue_indirect_dma source(%dma_start3A_494 : memref<1000000x64xf32, #tpu.memory_space<hbm>>) target(%arg10 : memref<256x64xf32, #tpu.memory_space<vmem>>) offsets(%dma_start3A_491 : memref<256xi32, #tpu.memory_space<vmem>>) semaphore(%arg16 : memref<!tpu.dma_semaphore, #tpu.memory_space<semaphore_mem>>)
    %dma_wait3A_495 = arith.constant 5120 : i32
    %dma_wait3A_496 = tpu.memref_slice %arg8[%dma_wait3A_495] : memref<10240xi32, #tpu.memory_space<vmem>> -> memref<256xi32, #tpu.memory_space<vmem>>
    %dma_wait3A_497 = arith.constant 0 : i32
    %dma_wait3A_498 = arith.constant 0 : i32
    %dma_wait3A_499 = tpu.memref_slice %arg4[%dma_wait3A_497, %dma_wait3A_498] : memref<1000000x64xf32, #tpu.memory_space<hbm>> -> memref<1000000x64xf32, #tpu.memory_space<hbm>>
    tpu.wait_indirect_dma semaphore(%arg19 : memref<!tpu.dma_semaphore, #tpu.memory_space<semaphore_mem>>) src(%dma_wait3A_499 : memref<1000000x64xf32, #tpu.memory_space<hbm>>) dst(%arg13 : memref<256x64xf32, #tpu.memory_space<vmem>>)
    %dma_start3A_500 = arith.constant 0 : i32
    %dma_start3A_501 = tpu.memref_slice %arg6[%add3A_50, %dma_start3A_500] : memref<327680x64xf32, #tpu.memory_space<hbm>> -> memref<256x64xf32, #tpu.memory_space<hbm>>
    %dma_start3A_502 = arith.constant 0 : i32
    %dma_start3A_503 = tpu.memref_slice %arg6[%add3A_50, %dma_start3A_502] : memref<327680x64xf32, #tpu.memory_space<hbm>> -> memref<256x64xf32, #tpu.memory_space<hbm>>
    tpu.enqueue_dma source(%arg13 : memref<256x64xf32, #tpu.memory_space<vmem>>) target(%dma_start3A_503 : memref<256x64xf32, #tpu.memory_space<hbm>>) target_semaphore(%arg25 : memref<!tpu.dma_semaphore, #tpu.memory_space<semaphore_mem>>)
    %dma_wait3A_504 = arith.constant 0 : i32
    %dma_wait3A_505 = tpu.memref_slice %arg6[%add3A_46, %dma_wait3A_504] : memref<327680x64xf32, #tpu.memory_space<hbm>> -> memref<256x64xf32, #tpu.memory_space<hbm>>
    %dma_wait3A_506 = arith.constant 0 : i32
    %dma_wait3A_507 = tpu.memref_slice %arg6[%add3A_46, %dma_wait3A_506] : memref<327680x64xf32, #tpu.memory_space<hbm>> -> memref<256x64xf32, #tpu.memory_space<hbm>>
    tpu.wait_dma2 semaphore(%arg23 : memref<!tpu.dma_semaphore, #tpu.memory_space<semaphore_mem>>) src(%arg11 : memref<256x64xf32, #tpu.memory_space<vmem>>) dst(%dma_wait3A_507 : memref<256x64xf32, #tpu.memory_space<hbm>>)
    %dma_start3A_508 = arith.constant 6144 : i32
    %dma_start3A_509 = tpu.memref_slice %arg8[%dma_start3A_508] : memref<10240xi32, #tpu.memory_space<vmem>> -> memref<256xi32, #tpu.memory_space<vmem>>
    %dma_start3A_510 = arith.constant 0 : i32
    %dma_start3A_511 = arith.constant 0 : i32
    %dma_start3A_512 = tpu.memref_slice %arg4[%dma_start3A_510, %dma_start3A_511] : memref<1000000x64xf32, #tpu.memory_space<hbm>> -> memref<1000000x64xf32, #tpu.memory_space<hbm>>
    tpu.enqueue_indirect_dma source(%dma_start3A_512 : memref<1000000x64xf32, #tpu.memory_space<hbm>>) target(%arg11 : memref<256x64xf32, #tpu.memory_space<vmem>>) offsets(%dma_start3A_509 : memref<256xi32, #tpu.memory_space<vmem>>) semaphore(%arg17 : memref<!tpu.dma_semaphore, #tpu.memory_space<semaphore_mem>>)
    %dma_wait3A_513 = arith.constant 5376 : i32
    %dma_wait3A_514 = tpu.memref_slice %arg8[%dma_wait3A_513] : memref<10240xi32, #tpu.memory_space<vmem>> -> memref<256xi32, #tpu.memory_space<vmem>>
    %dma_wait3A_515 = arith.constant 0 : i32
    %dma_wait3A_516 = arith.constant 0 : i32
    %dma_wait3A_517 = tpu.memref_slice %arg4[%dma_wait3A_515, %dma_wait3A_516] : memref<1000000x64xf32, #tpu.memory_space<hbm>> -> memref<1000000x64xf32, #tpu.memory_space<hbm>>
    tpu.wait_indirect_dma semaphore(%arg20 : memref<!tpu.dma_semaphore, #tpu.memory_space<semaphore_mem>>) src(%dma_wait3A_517 : memref<1000000x64xf32, #tpu.memory_space<hbm>>) dst(%arg14 : memref<256x64xf32, #tpu.memory_space<vmem>>)
    %dma_start3A_518 = arith.constant 0 : i32
    %dma_start3A_519 = tpu.memref_slice %arg6[%add3A_52, %dma_start3A_518] : memref<327680x64xf32, #tpu.memory_space<hbm>> -> memref<256x64xf32, #tpu.memory_space<hbm>>
    %dma_start3A_520 = arith.constant 0 : i32
    %dma_start3A_521 = tpu.memref_slice %arg6[%add3A_52, %dma_start3A_520] : memref<327680x64xf32, #tpu.memory_space<hbm>> -> memref<256x64xf32, #tpu.memory_space<hbm>>
    tpu.enqueue_dma source(%arg14 : memref<256x64xf32, #tpu.memory_space<vmem>>) target(%dma_start3A_521 : memref<256x64xf32, #tpu.memory_space<hbm>>) target_semaphore(%arg26 : memref<!tpu.dma_semaphore, #tpu.memory_space<semaphore_mem>>)
    %dma_wait3A_522 = arith.constant 0 : i32
    %dma_wait3A_523 = tpu.memref_slice %arg6[%add3A_48, %dma_wait3A_522] : memref<327680x64xf32, #tpu.memory_space<hbm>> -> memref<256x64xf32, #tpu.memory_space<hbm>>
    %dma_wait3A_524 = arith.constant 0 : i32
    %dma_wait3A_525 = tpu.memref_slice %arg6[%add3A_48, %dma_wait3A_524] : memref<327680x64xf32, #tpu.memory_space<hbm>> -> memref<256x64xf32, #tpu.memory_space<hbm>>
    tpu.wait_dma2 semaphore(%arg24 : memref<!tpu.dma_semaphore, #tpu.memory_space<semaphore_mem>>) src(%arg12 : memref<256x64xf32, #tpu.memory_space<vmem>>) dst(%dma_wait3A_525 : memref<256x64xf32, #tpu.memory_space<hbm>>)
    %dma_start3A_526 = arith.constant 6400 : i32
    %dma_start3A_527 = tpu.memref_slice %arg8[%dma_start3A_526] : memref<10240xi32, #tpu.memory_space<vmem>> -> memref<256xi32, #tpu.memory_space<vmem>>
    %dma_start3A_528 = arith.constant 0 : i32
    %dma_start3A_529 = arith.constant 0 : i32
    %dma_start3A_530 = tpu.memref_slice %arg4[%dma_start3A_528, %dma_start3A_529] : memref<1000000x64xf32, #tpu.memory_space<hbm>> -> memref<1000000x64xf32, #tpu.memory_space<hbm>>
    tpu.enqueue_indirect_dma source(%dma_start3A_530 : memref<1000000x64xf32, #tpu.memory_space<hbm>>) target(%arg12 : memref<256x64xf32, #tpu.memory_space<vmem>>) offsets(%dma_start3A_527 : memref<256xi32, #tpu.memory_space<vmem>>) semaphore(%arg18 : memref<!tpu.dma_semaphore, #tpu.memory_space<semaphore_mem>>)
    %dma_wait3A_531 = arith.constant 5632 : i32
    %dma_wait3A_532 = tpu.memref_slice %arg8[%dma_wait3A_531] : memref<10240xi32, #tpu.memory_space<vmem>> -> memref<256xi32, #tpu.memory_space<vmem>>
    %dma_wait3A_533 = arith.constant 0 : i32
    %dma_wait3A_534 = arith.constant 0 : i32
    %dma_wait3A_535 = tpu.memref_slice %arg4[%dma_wait3A_533, %dma_wait3A_534] : memref<1000000x64xf32, #tpu.memory_space<hbm>> -> memref<1000000x64xf32, #tpu.memory_space<hbm>>
    tpu.wait_indirect_dma semaphore(%arg15 : memref<!tpu.dma_semaphore, #tpu.memory_space<semaphore_mem>>) src(%dma_wait3A_535 : memref<1000000x64xf32, #tpu.memory_space<hbm>>) dst(%arg9 : memref<256x64xf32, #tpu.memory_space<vmem>>)
    %dma_start3A_536 = arith.constant 0 : i32
    %dma_start3A_537 = tpu.memref_slice %arg6[%add3A_54, %dma_start3A_536] : memref<327680x64xf32, #tpu.memory_space<hbm>> -> memref<256x64xf32, #tpu.memory_space<hbm>>
    %dma_start3A_538 = arith.constant 0 : i32
    %dma_start3A_539 = tpu.memref_slice %arg6[%add3A_54, %dma_start3A_538] : memref<327680x64xf32, #tpu.memory_space<hbm>> -> memref<256x64xf32, #tpu.memory_space<hbm>>
    tpu.enqueue_dma source(%arg9 : memref<256x64xf32, #tpu.memory_space<vmem>>) target(%dma_start3A_539 : memref<256x64xf32, #tpu.memory_space<hbm>>) target_semaphore(%arg21 : memref<!tpu.dma_semaphore, #tpu.memory_space<semaphore_mem>>)
    %dma_wait3A_540 = arith.constant 0 : i32
    %dma_wait3A_541 = tpu.memref_slice %arg6[%add3A_50, %dma_wait3A_540] : memref<327680x64xf32, #tpu.memory_space<hbm>> -> memref<256x64xf32, #tpu.memory_space<hbm>>
    %dma_wait3A_542 = arith.constant 0 : i32
    %dma_wait3A_543 = tpu.memref_slice %arg6[%add3A_50, %dma_wait3A_542] : memref<327680x64xf32, #tpu.memory_space<hbm>> -> memref<256x64xf32, #tpu.memory_space<hbm>>
    tpu.wait_dma2 semaphore(%arg25 : memref<!tpu.dma_semaphore, #tpu.memory_space<semaphore_mem>>) src(%arg13 : memref<256x64xf32, #tpu.memory_space<vmem>>) dst(%dma_wait3A_543 : memref<256x64xf32, #tpu.memory_space<hbm>>)
    %dma_start3A_544 = arith.constant 6656 : i32
    %dma_start3A_545 = tpu.memref_slice %arg8[%dma_start3A_544] : memref<10240xi32, #tpu.memory_space<vmem>> -> memref<256xi32, #tpu.memory_space<vmem>>
    %dma_start3A_546 = arith.constant 0 : i32
    %dma_start3A_547 = arith.constant 0 : i32
    %dma_start3A_548 = tpu.memref_slice %arg4[%dma_start3A_546, %dma_start3A_547] : memref<1000000x64xf32, #tpu.memory_space<hbm>> -> memref<1000000x64xf32, #tpu.memory_space<hbm>>
    tpu.enqueue_indirect_dma source(%dma_start3A_548 : memref<1000000x64xf32, #tpu.memory_space<hbm>>) target(%arg13 : memref<256x64xf32, #tpu.memory_space<vmem>>) offsets(%dma_start3A_545 : memref<256xi32, #tpu.memory_space<vmem>>) semaphore(%arg19 : memref<!tpu.dma_semaphore, #tpu.memory_space<semaphore_mem>>)
    %dma_wait3A_549 = arith.constant 5888 : i32
    %dma_wait3A_550 = tpu.memref_slice %arg8[%dma_wait3A_549] : memref<10240xi32, #tpu.memory_space<vmem>> -> memref<256xi32, #tpu.memory_space<vmem>>
    %dma_wait3A_551 = arith.constant 0 : i32
    %dma_wait3A_552 = arith.constant 0 : i32
    %dma_wait3A_553 = tpu.memref_slice %arg4[%dma_wait3A_551, %dma_wait3A_552] : memref<1000000x64xf32, #tpu.memory_space<hbm>> -> memref<1000000x64xf32, #tpu.memory_space<hbm>>
    tpu.wait_indirect_dma semaphore(%arg16 : memref<!tpu.dma_semaphore, #tpu.memory_space<semaphore_mem>>) src(%dma_wait3A_553 : memref<1000000x64xf32, #tpu.memory_space<hbm>>) dst(%arg10 : memref<256x64xf32, #tpu.memory_space<vmem>>)
    %dma_start3A_554 = arith.constant 0 : i32
    %dma_start3A_555 = tpu.memref_slice %arg6[%add3A_56, %dma_start3A_554] : memref<327680x64xf32, #tpu.memory_space<hbm>> -> memref<256x64xf32, #tpu.memory_space<hbm>>
    %dma_start3A_556 = arith.constant 0 : i32
    %dma_start3A_557 = tpu.memref_slice %arg6[%add3A_56, %dma_start3A_556] : memref<327680x64xf32, #tpu.memory_space<hbm>> -> memref<256x64xf32, #tpu.memory_space<hbm>>
    tpu.enqueue_dma source(%arg10 : memref<256x64xf32, #tpu.memory_space<vmem>>) target(%dma_start3A_557 : memref<256x64xf32, #tpu.memory_space<hbm>>) target_semaphore(%arg22 : memref<!tpu.dma_semaphore, #tpu.memory_space<semaphore_mem>>)
    %dma_wait3A_558 = arith.constant 0 : i32
    %dma_wait3A_559 = tpu.memref_slice %arg6[%add3A_52, %dma_wait3A_558] : memref<327680x64xf32, #tpu.memory_space<hbm>> -> memref<256x64xf32, #tpu.memory_space<hbm>>
    %dma_wait3A_560 = arith.constant 0 : i32
    %dma_wait3A_561 = tpu.memref_slice %arg6[%add3A_52, %dma_wait3A_560] : memref<327680x64xf32, #tpu.memory_space<hbm>> -> memref<256x64xf32, #tpu.memory_space<hbm>>
    tpu.wait_dma2 semaphore(%arg26 : memref<!tpu.dma_semaphore, #tpu.memory_space<semaphore_mem>>) src(%arg14 : memref<256x64xf32, #tpu.memory_space<vmem>>) dst(%dma_wait3A_561 : memref<256x64xf32, #tpu.memory_space<hbm>>)
    %dma_start3A_562 = arith.constant 6912 : i32
    %dma_start3A_563 = tpu.memref_slice %arg8[%dma_start3A_562] : memref<10240xi32, #tpu.memory_space<vmem>> -> memref<256xi32, #tpu.memory_space<vmem>>
    %dma_start3A_564 = arith.constant 0 : i32
    %dma_start3A_565 = arith.constant 0 : i32
    %dma_start3A_566 = tpu.memref_slice %arg4[%dma_start3A_564, %dma_start3A_565] : memref<1000000x64xf32, #tpu.memory_space<hbm>> -> memref<1000000x64xf32, #tpu.memory_space<hbm>>
    tpu.enqueue_indirect_dma source(%dma_start3A_566 : memref<1000000x64xf32, #tpu.memory_space<hbm>>) target(%arg14 : memref<256x64xf32, #tpu.memory_space<vmem>>) offsets(%dma_start3A_563 : memref<256xi32, #tpu.memory_space<vmem>>) semaphore(%arg20 : memref<!tpu.dma_semaphore, #tpu.memory_space<semaphore_mem>>)
    %dma_wait3A_567 = arith.constant 6144 : i32
    %dma_wait3A_568 = tpu.memref_slice %arg8[%dma_wait3A_567] : memref<10240xi32, #tpu.memory_space<vmem>> -> memref<256xi32, #tpu.memory_space<vmem>>
    %dma_wait3A_569 = arith.constant 0 : i32
    %dma_wait3A_570 = arith.constant 0 : i32
    %dma_wait3A_571 = tpu.memref_slice %arg4[%dma_wait3A_569, %dma_wait3A_570] : memref<1000000x64xf32, #tpu.memory_space<hbm>> -> memref<1000000x64xf32, #tpu.memory_space<hbm>>
    tpu.wait_indirect_dma semaphore(%arg17 : memref<!tpu.dma_semaphore, #tpu.memory_space<semaphore_mem>>) src(%dma_wait3A_571 : memref<1000000x64xf32, #tpu.memory_space<hbm>>) dst(%arg11 : memref<256x64xf32, #tpu.memory_space<vmem>>)
    %dma_start3A_572 = arith.constant 0 : i32
    %dma_start3A_573 = tpu.memref_slice %arg6[%add3A_58, %dma_start3A_572] : memref<327680x64xf32, #tpu.memory_space<hbm>> -> memref<256x64xf32, #tpu.memory_space<hbm>>
    %dma_start3A_574 = arith.constant 0 : i32
    %dma_start3A_575 = tpu.memref_slice %arg6[%add3A_58, %dma_start3A_574] : memref<327680x64xf32, #tpu.memory_space<hbm>> -> memref<256x64xf32, #tpu.memory_space<hbm>>
    tpu.enqueue_dma source(%arg11 : memref<256x64xf32, #tpu.memory_space<vmem>>) target(%dma_start3A_575 : memref<256x64xf32, #tpu.memory_space<hbm>>) target_semaphore(%arg23 : memref<!tpu.dma_semaphore, #tpu.memory_space<semaphore_mem>>)
    %dma_wait3A_576 = arith.constant 0 : i32
    %dma_wait3A_577 = tpu.memref_slice %arg6[%add3A_54, %dma_wait3A_576] : memref<327680x64xf32, #tpu.memory_space<hbm>> -> memref<256x64xf32, #tpu.memory_space<hbm>>
    %dma_wait3A_578 = arith.constant 0 : i32
    %dma_wait3A_579 = tpu.memref_slice %arg6[%add3A_54, %dma_wait3A_578] : memref<327680x64xf32, #tpu.memory_space<hbm>> -> memref<256x64xf32, #tpu.memory_space<hbm>>
    tpu.wait_dma2 semaphore(%arg21 : memref<!tpu.dma_semaphore, #tpu.memory_space<semaphore_mem>>) src(%arg9 : memref<256x64xf32, #tpu.memory_space<vmem>>) dst(%dma_wait3A_579 : memref<256x64xf32, #tpu.memory_space<hbm>>)
    %dma_start3A_580 = arith.constant 7168 : i32
    %dma_start3A_581 = tpu.memref_slice %arg8[%dma_start3A_580] : memref<10240xi32, #tpu.memory_space<vmem>> -> memref<256xi32, #tpu.memory_space<vmem>>
    %dma_start3A_582 = arith.constant 0 : i32
    %dma_start3A_583 = arith.constant 0 : i32
    %dma_start3A_584 = tpu.memref_slice %arg4[%dma_start3A_582, %dma_start3A_583] : memref<1000000x64xf32, #tpu.memory_space<hbm>> -> memref<1000000x64xf32, #tpu.memory_space<hbm>>
    tpu.enqueue_indirect_dma source(%dma_start3A_584 : memref<1000000x64xf32, #tpu.memory_space<hbm>>) target(%arg9 : memref<256x64xf32, #tpu.memory_space<vmem>>) offsets(%dma_start3A_581 : memref<256xi32, #tpu.memory_space<vmem>>) semaphore(%arg15 : memref<!tpu.dma_semaphore, #tpu.memory_space<semaphore_mem>>)
    %dma_wait3A_585 = arith.constant 6400 : i32
    %dma_wait3A_586 = tpu.memref_slice %arg8[%dma_wait3A_585] : memref<10240xi32, #tpu.memory_space<vmem>> -> memref<256xi32, #tpu.memory_space<vmem>>
    %dma_wait3A_587 = arith.constant 0 : i32
    %dma_wait3A_588 = arith.constant 0 : i32
    %dma_wait3A_589 = tpu.memref_slice %arg4[%dma_wait3A_587, %dma_wait3A_588] : memref<1000000x64xf32, #tpu.memory_space<hbm>> -> memref<1000000x64xf32, #tpu.memory_space<hbm>>
    tpu.wait_indirect_dma semaphore(%arg18 : memref<!tpu.dma_semaphore, #tpu.memory_space<semaphore_mem>>) src(%dma_wait3A_589 : memref<1000000x64xf32, #tpu.memory_space<hbm>>) dst(%arg12 : memref<256x64xf32, #tpu.memory_space<vmem>>)
    %dma_start3A_590 = arith.constant 0 : i32
    %dma_start3A_591 = tpu.memref_slice %arg6[%add3A_60, %dma_start3A_590] : memref<327680x64xf32, #tpu.memory_space<hbm>> -> memref<256x64xf32, #tpu.memory_space<hbm>>
    %dma_start3A_592 = arith.constant 0 : i32
    %dma_start3A_593 = tpu.memref_slice %arg6[%add3A_60, %dma_start3A_592] : memref<327680x64xf32, #tpu.memory_space<hbm>> -> memref<256x64xf32, #tpu.memory_space<hbm>>
    tpu.enqueue_dma source(%arg12 : memref<256x64xf32, #tpu.memory_space<vmem>>) target(%dma_start3A_593 : memref<256x64xf32, #tpu.memory_space<hbm>>) target_semaphore(%arg24 : memref<!tpu.dma_semaphore, #tpu.memory_space<semaphore_mem>>)
    %dma_wait3A_594 = arith.constant 0 : i32
    %dma_wait3A_595 = tpu.memref_slice %arg6[%add3A_56, %dma_wait3A_594] : memref<327680x64xf32, #tpu.memory_space<hbm>> -> memref<256x64xf32, #tpu.memory_space<hbm>>
    %dma_wait3A_596 = arith.constant 0 : i32
    %dma_wait3A_597 = tpu.memref_slice %arg6[%add3A_56, %dma_wait3A_596] : memref<327680x64xf32, #tpu.memory_space<hbm>> -> memref<256x64xf32, #tpu.memory_space<hbm>>
    tpu.wait_dma2 semaphore(%arg22 : memref<!tpu.dma_semaphore, #tpu.memory_space<semaphore_mem>>) src(%arg10 : memref<256x64xf32, #tpu.memory_space<vmem>>) dst(%dma_wait3A_597 : memref<256x64xf32, #tpu.memory_space<hbm>>)
    %dma_start3A_598 = arith.constant 7424 : i32
    %dma_start3A_599 = tpu.memref_slice %arg8[%dma_start3A_598] : memref<10240xi32, #tpu.memory_space<vmem>> -> memref<256xi32, #tpu.memory_space<vmem>>
    %dma_start3A_600 = arith.constant 0 : i32
    %dma_start3A_601 = arith.constant 0 : i32
    %dma_start3A_602 = tpu.memref_slice %arg4[%dma_start3A_600, %dma_start3A_601] : memref<1000000x64xf32, #tpu.memory_space<hbm>> -> memref<1000000x64xf32, #tpu.memory_space<hbm>>
    tpu.enqueue_indirect_dma source(%dma_start3A_602 : memref<1000000x64xf32, #tpu.memory_space<hbm>>) target(%arg10 : memref<256x64xf32, #tpu.memory_space<vmem>>) offsets(%dma_start3A_599 : memref<256xi32, #tpu.memory_space<vmem>>) semaphore(%arg16 : memref<!tpu.dma_semaphore, #tpu.memory_space<semaphore_mem>>)
    %dma_wait3A_603 = arith.constant 6656 : i32
    %dma_wait3A_604 = tpu.memref_slice %arg8[%dma_wait3A_603] : memref<10240xi32, #tpu.memory_space<vmem>> -> memref<256xi32, #tpu.memory_space<vmem>>
    %dma_wait3A_605 = arith.constant 0 : i32
    %dma_wait3A_606 = arith.constant 0 : i32
    %dma_wait3A_607 = tpu.memref_slice %arg4[%dma_wait3A_605, %dma_wait3A_606] : memref<1000000x64xf32, #tpu.memory_space<hbm>> -> memref<1000000x64xf32, #tpu.memory_space<hbm>>
    tpu.wait_indirect_dma semaphore(%arg19 : memref<!tpu.dma_semaphore, #tpu.memory_space<semaphore_mem>>) src(%dma_wait3A_607 : memref<1000000x64xf32, #tpu.memory_space<hbm>>) dst(%arg13 : memref<256x64xf32, #tpu.memory_space<vmem>>)
    %dma_start3A_608 = arith.constant 0 : i32
    %dma_start3A_609 = tpu.memref_slice %arg6[%add3A_62, %dma_start3A_608] : memref<327680x64xf32, #tpu.memory_space<hbm>> -> memref<256x64xf32, #tpu.memory_space<hbm>>
    %dma_start3A_610 = arith.constant 0 : i32
    %dma_start3A_611 = tpu.memref_slice %arg6[%add3A_62, %dma_start3A_610] : memref<327680x64xf32, #tpu.memory_space<hbm>> -> memref<256x64xf32, #tpu.memory_space<hbm>>
    tpu.enqueue_dma source(%arg13 : memref<256x64xf32, #tpu.memory_space<vmem>>) target(%dma_start3A_611 : memref<256x64xf32, #tpu.memory_space<hbm>>) target_semaphore(%arg25 : memref<!tpu.dma_semaphore, #tpu.memory_space<semaphore_mem>>)
    %dma_wait3A_612 = arith.constant 0 : i32
    %dma_wait3A_613 = tpu.memref_slice %arg6[%add3A_58, %dma_wait3A_612] : memref<327680x64xf32, #tpu.memory_space<hbm>> -> memref<256x64xf32, #tpu.memory_space<hbm>>
    %dma_wait3A_614 = arith.constant 0 : i32
    %dma_wait3A_615 = tpu.memref_slice %arg6[%add3A_58, %dma_wait3A_614] : memref<327680x64xf32, #tpu.memory_space<hbm>> -> memref<256x64xf32, #tpu.memory_space<hbm>>
    tpu.wait_dma2 semaphore(%arg23 : memref<!tpu.dma_semaphore, #tpu.memory_space<semaphore_mem>>) src(%arg11 : memref<256x64xf32, #tpu.memory_space<vmem>>) dst(%dma_wait3A_615 : memref<256x64xf32, #tpu.memory_space<hbm>>)
    %dma_start3A_616 = arith.constant 7680 : i32
    %dma_start3A_617 = tpu.memref_slice %arg8[%dma_start3A_616] : memref<10240xi32, #tpu.memory_space<vmem>> -> memref<256xi32, #tpu.memory_space<vmem>>
    %dma_start3A_618 = arith.constant 0 : i32
    %dma_start3A_619 = arith.constant 0 : i32
    %dma_start3A_620 = tpu.memref_slice %arg4[%dma_start3A_618, %dma_start3A_619] : memref<1000000x64xf32, #tpu.memory_space<hbm>> -> memref<1000000x64xf32, #tpu.memory_space<hbm>>
    tpu.enqueue_indirect_dma source(%dma_start3A_620 : memref<1000000x64xf32, #tpu.memory_space<hbm>>) target(%arg11 : memref<256x64xf32, #tpu.memory_space<vmem>>) offsets(%dma_start3A_617 : memref<256xi32, #tpu.memory_space<vmem>>) semaphore(%arg17 : memref<!tpu.dma_semaphore, #tpu.memory_space<semaphore_mem>>)
    %dma_wait3A_621 = arith.constant 6912 : i32
    %dma_wait3A_622 = tpu.memref_slice %arg8[%dma_wait3A_621] : memref<10240xi32, #tpu.memory_space<vmem>> -> memref<256xi32, #tpu.memory_space<vmem>>
    %dma_wait3A_623 = arith.constant 0 : i32
    %dma_wait3A_624 = arith.constant 0 : i32
    %dma_wait3A_625 = tpu.memref_slice %arg4[%dma_wait3A_623, %dma_wait3A_624] : memref<1000000x64xf32, #tpu.memory_space<hbm>> -> memref<1000000x64xf32, #tpu.memory_space<hbm>>
    tpu.wait_indirect_dma semaphore(%arg20 : memref<!tpu.dma_semaphore, #tpu.memory_space<semaphore_mem>>) src(%dma_wait3A_625 : memref<1000000x64xf32, #tpu.memory_space<hbm>>) dst(%arg14 : memref<256x64xf32, #tpu.memory_space<vmem>>)
    %dma_start3A_626 = arith.constant 0 : i32
    %dma_start3A_627 = tpu.memref_slice %arg6[%add3A_64, %dma_start3A_626] : memref<327680x64xf32, #tpu.memory_space<hbm>> -> memref<256x64xf32, #tpu.memory_space<hbm>>
    %dma_start3A_628 = arith.constant 0 : i32
    %dma_start3A_629 = tpu.memref_slice %arg6[%add3A_64, %dma_start3A_628] : memref<327680x64xf32, #tpu.memory_space<hbm>> -> memref<256x64xf32, #tpu.memory_space<hbm>>
    tpu.enqueue_dma source(%arg14 : memref<256x64xf32, #tpu.memory_space<vmem>>) target(%dma_start3A_629 : memref<256x64xf32, #tpu.memory_space<hbm>>) target_semaphore(%arg26 : memref<!tpu.dma_semaphore, #tpu.memory_space<semaphore_mem>>)
    %dma_wait3A_630 = arith.constant 0 : i32
    %dma_wait3A_631 = tpu.memref_slice %arg6[%add3A_60, %dma_wait3A_630] : memref<327680x64xf32, #tpu.memory_space<hbm>> -> memref<256x64xf32, #tpu.memory_space<hbm>>
    %dma_wait3A_632 = arith.constant 0 : i32
    %dma_wait3A_633 = tpu.memref_slice %arg6[%add3A_60, %dma_wait3A_632] : memref<327680x64xf32, #tpu.memory_space<hbm>> -> memref<256x64xf32, #tpu.memory_space<hbm>>
    tpu.wait_dma2 semaphore(%arg24 : memref<!tpu.dma_semaphore, #tpu.memory_space<semaphore_mem>>) src(%arg12 : memref<256x64xf32, #tpu.memory_space<vmem>>) dst(%dma_wait3A_633 : memref<256x64xf32, #tpu.memory_space<hbm>>)
    %dma_start3A_634 = arith.constant 7936 : i32
    %dma_start3A_635 = tpu.memref_slice %arg8[%dma_start3A_634] : memref<10240xi32, #tpu.memory_space<vmem>> -> memref<256xi32, #tpu.memory_space<vmem>>
    %dma_start3A_636 = arith.constant 0 : i32
    %dma_start3A_637 = arith.constant 0 : i32
    %dma_start3A_638 = tpu.memref_slice %arg4[%dma_start3A_636, %dma_start3A_637] : memref<1000000x64xf32, #tpu.memory_space<hbm>> -> memref<1000000x64xf32, #tpu.memory_space<hbm>>
    tpu.enqueue_indirect_dma source(%dma_start3A_638 : memref<1000000x64xf32, #tpu.memory_space<hbm>>) target(%arg12 : memref<256x64xf32, #tpu.memory_space<vmem>>) offsets(%dma_start3A_635 : memref<256xi32, #tpu.memory_space<vmem>>) semaphore(%arg18 : memref<!tpu.dma_semaphore, #tpu.memory_space<semaphore_mem>>)
    %dma_wait3A_639 = arith.constant 7168 : i32
    %dma_wait3A_640 = tpu.memref_slice %arg8[%dma_wait3A_639] : memref<10240xi32, #tpu.memory_space<vmem>> -> memref<256xi32, #tpu.memory_space<vmem>>
    %dma_wait3A_641 = arith.constant 0 : i32
    %dma_wait3A_642 = arith.constant 0 : i32
    %dma_wait3A_643 = tpu.memref_slice %arg4[%dma_wait3A_641, %dma_wait3A_642] : memref<1000000x64xf32, #tpu.memory_space<hbm>> -> memref<1000000x64xf32, #tpu.memory_space<hbm>>
    tpu.wait_indirect_dma semaphore(%arg15 : memref<!tpu.dma_semaphore, #tpu.memory_space<semaphore_mem>>) src(%dma_wait3A_643 : memref<1000000x64xf32, #tpu.memory_space<hbm>>) dst(%arg9 : memref<256x64xf32, #tpu.memory_space<vmem>>)
    %dma_start3A_644 = arith.constant 0 : i32
    %dma_start3A_645 = tpu.memref_slice %arg6[%add3A_66, %dma_start3A_644] : memref<327680x64xf32, #tpu.memory_space<hbm>> -> memref<256x64xf32, #tpu.memory_space<hbm>>
    %dma_start3A_646 = arith.constant 0 : i32
    %dma_start3A_647 = tpu.memref_slice %arg6[%add3A_66, %dma_start3A_646] : memref<327680x64xf32, #tpu.memory_space<hbm>> -> memref<256x64xf32, #tpu.memory_space<hbm>>
    tpu.enqueue_dma source(%arg9 : memref<256x64xf32, #tpu.memory_space<vmem>>) target(%dma_start3A_647 : memref<256x64xf32, #tpu.memory_space<hbm>>) target_semaphore(%arg21 : memref<!tpu.dma_semaphore, #tpu.memory_space<semaphore_mem>>)
    %dma_wait3A_648 = arith.constant 0 : i32
    %dma_wait3A_649 = tpu.memref_slice %arg6[%add3A_62, %dma_wait3A_648] : memref<327680x64xf32, #tpu.memory_space<hbm>> -> memref<256x64xf32, #tpu.memory_space<hbm>>
    %dma_wait3A_650 = arith.constant 0 : i32
    %dma_wait3A_651 = tpu.memref_slice %arg6[%add3A_62, %dma_wait3A_650] : memref<327680x64xf32, #tpu.memory_space<hbm>> -> memref<256x64xf32, #tpu.memory_space<hbm>>
    tpu.wait_dma2 semaphore(%arg25 : memref<!tpu.dma_semaphore, #tpu.memory_space<semaphore_mem>>) src(%arg13 : memref<256x64xf32, #tpu.memory_space<vmem>>) dst(%dma_wait3A_651 : memref<256x64xf32, #tpu.memory_space<hbm>>)
    %dma_start3A_652 = arith.constant 8192 : i32
    %dma_start3A_653 = tpu.memref_slice %arg8[%dma_start3A_652] : memref<10240xi32, #tpu.memory_space<vmem>> -> memref<256xi32, #tpu.memory_space<vmem>>
    %dma_start3A_654 = arith.constant 0 : i32
    %dma_start3A_655 = arith.constant 0 : i32
    %dma_start3A_656 = tpu.memref_slice %arg4[%dma_start3A_654, %dma_start3A_655] : memref<1000000x64xf32, #tpu.memory_space<hbm>> -> memref<1000000x64xf32, #tpu.memory_space<hbm>>
    tpu.enqueue_indirect_dma source(%dma_start3A_656 : memref<1000000x64xf32, #tpu.memory_space<hbm>>) target(%arg13 : memref<256x64xf32, #tpu.memory_space<vmem>>) offsets(%dma_start3A_653 : memref<256xi32, #tpu.memory_space<vmem>>) semaphore(%arg19 : memref<!tpu.dma_semaphore, #tpu.memory_space<semaphore_mem>>)
    %dma_wait3A_657 = arith.constant 7424 : i32
    %dma_wait3A_658 = tpu.memref_slice %arg8[%dma_wait3A_657] : memref<10240xi32, #tpu.memory_space<vmem>> -> memref<256xi32, #tpu.memory_space<vmem>>
    %dma_wait3A_659 = arith.constant 0 : i32
    %dma_wait3A_660 = arith.constant 0 : i32
    %dma_wait3A_661 = tpu.memref_slice %arg4[%dma_wait3A_659, %dma_wait3A_660] : memref<1000000x64xf32, #tpu.memory_space<hbm>> -> memref<1000000x64xf32, #tpu.memory_space<hbm>>
    tpu.wait_indirect_dma semaphore(%arg16 : memref<!tpu.dma_semaphore, #tpu.memory_space<semaphore_mem>>) src(%dma_wait3A_661 : memref<1000000x64xf32, #tpu.memory_space<hbm>>) dst(%arg10 : memref<256x64xf32, #tpu.memory_space<vmem>>)
    %dma_start3A_662 = arith.constant 0 : i32
    %dma_start3A_663 = tpu.memref_slice %arg6[%add3A_68, %dma_start3A_662] : memref<327680x64xf32, #tpu.memory_space<hbm>> -> memref<256x64xf32, #tpu.memory_space<hbm>>
    %dma_start3A_664 = arith.constant 0 : i32
    %dma_start3A_665 = tpu.memref_slice %arg6[%add3A_68, %dma_start3A_664] : memref<327680x64xf32, #tpu.memory_space<hbm>> -> memref<256x64xf32, #tpu.memory_space<hbm>>
    tpu.enqueue_dma source(%arg10 : memref<256x64xf32, #tpu.memory_space<vmem>>) target(%dma_start3A_665 : memref<256x64xf32, #tpu.memory_space<hbm>>) target_semaphore(%arg22 : memref<!tpu.dma_semaphore, #tpu.memory_space<semaphore_mem>>)
    %dma_wait3A_666 = arith.constant 0 : i32
    %dma_wait3A_667 = tpu.memref_slice %arg6[%add3A_64, %dma_wait3A_666] : memref<327680x64xf32, #tpu.memory_space<hbm>> -> memref<256x64xf32, #tpu.memory_space<hbm>>
    %dma_wait3A_668 = arith.constant 0 : i32
    %dma_wait3A_669 = tpu.memref_slice %arg6[%add3A_64, %dma_wait3A_668] : memref<327680x64xf32, #tpu.memory_space<hbm>> -> memref<256x64xf32, #tpu.memory_space<hbm>>
    tpu.wait_dma2 semaphore(%arg26 : memref<!tpu.dma_semaphore, #tpu.memory_space<semaphore_mem>>) src(%arg14 : memref<256x64xf32, #tpu.memory_space<vmem>>) dst(%dma_wait3A_669 : memref<256x64xf32, #tpu.memory_space<hbm>>)
    %dma_start3A_670 = arith.constant 8448 : i32
    %dma_start3A_671 = tpu.memref_slice %arg8[%dma_start3A_670] : memref<10240xi32, #tpu.memory_space<vmem>> -> memref<256xi32, #tpu.memory_space<vmem>>
    %dma_start3A_672 = arith.constant 0 : i32
    %dma_start3A_673 = arith.constant 0 : i32
    %dma_start3A_674 = tpu.memref_slice %arg4[%dma_start3A_672, %dma_start3A_673] : memref<1000000x64xf32, #tpu.memory_space<hbm>> -> memref<1000000x64xf32, #tpu.memory_space<hbm>>
    tpu.enqueue_indirect_dma source(%dma_start3A_674 : memref<1000000x64xf32, #tpu.memory_space<hbm>>) target(%arg14 : memref<256x64xf32, #tpu.memory_space<vmem>>) offsets(%dma_start3A_671 : memref<256xi32, #tpu.memory_space<vmem>>) semaphore(%arg20 : memref<!tpu.dma_semaphore, #tpu.memory_space<semaphore_mem>>)
    %dma_wait3A_675 = arith.constant 7680 : i32
    %dma_wait3A_676 = tpu.memref_slice %arg8[%dma_wait3A_675] : memref<10240xi32, #tpu.memory_space<vmem>> -> memref<256xi32, #tpu.memory_space<vmem>>
    %dma_wait3A_677 = arith.constant 0 : i32
    %dma_wait3A_678 = arith.constant 0 : i32
    %dma_wait3A_679 = tpu.memref_slice %arg4[%dma_wait3A_677, %dma_wait3A_678] : memref<1000000x64xf32, #tpu.memory_space<hbm>> -> memref<1000000x64xf32, #tpu.memory_space<hbm>>
    tpu.wait_indirect_dma semaphore(%arg17 : memref<!tpu.dma_semaphore, #tpu.memory_space<semaphore_mem>>) src(%dma_wait3A_679 : memref<1000000x64xf32, #tpu.memory_space<hbm>>) dst(%arg11 : memref<256x64xf32, #tpu.memory_space<vmem>>)
    %dma_start3A_680 = arith.constant 0 : i32
    %dma_start3A_681 = tpu.memref_slice %arg6[%add3A_70, %dma_start3A_680] : memref<327680x64xf32, #tpu.memory_space<hbm>> -> memref<256x64xf32, #tpu.memory_space<hbm>>
    %dma_start3A_682 = arith.constant 0 : i32
    %dma_start3A_683 = tpu.memref_slice %arg6[%add3A_70, %dma_start3A_682] : memref<327680x64xf32, #tpu.memory_space<hbm>> -> memref<256x64xf32, #tpu.memory_space<hbm>>
    tpu.enqueue_dma source(%arg11 : memref<256x64xf32, #tpu.memory_space<vmem>>) target(%dma_start3A_683 : memref<256x64xf32, #tpu.memory_space<hbm>>) target_semaphore(%arg23 : memref<!tpu.dma_semaphore, #tpu.memory_space<semaphore_mem>>)
    %dma_wait3A_684 = arith.constant 0 : i32
    %dma_wait3A_685 = tpu.memref_slice %arg6[%add3A_66, %dma_wait3A_684] : memref<327680x64xf32, #tpu.memory_space<hbm>> -> memref<256x64xf32, #tpu.memory_space<hbm>>
    %dma_wait3A_686 = arith.constant 0 : i32
    %dma_wait3A_687 = tpu.memref_slice %arg6[%add3A_66, %dma_wait3A_686] : memref<327680x64xf32, #tpu.memory_space<hbm>> -> memref<256x64xf32, #tpu.memory_space<hbm>>
    tpu.wait_dma2 semaphore(%arg21 : memref<!tpu.dma_semaphore, #tpu.memory_space<semaphore_mem>>) src(%arg9 : memref<256x64xf32, #tpu.memory_space<vmem>>) dst(%dma_wait3A_687 : memref<256x64xf32, #tpu.memory_space<hbm>>)
    %dma_start3A_688 = arith.constant 8704 : i32
    %dma_start3A_689 = tpu.memref_slice %arg8[%dma_start3A_688] : memref<10240xi32, #tpu.memory_space<vmem>> -> memref<256xi32, #tpu.memory_space<vmem>>
    %dma_start3A_690 = arith.constant 0 : i32
    %dma_start3A_691 = arith.constant 0 : i32
    %dma_start3A_692 = tpu.memref_slice %arg4[%dma_start3A_690, %dma_start3A_691] : memref<1000000x64xf32, #tpu.memory_space<hbm>> -> memref<1000000x64xf32, #tpu.memory_space<hbm>>
    tpu.enqueue_indirect_dma source(%dma_start3A_692 : memref<1000000x64xf32, #tpu.memory_space<hbm>>) target(%arg9 : memref<256x64xf32, #tpu.memory_space<vmem>>) offsets(%dma_start3A_689 : memref<256xi32, #tpu.memory_space<vmem>>) semaphore(%arg15 : memref<!tpu.dma_semaphore, #tpu.memory_space<semaphore_mem>>)
    %dma_wait3A_693 = arith.constant 7936 : i32
    %dma_wait3A_694 = tpu.memref_slice %arg8[%dma_wait3A_693] : memref<10240xi32, #tpu.memory_space<vmem>> -> memref<256xi32, #tpu.memory_space<vmem>>
    %dma_wait3A_695 = arith.constant 0 : i32
    %dma_wait3A_696 = arith.constant 0 : i32
    %dma_wait3A_697 = tpu.memref_slice %arg4[%dma_wait3A_695, %dma_wait3A_696] : memref<1000000x64xf32, #tpu.memory_space<hbm>> -> memref<1000000x64xf32, #tpu.memory_space<hbm>>
    tpu.wait_indirect_dma semaphore(%arg18 : memref<!tpu.dma_semaphore, #tpu.memory_space<semaphore_mem>>) src(%dma_wait3A_697 : memref<1000000x64xf32, #tpu.memory_space<hbm>>) dst(%arg12 : memref<256x64xf32, #tpu.memory_space<vmem>>)
    %dma_start3A_698 = arith.constant 0 : i32
    %dma_start3A_699 = tpu.memref_slice %arg6[%add3A_72, %dma_start3A_698] : memref<327680x64xf32, #tpu.memory_space<hbm>> -> memref<256x64xf32, #tpu.memory_space<hbm>>
    %dma_start3A_700 = arith.constant 0 : i32
    %dma_start3A_701 = tpu.memref_slice %arg6[%add3A_72, %dma_start3A_700] : memref<327680x64xf32, #tpu.memory_space<hbm>> -> memref<256x64xf32, #tpu.memory_space<hbm>>
    tpu.enqueue_dma source(%arg12 : memref<256x64xf32, #tpu.memory_space<vmem>>) target(%dma_start3A_701 : memref<256x64xf32, #tpu.memory_space<hbm>>) target_semaphore(%arg24 : memref<!tpu.dma_semaphore, #tpu.memory_space<semaphore_mem>>)
    %dma_wait3A_702 = arith.constant 0 : i32
    %dma_wait3A_703 = tpu.memref_slice %arg6[%add3A_68, %dma_wait3A_702] : memref<327680x64xf32, #tpu.memory_space<hbm>> -> memref<256x64xf32, #tpu.memory_space<hbm>>
    %dma_wait3A_704 = arith.constant 0 : i32
    %dma_wait3A_705 = tpu.memref_slice %arg6[%add3A_68, %dma_wait3A_704] : memref<327680x64xf32, #tpu.memory_space<hbm>> -> memref<256x64xf32, #tpu.memory_space<hbm>>
    tpu.wait_dma2 semaphore(%arg22 : memref<!tpu.dma_semaphore, #tpu.memory_space<semaphore_mem>>) src(%arg10 : memref<256x64xf32, #tpu.memory_space<vmem>>) dst(%dma_wait3A_705 : memref<256x64xf32, #tpu.memory_space<hbm>>)
    %dma_start3A_706 = arith.constant 8960 : i32
    %dma_start3A_707 = tpu.memref_slice %arg8[%dma_start3A_706] : memref<10240xi32, #tpu.memory_space<vmem>> -> memref<256xi32, #tpu.memory_space<vmem>>
    %dma_start3A_708 = arith.constant 0 : i32
    %dma_start3A_709 = arith.constant 0 : i32
    %dma_start3A_710 = tpu.memref_slice %arg4[%dma_start3A_708, %dma_start3A_709] : memref<1000000x64xf32, #tpu.memory_space<hbm>> -> memref<1000000x64xf32, #tpu.memory_space<hbm>>
    tpu.enqueue_indirect_dma source(%dma_start3A_710 : memref<1000000x64xf32, #tpu.memory_space<hbm>>) target(%arg10 : memref<256x64xf32, #tpu.memory_space<vmem>>) offsets(%dma_start3A_707 : memref<256xi32, #tpu.memory_space<vmem>>) semaphore(%arg16 : memref<!tpu.dma_semaphore, #tpu.memory_space<semaphore_mem>>)
    %dma_wait3A_711 = arith.constant 8192 : i32
    %dma_wait3A_712 = tpu.memref_slice %arg8[%dma_wait3A_711] : memref<10240xi32, #tpu.memory_space<vmem>> -> memref<256xi32, #tpu.memory_space<vmem>>
    %dma_wait3A_713 = arith.constant 0 : i32
    %dma_wait3A_714 = arith.constant 0 : i32
    %dma_wait3A_715 = tpu.memref_slice %arg4[%dma_wait3A_713, %dma_wait3A_714] : memref<1000000x64xf32, #tpu.memory_space<hbm>> -> memref<1000000x64xf32, #tpu.memory_space<hbm>>
    tpu.wait_indirect_dma semaphore(%arg19 : memref<!tpu.dma_semaphore, #tpu.memory_space<semaphore_mem>>) src(%dma_wait3A_715 : memref<1000000x64xf32, #tpu.memory_space<hbm>>) dst(%arg13 : memref<256x64xf32, #tpu.memory_space<vmem>>)
    %dma_start3A_716 = arith.constant 0 : i32
    %dma_start3A_717 = tpu.memref_slice %arg6[%add3A_74, %dma_start3A_716] : memref<327680x64xf32, #tpu.memory_space<hbm>> -> memref<256x64xf32, #tpu.memory_space<hbm>>
    %dma_start3A_718 = arith.constant 0 : i32
    %dma_start3A_719 = tpu.memref_slice %arg6[%add3A_74, %dma_start3A_718] : memref<327680x64xf32, #tpu.memory_space<hbm>> -> memref<256x64xf32, #tpu.memory_space<hbm>>
    tpu.enqueue_dma source(%arg13 : memref<256x64xf32, #tpu.memory_space<vmem>>) target(%dma_start3A_719 : memref<256x64xf32, #tpu.memory_space<hbm>>) target_semaphore(%arg25 : memref<!tpu.dma_semaphore, #tpu.memory_space<semaphore_mem>>)
    %dma_wait3A_720 = arith.constant 0 : i32
    %dma_wait3A_721 = tpu.memref_slice %arg6[%add3A_70, %dma_wait3A_720] : memref<327680x64xf32, #tpu.memory_space<hbm>> -> memref<256x64xf32, #tpu.memory_space<hbm>>
    %dma_wait3A_722 = arith.constant 0 : i32
    %dma_wait3A_723 = tpu.memref_slice %arg6[%add3A_70, %dma_wait3A_722] : memref<327680x64xf32, #tpu.memory_space<hbm>> -> memref<256x64xf32, #tpu.memory_space<hbm>>
    tpu.wait_dma2 semaphore(%arg23 : memref<!tpu.dma_semaphore, #tpu.memory_space<semaphore_mem>>) src(%arg11 : memref<256x64xf32, #tpu.memory_space<vmem>>) dst(%dma_wait3A_723 : memref<256x64xf32, #tpu.memory_space<hbm>>)
    %dma_start3A_724 = arith.constant 9216 : i32
    %dma_start3A_725 = tpu.memref_slice %arg8[%dma_start3A_724] : memref<10240xi32, #tpu.memory_space<vmem>> -> memref<256xi32, #tpu.memory_space<vmem>>
    %dma_start3A_726 = arith.constant 0 : i32
    %dma_start3A_727 = arith.constant 0 : i32
    %dma_start3A_728 = tpu.memref_slice %arg4[%dma_start3A_726, %dma_start3A_727] : memref<1000000x64xf32, #tpu.memory_space<hbm>> -> memref<1000000x64xf32, #tpu.memory_space<hbm>>
    tpu.enqueue_indirect_dma source(%dma_start3A_728 : memref<1000000x64xf32, #tpu.memory_space<hbm>>) target(%arg11 : memref<256x64xf32, #tpu.memory_space<vmem>>) offsets(%dma_start3A_725 : memref<256xi32, #tpu.memory_space<vmem>>) semaphore(%arg17 : memref<!tpu.dma_semaphore, #tpu.memory_space<semaphore_mem>>)
    %dma_wait3A_729 = arith.constant 8448 : i32
    %dma_wait3A_730 = tpu.memref_slice %arg8[%dma_wait3A_729] : memref<10240xi32, #tpu.memory_space<vmem>> -> memref<256xi32, #tpu.memory_space<vmem>>
    %dma_wait3A_731 = arith.constant 0 : i32
    %dma_wait3A_732 = arith.constant 0 : i32
    %dma_wait3A_733 = tpu.memref_slice %arg4[%dma_wait3A_731, %dma_wait3A_732] : memref<1000000x64xf32, #tpu.memory_space<hbm>> -> memref<1000000x64xf32, #tpu.memory_space<hbm>>
    tpu.wait_indirect_dma semaphore(%arg20 : memref<!tpu.dma_semaphore, #tpu.memory_space<semaphore_mem>>) src(%dma_wait3A_733 : memref<1000000x64xf32, #tpu.memory_space<hbm>>) dst(%arg14 : memref<256x64xf32, #tpu.memory_space<vmem>>)
    %dma_start3A_734 = arith.constant 0 : i32
    %dma_start3A_735 = tpu.memref_slice %arg6[%add3A_76, %dma_start3A_734] : memref<327680x64xf32, #tpu.memory_space<hbm>> -> memref<256x64xf32, #tpu.memory_space<hbm>>
    %dma_start3A_736 = arith.constant 0 : i32
    %dma_start3A_737 = tpu.memref_slice %arg6[%add3A_76, %dma_start3A_736] : memref<327680x64xf32, #tpu.memory_space<hbm>> -> memref<256x64xf32, #tpu.memory_space<hbm>>
    tpu.enqueue_dma source(%arg14 : memref<256x64xf32, #tpu.memory_space<vmem>>) target(%dma_start3A_737 : memref<256x64xf32, #tpu.memory_space<hbm>>) target_semaphore(%arg26 : memref<!tpu.dma_semaphore, #tpu.memory_space<semaphore_mem>>)
    %dma_wait3A_738 = arith.constant 0 : i32
    %dma_wait3A_739 = tpu.memref_slice %arg6[%add3A_72, %dma_wait3A_738] : memref<327680x64xf32, #tpu.memory_space<hbm>> -> memref<256x64xf32, #tpu.memory_space<hbm>>
    %dma_wait3A_740 = arith.constant 0 : i32
    %dma_wait3A_741 = tpu.memref_slice %arg6[%add3A_72, %dma_wait3A_740] : memref<327680x64xf32, #tpu.memory_space<hbm>> -> memref<256x64xf32, #tpu.memory_space<hbm>>
    tpu.wait_dma2 semaphore(%arg24 : memref<!tpu.dma_semaphore, #tpu.memory_space<semaphore_mem>>) src(%arg12 : memref<256x64xf32, #tpu.memory_space<vmem>>) dst(%dma_wait3A_741 : memref<256x64xf32, #tpu.memory_space<hbm>>)
    %dma_start3A_742 = arith.constant 9472 : i32
    %dma_start3A_743 = tpu.memref_slice %arg8[%dma_start3A_742] : memref<10240xi32, #tpu.memory_space<vmem>> -> memref<256xi32, #tpu.memory_space<vmem>>
    %dma_start3A_744 = arith.constant 0 : i32
    %dma_start3A_745 = arith.constant 0 : i32
    %dma_start3A_746 = tpu.memref_slice %arg4[%dma_start3A_744, %dma_start3A_745] : memref<1000000x64xf32, #tpu.memory_space<hbm>> -> memref<1000000x64xf32, #tpu.memory_space<hbm>>
    tpu.enqueue_indirect_dma source(%dma_start3A_746 : memref<1000000x64xf32, #tpu.memory_space<hbm>>) target(%arg12 : memref<256x64xf32, #tpu.memory_space<vmem>>) offsets(%dma_start3A_743 : memref<256xi32, #tpu.memory_space<vmem>>) semaphore(%arg18 : memref<!tpu.dma_semaphore, #tpu.memory_space<semaphore_mem>>)
    %dma_wait3A_747 = arith.constant 8704 : i32
    %dma_wait3A_748 = tpu.memref_slice %arg8[%dma_wait3A_747] : memref<10240xi32, #tpu.memory_space<vmem>> -> memref<256xi32, #tpu.memory_space<vmem>>
    %dma_wait3A_749 = arith.constant 0 : i32
    %dma_wait3A_750 = arith.constant 0 : i32
    %dma_wait3A_751 = tpu.memref_slice %arg4[%dma_wait3A_749, %dma_wait3A_750] : memref<1000000x64xf32, #tpu.memory_space<hbm>> -> memref<1000000x64xf32, #tpu.memory_space<hbm>>
    tpu.wait_indirect_dma semaphore(%arg15 : memref<!tpu.dma_semaphore, #tpu.memory_space<semaphore_mem>>) src(%dma_wait3A_751 : memref<1000000x64xf32, #tpu.memory_space<hbm>>) dst(%arg9 : memref<256x64xf32, #tpu.memory_space<vmem>>)
    %dma_start3A_752 = arith.constant 0 : i32
    %dma_start3A_753 = tpu.memref_slice %arg6[%add3A_78, %dma_start3A_752] : memref<327680x64xf32, #tpu.memory_space<hbm>> -> memref<256x64xf32, #tpu.memory_space<hbm>>
    %dma_start3A_754 = arith.constant 0 : i32
    %dma_start3A_755 = tpu.memref_slice %arg6[%add3A_78, %dma_start3A_754] : memref<327680x64xf32, #tpu.memory_space<hbm>> -> memref<256x64xf32, #tpu.memory_space<hbm>>
    tpu.enqueue_dma source(%arg9 : memref<256x64xf32, #tpu.memory_space<vmem>>) target(%dma_start3A_755 : memref<256x64xf32, #tpu.memory_space<hbm>>) target_semaphore(%arg21 : memref<!tpu.dma_semaphore, #tpu.memory_space<semaphore_mem>>)
    %dma_wait3A_756 = arith.constant 0 : i32
    %dma_wait3A_757 = tpu.memref_slice %arg6[%add3A_74, %dma_wait3A_756] : memref<327680x64xf32, #tpu.memory_space<hbm>> -> memref<256x64xf32, #tpu.memory_space<hbm>>
    %dma_wait3A_758 = arith.constant 0 : i32
    %dma_wait3A_759 = tpu.memref_slice %arg6[%add3A_74, %dma_wait3A_758] : memref<327680x64xf32, #tpu.memory_space<hbm>> -> memref<256x64xf32, #tpu.memory_space<hbm>>
    tpu.wait_dma2 semaphore(%arg25 : memref<!tpu.dma_semaphore, #tpu.memory_space<semaphore_mem>>) src(%arg13 : memref<256x64xf32, #tpu.memory_space<vmem>>) dst(%dma_wait3A_759 : memref<256x64xf32, #tpu.memory_space<hbm>>)
    %dma_start3A_760 = arith.constant 9728 : i32
    %dma_start3A_761 = tpu.memref_slice %arg8[%dma_start3A_760] : memref<10240xi32, #tpu.memory_space<vmem>> -> memref<256xi32, #tpu.memory_space<vmem>>
    %dma_start3A_762 = arith.constant 0 : i32
    %dma_start3A_763 = arith.constant 0 : i32
    %dma_start3A_764 = tpu.memref_slice %arg4[%dma_start3A_762, %dma_start3A_763] : memref<1000000x64xf32, #tpu.memory_space<hbm>> -> memref<1000000x64xf32, #tpu.memory_space<hbm>>
    tpu.enqueue_indirect_dma source(%dma_start3A_764 : memref<1000000x64xf32, #tpu.memory_space<hbm>>) target(%arg13 : memref<256x64xf32, #tpu.memory_space<vmem>>) offsets(%dma_start3A_761 : memref<256xi32, #tpu.memory_space<vmem>>) semaphore(%arg19 : memref<!tpu.dma_semaphore, #tpu.memory_space<semaphore_mem>>)
    %dma_wait3A_765 = arith.constant 8960 : i32
    %dma_wait3A_766 = tpu.memref_slice %arg8[%dma_wait3A_765] : memref<10240xi32, #tpu.memory_space<vmem>> -> memref<256xi32, #tpu.memory_space<vmem>>
    %dma_wait3A_767 = arith.constant 0 : i32
    %dma_wait3A_768 = arith.constant 0 : i32
    %dma_wait3A_769 = tpu.memref_slice %arg4[%dma_wait3A_767, %dma_wait3A_768] : memref<1000000x64xf32, #tpu.memory_space<hbm>> -> memref<1000000x64xf32, #tpu.memory_space<hbm>>
    tpu.wait_indirect_dma semaphore(%arg16 : memref<!tpu.dma_semaphore, #tpu.memory_space<semaphore_mem>>) src(%dma_wait3A_769 : memref<1000000x64xf32, #tpu.memory_space<hbm>>) dst(%arg10 : memref<256x64xf32, #tpu.memory_space<vmem>>)
    %dma_start3A_770 = arith.constant 0 : i32
    %dma_start3A_771 = tpu.memref_slice %arg6[%add3A_80, %dma_start3A_770] : memref<327680x64xf32, #tpu.memory_space<hbm>> -> memref<256x64xf32, #tpu.memory_space<hbm>>
    %dma_start3A_772 = arith.constant 0 : i32
    %dma_start3A_773 = tpu.memref_slice %arg6[%add3A_80, %dma_start3A_772] : memref<327680x64xf32, #tpu.memory_space<hbm>> -> memref<256x64xf32, #tpu.memory_space<hbm>>
    tpu.enqueue_dma source(%arg10 : memref<256x64xf32, #tpu.memory_space<vmem>>) target(%dma_start3A_773 : memref<256x64xf32, #tpu.memory_space<hbm>>) target_semaphore(%arg22 : memref<!tpu.dma_semaphore, #tpu.memory_space<semaphore_mem>>)
    %dma_wait3A_774 = arith.constant 0 : i32
    %dma_wait3A_775 = tpu.memref_slice %arg6[%add3A_76, %dma_wait3A_774] : memref<327680x64xf32, #tpu.memory_space<hbm>> -> memref<256x64xf32, #tpu.memory_space<hbm>>
    %dma_wait3A_776 = arith.constant 0 : i32
    %dma_wait3A_777 = tpu.memref_slice %arg6[%add3A_76, %dma_wait3A_776] : memref<327680x64xf32, #tpu.memory_space<hbm>> -> memref<256x64xf32, #tpu.memory_space<hbm>>
    tpu.wait_dma2 semaphore(%arg26 : memref<!tpu.dma_semaphore, #tpu.memory_space<semaphore_mem>>) src(%arg14 : memref<256x64xf32, #tpu.memory_space<vmem>>) dst(%dma_wait3A_777 : memref<256x64xf32, #tpu.memory_space<hbm>>)
    %dma_start3A_778 = arith.constant 9984 : i32
    %dma_start3A_779 = tpu.memref_slice %arg8[%dma_start3A_778] : memref<10240xi32, #tpu.memory_space<vmem>> -> memref<256xi32, #tpu.memory_space<vmem>>
    %dma_start3A_780 = arith.constant 0 : i32
    %dma_start3A_781 = arith.constant 0 : i32
    %dma_start3A_782 = tpu.memref_slice %arg4[%dma_start3A_780, %dma_start3A_781] : memref<1000000x64xf32, #tpu.memory_space<hbm>> -> memref<1000000x64xf32, #tpu.memory_space<hbm>>
    tpu.enqueue_indirect_dma source(%dma_start3A_782 : memref<1000000x64xf32, #tpu.memory_space<hbm>>) target(%arg14 : memref<256x64xf32, #tpu.memory_space<vmem>>) offsets(%dma_start3A_779 : memref<256xi32, #tpu.memory_space<vmem>>) semaphore(%arg20 : memref<!tpu.dma_semaphore, #tpu.memory_space<semaphore_mem>>)
    %dma_wait3A_783 = arith.constant 9216 : i32
    %dma_wait3A_784 = tpu.memref_slice %arg8[%dma_wait3A_783] : memref<10240xi32, #tpu.memory_space<vmem>> -> memref<256xi32, #tpu.memory_space<vmem>>
    %dma_wait3A_785 = arith.constant 0 : i32
    %dma_wait3A_786 = arith.constant 0 : i32
    %dma_wait3A_787 = tpu.memref_slice %arg4[%dma_wait3A_785, %dma_wait3A_786] : memref<1000000x64xf32, #tpu.memory_space<hbm>> -> memref<1000000x64xf32, #tpu.memory_space<hbm>>
    tpu.wait_indirect_dma semaphore(%arg17 : memref<!tpu.dma_semaphore, #tpu.memory_space<semaphore_mem>>) src(%dma_wait3A_787 : memref<1000000x64xf32, #tpu.memory_space<hbm>>) dst(%arg11 : memref<256x64xf32, #tpu.memory_space<vmem>>)
    %dma_start3A_788 = arith.constant 0 : i32
    %dma_start3A_789 = tpu.memref_slice %arg6[%add3A_82, %dma_start3A_788] : memref<327680x64xf32, #tpu.memory_space<hbm>> -> memref<256x64xf32, #tpu.memory_space<hbm>>
    %dma_start3A_790 = arith.constant 0 : i32
    %dma_start3A_791 = tpu.memref_slice %arg6[%add3A_82, %dma_start3A_790] : memref<327680x64xf32, #tpu.memory_space<hbm>> -> memref<256x64xf32, #tpu.memory_space<hbm>>
    tpu.enqueue_dma source(%arg11 : memref<256x64xf32, #tpu.memory_space<vmem>>) target(%dma_start3A_791 : memref<256x64xf32, #tpu.memory_space<hbm>>) target_semaphore(%arg23 : memref<!tpu.dma_semaphore, #tpu.memory_space<semaphore_mem>>)
    %dma_wait3A_792 = arith.constant 9472 : i32
    %dma_wait3A_793 = tpu.memref_slice %arg8[%dma_wait3A_792] : memref<10240xi32, #tpu.memory_space<vmem>> -> memref<256xi32, #tpu.memory_space<vmem>>
    %dma_wait3A_794 = arith.constant 0 : i32
    %dma_wait3A_795 = arith.constant 0 : i32
    %dma_wait3A_796 = tpu.memref_slice %arg4[%dma_wait3A_794, %dma_wait3A_795] : memref<1000000x64xf32, #tpu.memory_space<hbm>> -> memref<1000000x64xf32, #tpu.memory_space<hbm>>
    tpu.wait_indirect_dma semaphore(%arg18 : memref<!tpu.dma_semaphore, #tpu.memory_space<semaphore_mem>>) src(%dma_wait3A_796 : memref<1000000x64xf32, #tpu.memory_space<hbm>>) dst(%arg12 : memref<256x64xf32, #tpu.memory_space<vmem>>)
    %dma_start3A_797 = arith.constant 0 : i32
    %dma_start3A_798 = tpu.memref_slice %arg6[%add3A_84, %dma_start3A_797] : memref<327680x64xf32, #tpu.memory_space<hbm>> -> memref<256x64xf32, #tpu.memory_space<hbm>>
    %dma_start3A_799 = arith.constant 0 : i32
    %dma_start3A_800 = tpu.memref_slice %arg6[%add3A_84, %dma_start3A_799] : memref<327680x64xf32, #tpu.memory_space<hbm>> -> memref<256x64xf32, #tpu.memory_space<hbm>>
    tpu.enqueue_dma source(%arg12 : memref<256x64xf32, #tpu.memory_space<vmem>>) target(%dma_start3A_800 : memref<256x64xf32, #tpu.memory_space<hbm>>) target_semaphore(%arg24 : memref<!tpu.dma_semaphore, #tpu.memory_space<semaphore_mem>>)
    %dma_wait3A_801 = arith.constant 9728 : i32
    %dma_wait3A_802 = tpu.memref_slice %arg8[%dma_wait3A_801] : memref<10240xi32, #tpu.memory_space<vmem>> -> memref<256xi32, #tpu.memory_space<vmem>>
    %dma_wait3A_803 = arith.constant 0 : i32
    %dma_wait3A_804 = arith.constant 0 : i32
    %dma_wait3A_805 = tpu.memref_slice %arg4[%dma_wait3A_803, %dma_wait3A_804] : memref<1000000x64xf32, #tpu.memory_space<hbm>> -> memref<1000000x64xf32, #tpu.memory_space<hbm>>
    tpu.wait_indirect_dma semaphore(%arg19 : memref<!tpu.dma_semaphore, #tpu.memory_space<semaphore_mem>>) src(%dma_wait3A_805 : memref<1000000x64xf32, #tpu.memory_space<hbm>>) dst(%arg13 : memref<256x64xf32, #tpu.memory_space<vmem>>)
    %dma_start3A_806 = arith.constant 0 : i32
    %dma_start3A_807 = tpu.memref_slice %arg6[%add3A_86, %dma_start3A_806] : memref<327680x64xf32, #tpu.memory_space<hbm>> -> memref<256x64xf32, #tpu.memory_space<hbm>>
    %dma_start3A_808 = arith.constant 0 : i32
    %dma_start3A_809 = tpu.memref_slice %arg6[%add3A_86, %dma_start3A_808] : memref<327680x64xf32, #tpu.memory_space<hbm>> -> memref<256x64xf32, #tpu.memory_space<hbm>>
    tpu.enqueue_dma source(%arg13 : memref<256x64xf32, #tpu.memory_space<vmem>>) target(%dma_start3A_809 : memref<256x64xf32, #tpu.memory_space<hbm>>) target_semaphore(%arg25 : memref<!tpu.dma_semaphore, #tpu.memory_space<semaphore_mem>>)
    %dma_wait3A_810 = arith.constant 9984 : i32
    %dma_wait3A_811 = tpu.memref_slice %arg8[%dma_wait3A_810] : memref<10240xi32, #tpu.memory_space<vmem>> -> memref<256xi32, #tpu.memory_space<vmem>>
    %dma_wait3A_812 = arith.constant 0 : i32
    %dma_wait3A_813 = arith.constant 0 : i32
    %dma_wait3A_814 = tpu.memref_slice %arg4[%dma_wait3A_812, %dma_wait3A_813] : memref<1000000x64xf32, #tpu.memory_space<hbm>> -> memref<1000000x64xf32, #tpu.memory_space<hbm>>
    tpu.wait_indirect_dma semaphore(%arg20 : memref<!tpu.dma_semaphore, #tpu.memory_space<semaphore_mem>>) src(%dma_wait3A_814 : memref<1000000x64xf32, #tpu.memory_space<hbm>>) dst(%arg14 : memref<256x64xf32, #tpu.memory_space<vmem>>)
    %dma_start3A_815 = arith.constant 0 : i32
    %dma_start3A_816 = tpu.memref_slice %arg6[%add3A_88, %dma_start3A_815] : memref<327680x64xf32, #tpu.memory_space<hbm>> -> memref<256x64xf32, #tpu.memory_space<hbm>>
    %dma_start3A_817 = arith.constant 0 : i32
    %dma_start3A_818 = tpu.memref_slice %arg6[%add3A_88, %dma_start3A_817] : memref<327680x64xf32, #tpu.memory_space<hbm>> -> memref<256x64xf32, #tpu.memory_space<hbm>>
    tpu.enqueue_dma source(%arg14 : memref<256x64xf32, #tpu.memory_space<vmem>>) target(%dma_start3A_818 : memref<256x64xf32, #tpu.memory_space<hbm>>) target_semaphore(%arg26 : memref<!tpu.dma_semaphore, #tpu.memory_space<semaphore_mem>>)
    %dma_wait3A_819 = arith.constant 0 : i32
    %dma_wait3A_820 = tpu.memref_slice %arg6[%add3A_78, %dma_wait3A_819] : memref<327680x64xf32, #tpu.memory_space<hbm>> -> memref<256x64xf32, #tpu.memory_space<hbm>>
    %dma_wait3A_821 = arith.constant 0 : i32
    %dma_wait3A_822 = tpu.memref_slice %arg6[%add3A_78, %dma_wait3A_821] : memref<327680x64xf32, #tpu.memory_space<hbm>> -> memref<256x64xf32, #tpu.memory_space<hbm>>
    tpu.wait_dma2 semaphore(%arg21 : memref<!tpu.dma_semaphore, #tpu.memory_space<semaphore_mem>>) src(%arg9 : memref<256x64xf32, #tpu.memory_space<vmem>>) dst(%dma_wait3A_822 : memref<256x64xf32, #tpu.memory_space<hbm>>)
    %dma_wait3A_823 = arith.constant 0 : i32
    %dma_wait3A_824 = tpu.memref_slice %arg6[%add3A_80, %dma_wait3A_823] : memref<327680x64xf32, #tpu.memory_space<hbm>> -> memref<256x64xf32, #tpu.memory_space<hbm>>
    %dma_wait3A_825 = arith.constant 0 : i32
    %dma_wait3A_826 = tpu.memref_slice %arg6[%add3A_80, %dma_wait3A_825] : memref<327680x64xf32, #tpu.memory_space<hbm>> -> memref<256x64xf32, #tpu.memory_space<hbm>>
    tpu.wait_dma2 semaphore(%arg22 : memref<!tpu.dma_semaphore, #tpu.memory_space<semaphore_mem>>) src(%arg10 : memref<256x64xf32, #tpu.memory_space<vmem>>) dst(%dma_wait3A_826 : memref<256x64xf32, #tpu.memory_space<hbm>>)
    %dma_wait3A_827 = arith.constant 0 : i32
    %dma_wait3A_828 = tpu.memref_slice %arg6[%add3A_82, %dma_wait3A_827] : memref<327680x64xf32, #tpu.memory_space<hbm>> -> memref<256x64xf32, #tpu.memory_space<hbm>>
    %dma_wait3A_829 = arith.constant 0 : i32
    %dma_wait3A_830 = tpu.memref_slice %arg6[%add3A_82, %dma_wait3A_829] : memref<327680x64xf32, #tpu.memory_space<hbm>> -> memref<256x64xf32, #tpu.memory_space<hbm>>
    tpu.wait_dma2 semaphore(%arg23 : memref<!tpu.dma_semaphore, #tpu.memory_space<semaphore_mem>>) src(%arg11 : memref<256x64xf32, #tpu.memory_space<vmem>>) dst(%dma_wait3A_830 : memref<256x64xf32, #tpu.memory_space<hbm>>)
    %dma_wait3A_831 = arith.constant 0 : i32
    %dma_wait3A_832 = tpu.memref_slice %arg6[%add3A_84, %dma_wait3A_831] : memref<327680x64xf32, #tpu.memory_space<hbm>> -> memref<256x64xf32, #tpu.memory_space<hbm>>
    %dma_wait3A_833 = arith.constant 0 : i32
    %dma_wait3A_834 = tpu.memref_slice %arg6[%add3A_84, %dma_wait3A_833] : memref<327680x64xf32, #tpu.memory_space<hbm>> -> memref<256x64xf32, #tpu.memory_space<hbm>>
    tpu.wait_dma2 semaphore(%arg24 : memref<!tpu.dma_semaphore, #tpu.memory_space<semaphore_mem>>) src(%arg12 : memref<256x64xf32, #tpu.memory_space<vmem>>) dst(%dma_wait3A_834 : memref<256x64xf32, #tpu.memory_space<hbm>>)
    %dma_wait3A_835 = arith.constant 0 : i32
    %dma_wait3A_836 = tpu.memref_slice %arg6[%add3A_86, %dma_wait3A_835] : memref<327680x64xf32, #tpu.memory_space<hbm>> -> memref<256x64xf32, #tpu.memory_space<hbm>>
    %dma_wait3A_837 = arith.constant 0 : i32
    %dma_wait3A_838 = tpu.memref_slice %arg6[%add3A_86, %dma_wait3A_837] : memref<327680x64xf32, #tpu.memory_space<hbm>> -> memref<256x64xf32, #tpu.memory_space<hbm>>
    tpu.wait_dma2 semaphore(%arg25 : memref<!tpu.dma_semaphore, #tpu.memory_space<semaphore_mem>>) src(%arg13 : memref<256x64xf32, #tpu.memory_space<vmem>>) dst(%dma_wait3A_838 : memref<256x64xf32, #tpu.memory_space<hbm>>)
    %dma_wait3A_839 = arith.constant 0 : i32
    %dma_wait3A_840 = tpu.memref_slice %arg6[%add3A_88, %dma_wait3A_839] : memref<327680x64xf32, #tpu.memory_space<hbm>> -> memref<256x64xf32, #tpu.memory_space<hbm>>
    %dma_wait3A_841 = arith.constant 0 : i32
    %dma_wait3A_842 = tpu.memref_slice %arg6[%add3A_88, %dma_wait3A_841] : memref<327680x64xf32, #tpu.memory_space<hbm>> -> memref<256x64xf32, #tpu.memory_space<hbm>>
    tpu.wait_dma2 semaphore(%arg26 : memref<!tpu.dma_semaphore, #tpu.memory_space<semaphore_mem>>) src(%arg14 : memref<256x64xf32, #tpu.memory_space<vmem>>) dst(%dma_wait3A_842 : memref<256x64xf32, #tpu.memory_space<hbm>>)
    return
  }
}

</mosaic_0001>

<sc_bundles>
// kernel: kernel.4.cloned.1.call-start
scs
__scs_entry_jumppad:
0x0: {  	(pc) =	sbr.rel $0x88, $3  }
0x1: {  	(tag) =	ssettag $0x0;
	lr =	simm.s32 $0x1  }
0x2: {  	[smem:$0x3F9C] =	sst lr;
	_ =	strace $0xD0000000  }
0x3: {  	_ = 	snop  }
0x4: {  	_ = 	snop  }
0x5: {  	_ = 	snop  }
0x6: {  	_ = 	snop  }
0x7: {  	_ = 	snop  }
__scs_overlays_trampoline_lowered:
0x8: {  	[smem:$0x3FAB] =	sst s0  }
0x9: {  	[smem:$0x3FAC] =	sst s1  }
0xa: {  	[smem:$0x3FAD] =	sst s2  }
0xb: {  	[smem:$0x3FAE] =	sst s3  }
0xc: {  	[smem:$0x3FAF] =	sst s4  }
0xd: {  	[smem:$0x3FB0] =	sst s5  }
0xe: {  	[smem:$0x3FB1] =	sst s6  }
0xf: {  	[smem:$0x3FB2] =	sst s7  }
0x10: {  	[smem:$0x3FB3] =	sst s8  }
0x11: {  	[smem:$0x3FB4] =	sst s9;
	s0 =	simm.s32 @!p0 $0x0  }
0x12: {  	s1 =	sld [smem:$0x3F9A];
	s0 =	simm.s32 @p0 $0x1  }
0x13: {  	[smem:$0x3FB5] =	sst s0;
	s0 =	simm.s32 @!p1 $0x0  }
0x14: {  	s2 =	sld [smem:$0x3F99];
	s0 =	simm.s32 @p1 $0x1  }
0x15: {  	[smem:$0x3FB6] =	sst s0;
	s0 =	simm.s32 @!p2 $0x0  }
0x16: {  	s3 =	sld [smem:$0x3FDB];
	s0 =	simm.s32 @p2 $0x1  }
0x17: {  	s4 =	simm.s32 $0x1BF5;
	[smem:$0x3FB8] =	sst s0  }
0x18: {  	s0 =	sld [smem:$0x3F9B];
	_ =	swait.ge [sflag:s4], $0x0  }
0x19: {  	s7 =	sld [smem:$0x3F9C]  }
0x1a: {  	s8 =	sadd.s32 $0xFFFFE003, lr  }
0x1b: {  	s9 =	sadd.s32 $0xFFFFFEF7, lr;
	s5 =	simm.s32 $0xFFFFFFFF;
	p2 =	slt.u32 s8, $0xFFFFF086  }
0x1c: {  	p1 =	slt.u32 s9, $0xF7A;
	s5 =	simm.s32 @!p2 $0x0  }
0x1d: {  	s5 =	simm.s32 @p1 $0x1;
	p0 =	seq.s32 s7, s2  }
0x1e: {  	s7 =	smul.u32 @!p0 $0xF7A, s2;
	p2 =	seq.s32 @!p0 s5, $0x0  }
0x1f: {  	s9 =	smul.u32 $0xF7A, s1;
	s8 =	simm.s32 @!p0 $0x1BF5;
	p2 =	por !p2, p0  }
0x20: {  	[sflag:s8] =	ssyncset.s32 @!p0 $0xFFFFF086;
	s6 =	sadd.s32 @!p0 s3, s7;
	s7 =	simm.s32 @!p0 $0x108  }
0x21: {  	s3 =	sadd.s32 s3, s9;
	s6 =	sadd.s32 @!p0 $0x88, s6;
	s7 =	simm.s32 @p2 $0x1082  }
0x22: {  	[simem:s7], [sflag:s8] =	dma.local @!p0 [hbm:s6], $0xF7A  }
0x23: {  	s9 =	sor.u32 $0xD0000000, s2;
	s6 =	simm.s32 $0x108;
	_ =	swait.ge @!p0 [sflag:s8], $0x0  }
0x24: {  	s3 =	sadd.s32 $0x88, s3;
	s6 =	simm.s32 @!p1 $0x1082;
	[sflag:s4] =	ssyncset.s32 $0xFFFFF086  }
0x25: {  	[simem:s6], [sflag:s4] =	dma.local [hbm:s3], $0xF7A  }
0x26: {  	[smem:$0x3F9C] =	sst s1;
	(tag) =	ssettag s2;
	_ =	strace s9  }
0x27: {  	s1 =	sld [smem:$0x3FAC]  }
0x28: {  	s2 =	sld [smem:$0x3FAD]  }
0x29: {  	s4 =	sld [smem:$0x3FAF]  }
0x2a: {  	p0 =	seq.s32 s5, $0x0;
	s5 =	sld [smem:$0x3FB0]  }
0x2b: {  	s6 =	sld [smem:$0x3FB1]  }
0x2c: {  	s7 =	sld [smem:$0x3FB2]  }
0x2d: {  	s3 =	simm.s32 $0x108;
	s8 =	sld [smem:$0x3FB3]  }
0x2e: {  	s3 =	simm.s32 @!p0 $0x1082;
	s9 =	sld [smem:$0x3FB4]  }
0x2f: {  	lr =	sadd.s32 s0, s3;
	s0 =	sld [smem:$0x3FAB]  }
0x30: {  	s3 =	sld [smem:$0x3FAE]  }
0x31: {  	[smem:$0x3FB7] =	sst s10  }
0x32: {  	s10 =	sld [smem:$0x3FB5];
	_ =	sdelay $0x3  }
0x33: {  	p0 =	seq.s32 s10, $0x1;
	s10 =	sld [smem:$0x3FB7];
	_ =	sdelay $0x3  }
0x34: {  	[smem:$0x3FB7] =	sst s10  }
0x35: {  	s10 =	sld [smem:$0x3FB6];
	_ =	sdelay $0x3  }
0x36: {  	p1 =	seq.s32 s10, $0x1;
	s10 =	sld [smem:$0x3FB7];
	_ =	sdelay $0x3  }
0x37: {  	[smem:$0x3FB7] =	sst s10  }
0x38: {  	s10 =	sld [smem:$0x3FB8]  }
0x39: {  	_ = 	snop;
	(pc) =	sbr.ind lr, $3  }
0x3a: {  	_ = 	snop  }
0x3b: {  	_ = 	snop  }
0x3c: {  	p2 =	seq.s32 s10, $0x1;
	s10 =	sld [smem:$0x3FB7]  }
0x3d: {  	_ =	shalt  }
0x3e: {  	_ =	shalt  }
0x3f: {  	_ =	shalt  }
0x40: {  	_ =	shalt  }
0x41: {  	_ =	shalt  }
0x42: {  	_ =	shalt  }
0x43: {  	_ =	shalt  }
0x44: {  	_ =	shalt  }
0x45: {  	_ =	shalt  }
0x46: {  	_ =	shalt  }
0x47: {  	_ =	shalt  }
0x48: {  	_ =	shalt  }
0x49: {  	_ =	shalt  }
0x4a: {  	_ =	shalt  }
0x4b: {  	_ =	shalt  }
0x4c: {  	_ =	shalt  }
0x4d: {  	_ =	shalt  }
0x4e: {  	_ =	shalt  }
0x4f: {  	_ =	shalt  }
0x50: {  	_ =	shalt  }
0x51: {  	_ =	shalt  }
0x52: {  	_ =	shalt  }
0x53: {  	_ =	shalt  }
0x54: {  	_ =	shalt  }
0x55: {  	_ =	shalt  }
0x56: {  	_ =	shalt  }
0x57: {  	_ =	shalt  }
0x58: {  	_ =	shalt  }
0x59: {  	_ =	shalt  }
0x5a: {  	_ =	shalt  }
0x5b: {  	_ =	shalt  }
0x5c: {  	_ =	shalt  }
0x5d: {  	_ =	shalt  }
0x5e: {  	_ =	shalt  }
0x5f: {  	_ =	shalt  }
0x60: {  	_ =	shalt  }
0x61: {  	_ =	shalt  }
0x62: {  	_ =	shalt  }
0x63: {  	_ =	shalt  }
0x64: {  	_ =	shalt  }
0x65: {  	_ =	shalt  }
0x66: {  	_ =	shalt  }
0x67: {  	_ =	shalt  }
0x68: {  	_ =	shalt  }
0x69: {  	_ =	shalt  }
0x6a: {  	_ =	shalt  }
0x6b: {  	_ =	shalt  }
0x6c: {  	_ =	shalt  }
0x6d: {  	_ =	shalt  }
0x6e: {  	_ =	shalt  }
0x6f: {  	_ =	shalt  }
0x70: {  	_ =	shalt  }
0x71: {  	_ =	shalt  }
0x72: {  	_ =	shalt  }
0x73: {  	_ =	shalt  }
0x74: {  	_ =	shalt  }
0x75: {  	_ =	shalt  }
0x76: {  	_ =	shalt  }
0x77: {  	_ =	shalt  }
0x78: {  	_ =	shalt  }
0x79: {  	_ =	shalt  }
0x7a: {  	_ =	shalt  }
0x7b: {  	_ =	shalt  }
0x7c: {  	_ =	shalt  }
0x7d: {  	_ =	shalt  }
0x7e: {  	_ =	shalt  }
0x7f: {  	_ =	shalt  }
0x80: {  	_ =	shalt  }
0x81: {  	_ =	shalt  }
0x82: {  	_ =	shalt  }
0x83: {  	_ =	shalt  }
0x84: {  	_ =	shalt  }
0x85: {  	_ =	shalt  }
0x86: {  	_ =	shalt  }
0x87: {  	_ =	shalt  }
.Lfunc_end0:
.L_simem_size_0:
called_computation.1_lowered:
.L_overlay_start_0:
0x88: {  	s2 =	sld [smem:$0x3FD9]  }
0x89: {  	s3 =	sld [smem:$0x3FFE];
	_ =	sdelay $0x1  }
0x8a: {  	s1 =	srdreg.scid  }
0x8b: {  	s0 =	sand.u32 $0x1, s1  }
0x8c: {  	s15 =	sshll.u32 s0, $0xA;
	s2 =	sadd.s32 s3, s2  }
0x8d: {  	s2 =	sadd.s32 s2, s15  }
0x8e: {  	[smem:$0x3FC3] =	sst s2  }
0x8f: {  	_ = 	snop  }
0x90: {  	s16 =	sld [smem:$0x3FD0];
	_ =	sdelay $0x2  }
0x91: {  	s4 =	simm.s32 $0xB;
	s5 =	simm.s32 $0x10;
	s2 =	sld [smem:$0x3FC9]  }
0x92: {  	[smem:s5], [sflag:s4] =	dma.local [hbm:s16], $0x1  }
0x93: {  	_ =	swait.eq [sflag:s4], $0x1  }
0x94: {  	[sflag:s4] =	ssyncset.done $0x0  }
0x95: {  	[sflag:s4] =	ssyncadd.s32 $0xFFFFFFFF  }
0x96: {  	s17 =	sld [smem:$0x11];
	(tm) =	ssettm $0x1  }
0x97: {  	s18 =	sld [smem:$0x3FFB];
	_ =	sdelay $0x3  }
0x98: {  	_ =	strace s18  }
0x99: {  	s3 =	sld [smem:$0x3FFC];
	_ =	sdelay $0x3  }
0x9a: {  	_ =	strace s3  }
0x9b: {  	s3 =	sld [smem:$0x3FFD];
	_ =	sdelay $0x3  }
0x9c: {  	_ =	strace s3  }
0x9d: {  	_ =	strace $0x8FFFFFFF  }
0x9e: {  	s19 =	sld [smem:$0x3FDB];
	_ =	sdelay $0x1  }
0x9f: {  	s20 =	simm.s32 $_scs_section_size  }
0xa0: {  	s6 =	simm.s32 $_size__tile_overlayer_lowered;
	s7 =	simm.s32 $_tile_overlayer_lowered  }
0xa1: {  	s8 =	simm.s32 $0x1BFF;
	s21 =	sshll.u32 s7, $0x1;
	s5 =	sadd.s32 s20, s19  }
0xa2: {  	s22 =	simm.s32 $0x0;
	s6 =	sshll.u32 s6, $0x1;
	s7 =	sadd.s32 s21, s5  }
0xa3: {  	[timem:s22], [sflag:s8] =	dma.local [hbm:s7], s6  }
0xa4: {  	_ =	swait.ge [sflag:s8], s6  }
0xa5: {  	s6 =	ssub.s32 $0x0, s6;
	[sflag:s8] =	ssyncset.done $0x0  }
0xa6: {  	[sflag:s8] =	ssyncadd.s32 s6;
	_ =	sdelay $0x1  }
0xa7: {  	s23 =	simm.s32 $0x1B8B  }
0xa8: {  	_ =	swait.ge [sflag:s23], $0x1  }
0xa9: {  	[sflag:s23] =	ssyncset.done $0x0  }
0xaa: {  	[sflag:s23] =	ssyncadd.s32 $0xFFFFFFFF  }
0xab: {  	s6 =	sld [smem:$0x0]  }
0xac: {  	s7 =	sand.u32 $0xFFFFFFFE, s1  }
0xad: {  	p0 =	sne.s32 s1, s7  }
0xae: {  	s7 =	sshll.u32 @p0 s7, $0xE  }
0xaf: {  	s7 =	sadd.s32 @p0 $0x11B8D, s7;
	s8 =	sshll.u32 @p0 s6, $0x11  }
0xb0: {  	s7 =	sor.u32 @p0 s8, s7  }
0xb1: {  	[sflag:s7] =	ssyncadd.remote.s32 @p0 $0x1;
	_ =	sdelay $0x1  }
0xb2: {  	s7 =	simm.s32 @p0 $0x1B8D  }
0xb3: {  	_ =	swait.eq @p0 [sflag:s7], $0x1  }
0xb4: {  	[sflag:s7] =	ssyncadd.s32 @p0 $0xFFFFFFFF  }
0xb5: {  	s8 =	sshll.u32 @!p0 s1, $0xE  }
0xb6: {  	s8 =	sor.u32 @!p0 $0x4000, s8;
	s7 =	simm.s32 @!p0 $0x1B8D  }
0xb7: {  	s6 =	sshll.u32 @!p0 s6, $0x11;
	s8 =	sadd.s32 @!p0 $0x11B8D, s8;
	_ =	swait.eq @!p0 [sflag:s7], $0x1  }
0xb8: {  	s6 =	sor.u32 @!p0 s6, s8;
	[sflag:s7] =	ssyncadd.s32 @!p0 $0xFFFFFFFF  }
0xb9: {  	s25 =	simm.s32 $0x1B8E;
	s24 =	sld [smem:$0x3FFE];
	[sflag:s6] =	ssyncadd.remote.s32 @!p0 $0x1  }
0xba: {  	s26 =	simm.s32 $execute0_lowered;
	[smem:$0x3FD2] =	sst s25  }
0xbb: {  	s7 =	sshll.u32 s26, $0x1;
	_ =	strace $0x80000049;
	[dreg:$0x1] =	wrdreg $0xFFFFFFFF  }
0xbc: {  	s28 =	simm.s32 $_size_execute0_lowered;
	s5 =	sadd.s32 s5, s7;
	[dreg:$0x0] =	wrdreg $0x0  }
0xbd: {  	s7 =	sshll.u32 s28, $0x1;
	[dreg:$0x2] =	wrdreg s5  }
0xbe: {  	[dreg:$0x3] =	wrdreg s7  }
0xbf: {  	[dreg:$0x4] =	wrdreg $0xC0  }
0xc0: {  	_ =	task [dreg:s22], $0x5FFFF  }
0xc1: {  	[dreg:$0x1] =	wrdreg $0xFFFFFFFF  }
0xc2: {  	[dreg:$0x0] =	wrdreg $0x60  }
0xc3: {  	[dreg:$0x2] =	wrdreg s2  }
0xc4: {  	[dreg:$0x3] =	wrdreg s24  }
0xc5: {  	[dreg:$0x4] =	wrdreg s17  }
0xc6: {  	[dreg:$0x5] =	wrdreg $0x9  }
0xc7: {  	_ =	task.clear_ibuf [dreg:s22], $0x6FFFF;
	_ =	strace $0x90000049  }
0xc8: {  	s29 =	simm.s32 $0x9;
	_ =	strace $0x8000004B  }
0xc9: {  	_ =	swait.ge [sflag:s29], $0x1  }
0xca: {  	[sflag:s29] =	ssyncadd.s32 $0xFFFFFFFF  }
0xcb: {  	_ =	strace $0x9000004B  }
0xcc: {  	_ =	sfence  }
0xcd: {  	s30 =	sld [smem:$0x0];
	_ =	sdelay $0x2  }
0xce: {  	s31 =	sshll.u32 s1, $0xD;
	s1 =	sshrl.u32 s1, $0x2  }
0xcf: {  	s4 =	sand.u32 $0x4000, s31;
	s1 =	sadd.s32 s1, s30  }
0xd0: {  	s0 =	sor.u32 s4, s0;
	s1 =	sshll.u32 s1, $0x11  }
0xd1: {  	s0 =	sor.u32 s1, s0  }
0xd2: {  	s0 =	sadd.s32 $0x8F2B, s0  }
0xd3: {  	[sflag:s0] =	ssyncadd.remote.s32 $0x1  }
0xd4: {  	_ =	sfence.sel $0xFFFF  }
0xd5: {  	[dreg:$0x0] =	wrdreg $0xFFFFFFFF;
	(pc) =	sbr.abs _section_cstart, $3  }
0xd6: {  	[dreg:$0x1] =	wrdreg $0xFFFFFFFF  }
0xd7: {  	_ =	task.clear_ibuf [dreg:s22], $0x2FFFF;
	_ =	strace $0x9FFFFFFF  }
0xd8: {  	(tm) =	ssettm $0x7FFFFFFF  }
0xd9: {  	_ =	shalt  }
tec
execute0_lowered:
.L_overlay_start_1:
0x0: {  	(tag) =	ssettag $0x1  }
0x1: {  	s3 =	rddreg [dreg:$0x0];
	s1 =	srdreg.scid  }
0x2: {  	s5 =	rddreg [dreg:$0x1];
	s0 =	stileid.u32;
	s12 =	sand.u32 $0x1, s1  }
0x3: {  	s10 =	rddreg [dreg:$0x2];
	s4 =	sshll.u32 s0, $0xA;
	s6 =	sshll.u32 s12, $0x9  }
0x4: {  	s2 =	simm.s32 $0x0;
	s1 =	rddreg [dreg:$0x3];
	s11 =	sor.u32 s6, s4  }
0x5: {  	[smem:$0x7FF] =	sst s2;
	s4 =	sshrl.u32 s11, $0x3  }
0x6: {  	_ =	strace $0x8000004A;
	s3 =	sadd.s32 s3, s4;
	s4 =	simm.s32 $0x5  }
0x7: {  	[tilespmem:s2], [sflag:$0x5] =	stream.linear.gather [hbm4b:s3+s2], $0x200, $0x38;
	[tilespmem:$0x8200] =	vst v63  }
0x8: {  	_ =	swait.ge [sflag:s4], $0x200  }
0x9: {  	s7 =	simm.s32 $0x200;
	[sflag:s4] =	ssyncset.done $0x0  }
0xa: {  	s5 =	sadd.s32 $0x21200, s5;
	s6 =	simm.s32 $0x100;
	[sflag:s4] =	ssyncadd.s32 $0xFFFFFE00  }
0xb: {  	[tilespmem:s7], [sflag:$0x1] =	stream.indirect.gather [hbm4b:s5+s6], $0x40, s2, s6, $0xb8;
	[tilespmem:$0x8200] =	vst v63  }
0xc: {  	s8 =	simm.s32 $0x4200;
	s9 =	simm.s32 $0x1  }
0xd: {  	[tilespmem:s8], [sflag:$0x2] =	stream.indirect.gather [hbm4b:s5+s6], $0x40, s6, s6, $0xb8;
	[tilespmem:$0x8200] =	vst v63  }
0xe: {  	s14 =	ssub.s32 $0x2, s12;
	_ =	swait.ge [sflag:s9], $0x4000  }
0xf: {  	s15 =	sshrl.u32 s14, $0x1;
	s11 =	sshll.u32 s11, $0x3;
	[sflag:s9] =	ssyncset.done $0x0  }
0x10: {  	s10 =	sadd.s32 s10, s11;
	s11 =	simm.s32 $0x2;
	[sflag:s9] =	ssyncadd.s32 $0xFFFFC000  }
0x11: {  	[hbm4b:s10+s2] =	stream.linear.scatter [tilespmem:s7], [sflag:$0x3], $0x4000, $0x38;
	[tilespmem:$0x8200] =	vst v63  }
0x12: {  	s14 =	ssub.s32 s14, s15;
	_ =	swait.ge [sflag:s11], $0x4000  }
0x13: {  	s13 =	simm.s32 $0x3;
	s15 =	smax.u32 s14, $0x1;
	[sflag:s11] =	ssyncset.done $0x0  }
0x14: {  	s12 =	sadd.s32 $0x800, s10;
	p0 =	sne.s32 s15, $0x1;
	[sflag:s11] =	ssyncadd.s32 $0xFFFFC000  }
0x15: {  	[hbm4b:s12+s2] =	stream.linear.scatter [tilespmem:s8], [sflag:$0x4], $0x4000, $0x38;
	[tilespmem:$0x8200] =	vst v63  }
.Ltmp0:
0x16: {  	_ =	swait.ge [sflag:s13], $0x4000;
	(pc) =	sbr.rel @!p0 .LBB2_2-.Ltmp0, $4  }
0x17: {  	[sflag:s13] =	ssyncset.done $0x0  }
0x18: {  	s14 =	simm.s32 $0x4;
	[sflag:s13] =	ssyncadd.s32 $0xFFFFC000  }
0x19: {  	_ =	swait.ge [sflag:s14], $0x4000  }
0x1a: {  	s15 =	sadd.s32 $0xFFFFFFFF, s15;
	[sflag:s14] =	ssyncset.done $0x0  }
.LBB2_1:
0x1b: {  	p0 =	sne.s32 s15, $0x1;
	s15 =	sadd.s32 $0xFFFFFFFF, s15;
	[sflag:s14] =	ssyncadd.s32 $0xFFFFC000  }
0x1c: {  	[tilespmem:s2], [sflag:$0x5] =	stream.linear.gather [hbm4b:s3+s2], $0x200, $0x38;
	[tilespmem:$0x8200] =	vst v63  }
0x1d: {  	_ =	swait.ge [sflag:s4], $0x200  }
0x1e: {  	[sflag:s4] =	ssyncset.done $0x0  }
0x1f: {  	[sflag:s4] =	ssyncadd.s32 $0xFFFFFE00  }
0x20: {  	[tilespmem:s7], [sflag:$0x1] =	stream.indirect.gather [hbm4b:s5+s6], $0x40, s2, s6, $0xb8;
	[tilespmem:$0x8200] =	vst v63  }
0x21: {  	_ = 	snop  }
0x22: {  	[tilespmem:s8], [sflag:$0x2] =	stream.indirect.gather [hbm4b:s5+s6], $0x40, s6, s6, $0xb8;
	[tilespmem:$0x8200] =	vst v63  }
0x23: {  	_ =	swait.ge [sflag:s9], $0x4000  }
0x24: {  	[sflag:s9] =	ssyncset.done $0x0  }
0x25: {  	[sflag:s9] =	ssyncadd.s32 $0xFFFFC000  }
0x26: {  	[hbm4b:s10+s2] =	stream.linear.scatter [tilespmem:s7], [sflag:$0x3], $0x4000, $0x38;
	[tilespmem:$0x8200] =	vst v63  }
0x27: {  	_ =	swait.ge [sflag:s11], $0x4000  }
0x28: {  	[sflag:s11] =	ssyncset.done $0x0  }
0x29: {  	[sflag:s11] =	ssyncadd.s32 $0xFFFFC000  }
0x2a: {  	[hbm4b:s12+s2] =	stream.linear.scatter [tilespmem:s8], [sflag:$0x4], $0x4000, $0x38;
	[tilespmem:$0x8200] =	vst v63  }
.Ltmp1:
0x2b: {  	_ =	swait.ge [sflag:s13], $0x4000;
	(pc) =	sbr.rel @p0 .LBB2_1-.Ltmp1, $4  }
0x2c: {  	[sflag:s13] =	ssyncset.done $0x0  }
0x2d: {  	[sflag:s13] =	ssyncadd.s32 $0xFFFFC000  }
0x2e: {  	_ =	swait.ge [sflag:s14], $0x4000  }
0x2f: {  	[sflag:s14] =	ssyncset.done $0x0  }
.LBB2_2:
0x30: {  	[sflag:s14] =	ssyncadd.s32 $0xFFFFC000  }
0x31: {  	_ =	sfence.sel $0x180000  }
0x32: {  	[bflag:$0x0] =	sbarrier.arrive $0xFFFF  }
0x33: {  	p0 =	sne.s32 s0, $0x0;
	_ =	strace $0x9000004A  }
0x34: {  	s0 =	sadd.s32 @!p0 $0x100000, s1;
	[bflag:$0x2] =	sbarrier.arrive $0xFFFF  }
0x35: {  	[sflag:s0] =	ssyncadd.tile.s32 @!p0 $0x1;
	_ =	shalt  }
.Lfunc_end2:
_tile_overlayer_lowered:
.L_overlay_start_2:
0x36: {  	(tag) =	ssettag $0x2  }
0x37: {  	s0 =	rddreg [dreg:$0x0];
	s2 =	stileid.u32  }
0x38: {  	s1 =	rddreg [dreg:$0x1];
	p0 =	sne.s32 s2, $0x0  }
0x39: {  	s3 =	rddreg [dreg:$0x2];
	[bflag:$0x3] =	sbarrier.arrive $0xFFFF;
	s2 =	simm.s32 @!p0 $0x1C05  }
0x3a: {  	[timem:s3], [sflag:s2] =	dma.local @!p0 [hbm:s0], s1  }
0x3b: {  	s0 =	simm.s32 @!p0 $0x5  }
0x3c: {  	_ =	swait.ge @!p0 [sflag:s0], s1  }
0x3d: {  	s1 =	ssub.s32 @!p0 $0x0, s1;
	[sflag:s0] =	ssyncset.done @!p0 $0x0  }
0x3e: {  	[sflag:s0] =	ssyncadd.s32 @!p0 s1  }
0x3f: {  	[bflag:$0x3] =	sbarrier.arrive $0xFFFF  }
0x40: {  	_ =	shalt  }

// kernel: kernel.7.cloned.1.call-start
scs
__scs_entry_jumppad:
0x0: {  	(pc) =	sbr.rel $0x88, $3  }
0x1: {  	(tag) =	ssettag $0x0;
	lr =	simm.s32 $0x1  }
0x2: {  	[smem:$0x3F9C] =	sst lr;
	_ =	strace $0xD0000000  }
0x3: {  	_ = 	snop  }
0x4: {  	_ = 	snop  }
0x5: {  	_ = 	snop  }
0x6: {  	_ = 	snop  }
0x7: {  	_ = 	snop  }
__scs_overlays_trampoline_lowered:
0x8: {  	[smem:$0x3FAB] =	sst s0  }
0x9: {  	[smem:$0x3FAC] =	sst s1  }
0xa: {  	[smem:$0x3FAD] =	sst s2  }
0xb: {  	[smem:$0x3FAE] =	sst s3  }
0xc: {  	[smem:$0x3FAF] =	sst s4  }
0xd: {  	[smem:$0x3FB0] =	sst s5  }
0xe: {  	[smem:$0x3FB1] =	sst s6  }
0xf: {  	[smem:$0x3FB2] =	sst s7  }
0x10: {  	[smem:$0x3FB3] =	sst s8  }
0x11: {  	[smem:$0x3FB4] =	sst s9;
	s0 =	simm.s32 @!p0 $0x0  }
0x12: {  	s1 =	sld [smem:$0x3F9A];
	s0 =	simm.s32 @p0 $0x1  }
0x13: {  	[smem:$0x3FB5] =	sst s0;
	s0 =	simm.s32 @!p1 $0x0  }
0x14: {  	s2 =	sld [smem:$0x3F99];
	s0 =	simm.s32 @p1 $0x1  }
0x15: {  	[smem:$0x3FB6] =	sst s0;
	s0 =	simm.s32 @!p2 $0x0  }
0x16: {  	s3 =	sld [smem:$0x3FDB];
	s0 =	simm.s32 @p2 $0x1  }
0x17: {  	s4 =	simm.s32 $0x1BF5;
	[smem:$0x3FB8] =	sst s0  }
0x18: {  	s0 =	sld [smem:$0x3F9B];
	_ =	swait.ge [sflag:s4], $0x0  }
0x19: {  	s7 =	sld [smem:$0x3F9C]  }
0x1a: {  	s8 =	sadd.s32 $0xFFFFE003, lr  }
0x1b: {  	s9 =	sadd.s32 $0xFFFFFEF7, lr;
	s5 =	simm.s32 $0xFFFFFFFF;
	p2 =	slt.u32 s8, $0xFFFFF086  }
0x1c: {  	p1 =	slt.u32 s9, $0xF7A;
	s5 =	simm.s32 @!p2 $0x0  }
0x1d: {  	s5 =	simm.s32 @p1 $0x1;
	p0 =	seq.s32 s7, s2  }
0x1e: {  	s7 =	smul.u32 @!p0 $0xF7A, s2;
	p2 =	seq.s32 @!p0 s5, $0x0  }
0x1f: {  	s9 =	smul.u32 $0xF7A, s1;
	s8 =	simm.s32 @!p0 $0x1BF5;
	p2 =	por !p2, p0  }
0x20: {  	[sflag:s8] =	ssyncset.s32 @!p0 $0xFFFFF086;
	s6 =	sadd.s32 @!p0 s3, s7;
	s7 =	simm.s32 @!p0 $0x108  }
0x21: {  	s3 =	sadd.s32 s3, s9;
	s6 =	sadd.s32 @!p0 $0x88, s6;
	s7 =	simm.s32 @p2 $0x1082  }
0x22: {  	[simem:s7], [sflag:s8] =	dma.local @!p0 [hbm:s6], $0xF7A  }
0x23: {  	s9 =	sor.u32 $0xD0000000, s2;
	s6 =	simm.s32 $0x108;
	_ =	swait.ge @!p0 [sflag:s8], $0x0  }
0x24: {  	s3 =	sadd.s32 $0x88, s3;
	s6 =	simm.s32 @!p1 $0x1082;
	[sflag:s4] =	ssyncset.s32 $0xFFFFF086  }
0x25: {  	[simem:s6], [sflag:s4] =	dma.local [hbm:s3], $0xF7A  }
0x26: {  	[smem:$0x3F9C] =	sst s1;
	(tag) =	ssettag s2;
	_ =	strace s9  }
0x27: {  	s1 =	sld [smem:$0x3FAC]  }
0x28: {  	s2 =	sld [smem:$0x3FAD]  }
0x29: {  	s4 =	sld [smem:$0x3FAF]  }
0x2a: {  	p0 =	seq.s32 s5, $0x0;
	s5 =	sld [smem:$0x3FB0]  }
0x2b: {  	s6 =	sld [smem:$0x3FB1]  }
0x2c: {  	s7 =	sld [smem:$0x3FB2]  }
0x2d: {  	s3 =	simm.s32 $0x108;
	s8 =	sld [smem:$0x3FB3]  }
0x2e: {  	s3 =	simm.s32 @!p0 $0x1082;
	s9 =	sld [smem:$0x3FB4]  }
0x2f: {  	lr =	sadd.s32 s0, s3;
	s0 =	sld [smem:$0x3FAB]  }
0x30: {  	s3 =	sld [smem:$0x3FAE]  }
0x31: {  	[smem:$0x3FB7] =	sst s10  }
0x32: {  	s10 =	sld [smem:$0x3FB5];
	_ =	sdelay $0x3  }
0x33: {  	p0 =	seq.s32 s10, $0x1;
	s10 =	sld [smem:$0x3FB7];
	_ =	sdelay $0x3  }
0x34: {  	[smem:$0x3FB7] =	sst s10  }
0x35: {  	s10 =	sld [smem:$0x3FB6];
	_ =	sdelay $0x3  }
0x36: {  	p1 =	seq.s32 s10, $0x1;
	s10 =	sld [smem:$0x3FB7];
	_ =	sdelay $0x3  }
0x37: {  	[smem:$0x3FB7] =	sst s10  }
0x38: {  	s10 =	sld [smem:$0x3FB8]  }
0x39: {  	_ = 	snop;
	(pc) =	sbr.ind lr, $3  }
0x3a: {  	_ = 	snop  }
0x3b: {  	_ = 	snop  }
0x3c: {  	p2 =	seq.s32 s10, $0x1;
	s10 =	sld [smem:$0x3FB7]  }
0x3d: {  	_ =	shalt  }
0x3e: {  	_ =	shalt  }
0x3f: {  	_ =	shalt  }
0x40: {  	_ =	shalt  }
0x41: {  	_ =	shalt  }
0x42: {  	_ =	shalt  }
0x43: {  	_ =	shalt  }
0x44: {  	_ =	shalt  }
0x45: {  	_ =	shalt  }
0x46: {  	_ =	shalt  }
0x47: {  	_ =	shalt  }
0x48: {  	_ =	shalt  }
0x49: {  	_ =	shalt  }
0x4a: {  	_ =	shalt  }
0x4b: {  	_ =	shalt  }
0x4c: {  	_ =	shalt  }
0x4d: {  	_ =	shalt  }
0x4e: {  	_ =	shalt  }
0x4f: {  	_ =	shalt  }
0x50: {  	_ =	shalt  }
0x51: {  	_ =	shalt  }
0x52: {  	_ =	shalt  }
0x53: {  	_ =	shalt  }
0x54: {  	_ =	shalt  }
0x55: {  	_ =	shalt  }
0x56: {  	_ =	shalt  }
0x57: {  	_ =	shalt  }
0x58: {  	_ =	shalt  }
0x59: {  	_ =	shalt  }
0x5a: {  	_ =	shalt  }
0x5b: {  	_ =	shalt  }
0x5c: {  	_ =	shalt  }
0x5d: {  	_ =	shalt  }
0x5e: {  	_ =	shalt  }
0x5f: {  	_ =	shalt  }
0x60: {  	_ =	shalt  }
0x61: {  	_ =	shalt  }
0x62: {  	_ =	shalt  }
0x63: {  	_ =	shalt  }
0x64: {  	_ =	shalt  }
0x65: {  	_ =	shalt  }
0x66: {  	_ =	shalt  }
0x67: {  	_ =	shalt  }
0x68: {  	_ =	shalt  }
0x69: {  	_ =	shalt  }
0x6a: {  	_ =	shalt  }
0x6b: {  	_ =	shalt  }
0x6c: {  	_ =	shalt  }
0x6d: {  	_ =	shalt  }
0x6e: {  	_ =	shalt  }
0x6f: {  	_ =	shalt  }
0x70: {  	_ =	shalt  }
0x71: {  	_ =	shalt  }
0x72: {  	_ =	shalt  }
0x73: {  	_ =	shalt  }
0x74: {  	_ =	shalt  }
0x75: {  	_ =	shalt  }
0x76: {  	_ =	shalt  }
0x77: {  	_ =	shalt  }
0x78: {  	_ =	shalt  }
0x79: {  	_ =	shalt  }
0x7a: {  	_ =	shalt  }
0x7b: {  	_ =	shalt  }
0x7c: {  	_ =	shalt  }
0x7d: {  	_ =	shalt  }
0x7e: {  	_ =	shalt  }
0x7f: {  	_ =	shalt  }
0x80: {  	_ =	shalt  }
0x81: {  	_ =	shalt  }
0x82: {  	_ =	shalt  }
0x83: {  	_ =	shalt  }
0x84: {  	_ =	shalt  }
0x85: {  	_ =	shalt  }
0x86: {  	_ =	shalt  }
0x87: {  	_ =	shalt  }
.Lfunc_end0:
.L_simem_size_0:
called_computation.2_lowered:
.L_overlay_start_0:
0x88: {  	s2 =	sld [smem:$0x3FD9]  }
0x89: {  	s3 =	sld [smem:$0x3FFE];
	_ =	sdelay $0x1  }
0x8a: {  	s1 =	srdreg.scid  }
0x8b: {  	s0 =	sand.u32 $0x1, s1  }
0x8c: {  	s14 =	sshll.u32 s0, $0xA;
	s2 =	sadd.s32 s3, s2  }
0x8d: {  	s2 =	sadd.s32 s2, s14  }
0x8e: {  	[smem:$0x3FC3] =	sst s2  }
0x8f: {  	_ = 	snop  }
0x90: {  	s2 =	sld [smem:$0x3FD0];
	_ =	sdelay $0x2  }
0x91: {  	s4 =	simm.s32 $0xB;
	s5 =	simm.s32 $0x10;
	s15 =	sld [smem:$0x3FC8]  }
0x92: {  	[smem:s5], [sflag:s4] =	dma.local [hbm:s2], $0x1  }
0x93: {  	_ =	swait.eq [sflag:s4], $0x1  }
0x94: {  	[sflag:s4] =	ssyncset.done $0x0  }
0x95: {  	s16 =	sld [smem:$0x10];
	[sflag:s4] =	ssyncadd.s32 $0xFFFFFFFF  }
0x96: {  	s17 =	sld [smem:$0x12];
	(tm) =	ssettm $0x1  }
0x97: {  	s18 =	sld [smem:$0x3FFB];
	_ =	sdelay $0x3  }
0x98: {  	_ =	strace s18  }
0x99: {  	s5 =	sld [smem:$0x3FFC];
	_ =	sdelay $0x3  }
0x9a: {  	_ =	strace s5  }
0x9b: {  	s5 =	sld [smem:$0x3FFD];
	_ =	sdelay $0x3  }
0x9c: {  	_ =	strace s5  }
0x9d: {  	_ =	strace $0x8FFFFFFF  }
0x9e: {  	s19 =	sld [smem:$0x3FDB];
	_ =	sdelay $0x1  }
0x9f: {  	s6 =	simm.s32 $_scs_section_size  }
0xa0: {  	s7 =	simm.s32 $_size__tile_overlayer_lowered;
	s8 =	simm.s32 $_tile_overlayer_lowered  }
0xa1: {  	s22 =	simm.s32 $0x1BFF;
	s21 =	sshll.u32 s8, $0x1;
	s5 =	sadd.s32 s6, s19  }
0xa2: {  	s9 =	simm.s32 $0x0;
	s20 =	sshll.u32 s7, $0x1;
	s7 =	sadd.s32 s21, s5  }
0xa3: {  	[timem:s9], [sflag:s22] =	dma.local [hbm:s7], s20  }
0xa4: {  	_ =	swait.ge [sflag:s22], s20  }
0xa5: {  	s6 =	ssub.s32 $0x0, s20;
	[sflag:s22] =	ssyncset.done $0x0  }
0xa6: {  	[sflag:s22] =	ssyncadd.s32 s6;
	_ =	sdelay $0x1  }
0xa7: {  	s23 =	simm.s32 $0x1B8B  }
0xa8: {  	_ =	swait.ge [sflag:s23], $0x1  }
0xa9: {  	[sflag:s23] =	ssyncset.done $0x0  }
0xaa: {  	s25 =	simm.s32 $0x1B8E;
	s24 =	sld [smem:$0x3FFE];
	[sflag:s23] =	ssyncadd.s32 $0xFFFFFFFF  }
0xab: {  	s26 =	simm.s32 $execute0_lowered;
	[smem:$0x3FD2] =	sst s25  }
0xac: {  	s7 =	sshll.u32 s26, $0x1;
	_ =	strace $0x80000046;
	[dreg:$0x1] =	wrdreg $0xFFFFFFFF  }
0xad: {  	s28 =	simm.s32 $_size_execute0_lowered;
	s5 =	sadd.s32 s5, s7;
	[dreg:$0x0] =	wrdreg $0x0  }
0xae: {  	s7 =	sshll.u32 s28, $0x1;
	[dreg:$0x2] =	wrdreg s5  }
0xaf: {  	[dreg:$0x3] =	wrdreg s7  }
0xb0: {  	[dreg:$0x4] =	wrdreg $0xC0  }
0xb1: {  	_ =	task [dreg:s9], $0x5FFFF  }
0xb2: {  	[dreg:$0x1] =	wrdreg $0xFFFFFFFF  }
0xb3: {  	[dreg:$0x0] =	wrdreg $0x60  }
0xb4: {  	[dreg:$0x2] =	wrdreg s15  }
0xb5: {  	[dreg:$0x3] =	wrdreg s16  }
0xb6: {  	[dreg:$0x4] =	wrdreg s24  }
0xb7: {  	[dreg:$0x5] =	wrdreg s17  }
0xb8: {  	[dreg:$0x6] =	wrdreg $0xA  }
0xb9: {  	_ =	task.clear_ibuf [dreg:s9], $0x7FFFF;
	_ =	strace $0x90000046  }
0xba: {  	s29 =	simm.s32 $0xA;
	_ =	strace $0x80000048  }
0xbb: {  	_ =	swait.ge [sflag:s29], $0x1  }
0xbc: {  	[sflag:s29] =	ssyncadd.s32 $0xFFFFFFFF  }
0xbd: {  	_ =	strace $0x90000048  }
0xbe: {  	_ =	sfence  }
0xbf: {  	s30 =	sld [smem:$0x0];
	_ =	sdelay $0x2  }
0xc0: {  	s31 =	sshll.u32 s1, $0xD;
	s1 =	sshrl.u32 s1, $0x2  }
0xc1: {  	s3 =	sand.u32 $0x4000, s31;
	s1 =	sadd.s32 s1, s30  }
0xc2: {  	s0 =	sor.u32 s3, s0;
	s1 =	sshll.u32 s1, $0x11  }
0xc3: {  	s0 =	sor.u32 s1, s0  }
0xc4: {  	s0 =	sadd.s32 $0x8F2B, s0  }
0xc5: {  	[sflag:s0] =	ssyncadd.remote.s32 $0x1  }
0xc6: {  	_ =	sfence.sel $0xFFFF  }
0xc7: {  	[dreg:$0x0] =	wrdreg $0xFFFFFFFF;
	(pc) =	sbr.abs _section_cstart, $3  }
0xc8: {  	[dreg:$0x1] =	wrdreg $0xFFFFFFFF  }
0xc9: {  	_ =	task.clear_ibuf [dreg:s9], $0x2FFFF;
	_ =	strace $0x9FFFFFFF  }
0xca: {  	(tm) =	ssettm $0x7FFFFFFF  }
0xcb: {  	_ =	shalt  }
tec
execute0_lowered:
.L_overlay_start_1:
0x0: {  	(tag) =	ssettag $0x1  }
0x1: {  	s1 =	rddreg [dreg:$0x0]  }
0x2: {  	s3 =	rddreg [dreg:$0x1]  }
0x3: {  	s0 =	rddreg [dreg:$0x2]  }
0x4: {  	s5 =	rddreg [dreg:$0x3]  }
0x5: {  	s23 =	rddreg [dreg:$0x4]  }
0x6: {  	s4 =	srdreg.scid;
	s6 =	stileid.u32  }
0x7: {  	s2 =	simm.s32 $0x0;
	s4 =	sand.u32 $0x1, s4;
	s6 =	sshll.u32 s6, $0x1  }
0x8: {  	[smem:$0x7FF] =	sst s2;
	s6 =	sor.u32 s4, s6  }
0x9: {  	_ =	strace $0x80000047;
	s8 =	sshll.u32 s6, $0x6;
	s9 =	smul.u32 $0x500, s6  }
0xa: {  	s7 =	sshll.u32 s6, $0xC;
	s22 =	smul.u32 $0x14000, s6;
	s1 =	sadd.s32 s1, s8  }
0xb: {  	s7 =	sadd.s32 s7, s0;
	[dreg:$0x5] =	wrdreg s1;
	s21 =	sadd.s32 s3, s9  }
0xc: {  	s24 =	sadd.s32 $0x1200, s7;
	[dreg:$0x6] =	wrdreg s21  }
0xd: {  	s25 =	sadd.s32 $0x1A00, s7;
	s29 =	sadd.s32 s5, s22;
	[dreg:$0x7] =	wrdreg s24  }
0xe: {  	[dreg:$0x8] =	wrdreg s25;
	s26 =	sadd.s32 $0x800, s29  }
0xf: {  	s3 =	sadd.s32 $0x1000, s29;
	[dreg:$0x9] =	wrdreg s26  }
0x10: {  	s7 =	sadd.s32 $0x1800, s29;
	[dreg:$0xa] =	wrdreg s3  }
0x11: {  	s9 =	smul.u32 $0xA0000, s6;
	s8 =	sadd.s32 $0x2000, s29;
	[dreg:$0xb] =	wrdreg s7  }
0x12: {  	s10 =	sadd.s32 $0x2800, s29;
	[dreg:$0xc] =	wrdreg s8  }
0x13: {  	s11 =	sadd.s32 $0x3000, s29;
	[dreg:$0xd] =	wrdreg s10;
	s3 =	sshrl.u32 s9, $0x3  }
0x14: {  	s12 =	sadd.s32 $0x3800, s29;
	[dreg:$0xe] =	wrdreg s11;
	s3 =	sadd.s32 s5, s3  }
0x15: {  	[dreg:$0xf] =	wrdreg s12;
	s13 =	sadd.s32 $0x4000, s3  }
0x16: {  	s14 =	sadd.s32 $0x4800, s3;
	[dreg:$0x10] =	wrdreg s13  }
0x17: {  	s15 =	sadd.s32 $0x5000, s3;
	[dreg:$0x11] =	wrdreg s14  }
0x18: {  	s16 =	sadd.s32 $0x5800, s3;
	[dreg:$0x12] =	wrdreg s15  }
0x19: {  	s17 =	sadd.s32 $0x6000, s3;
	[dreg:$0x13] =	wrdreg s16  }
0x1a: {  	s18 =	sadd.s32 $0x6800, s3;
	[dreg:$0x14] =	wrdreg s17  }
0x1b: {  	s19 =	sadd.s32 $0x7000, s3;
	[dreg:$0x15] =	wrdreg s18  }
0x1c: {  	s20 =	sadd.s32 $0x7800, s3;
	[dreg:$0x16] =	wrdreg s19  }
0x1d: {  	s21 =	sadd.s32 $0x8000, s3;
	[dreg:$0x17] =	wrdreg s20  }
0x1e: {  	s22 =	sadd.s32 $0x8800, s3;
	[dreg:$0x18] =	wrdreg s21  }
0x1f: {  	s24 =	sadd.s32 $0x9000, s3;
	[dreg:$0x19] =	wrdreg s22  }
0x20: {  	s25 =	sadd.s32 $0x9800, s3;
	[dreg:$0x1a] =	wrdreg s24  }
0x21: {  	s26 =	sadd.s32 $0xA000, s3;
	[dreg:$0x1b] =	wrdreg s25  }
0x22: {  	s5 =	sadd.s32 $0xA800, s3;
	[dreg:$0x1c] =	wrdreg s26  }
0x23: {  	s6 =	sadd.s32 $0xB000, s3;
	[dreg:$0x1d] =	wrdreg s5  }
0x24: {  	s7 =	sadd.s32 $0xB800, s3;
	[dreg:$0x1e] =	wrdreg s6  }
0x25: {  	s8 =	sadd.s32 $0xC000, s3;
	[dreg:$0x1f] =	wrdreg s7  }
0x26: {  	s9 =	sadd.s32 $0xC800, s3;
	[smem:$0x7CC] =	sst s8  }
0x27: {  	s10 =	sadd.s32 $0xD000, s3;
	[smem:$0x7CD] =	sst s9  }
0x28: {  	s11 =	sadd.s32 $0xD800, s3;
	[smem:$0x7CE] =	sst s10  }
0x29: {  	s12 =	sadd.s32 $0xE000, s3;
	[smem:$0x7CF] =	sst s11  }
0x2a: {  	[smem:$0x7D0] =	sst s12;
	s13 =	sadd.s32 $0xE800, s3  }
0x2b: {  	s14 =	sadd.s32 $0xF000, s3;
	[smem:$0x7D1] =	sst s13  }
0x2c: {  	s15 =	sadd.s32 $0xF800, s3;
	[smem:$0x7D2] =	sst s14  }
0x2d: {  	s16 =	sadd.s32 $0x10000, s3;
	[smem:$0x7D3] =	sst s15  }
0x2e: {  	s17 =	sadd.s32 $0x10800, s3;
	[smem:$0x7D4] =	sst s16  }
0x2f: {  	s18 =	sadd.s32 $0x11000, s3;
	[smem:$0x7D5] =	sst s17  }
0x30: {  	s19 =	sadd.s32 $0x11800, s3;
	[smem:$0x7D6] =	sst s18  }
0x31: {  	s20 =	sadd.s32 $0x12000, s3;
	[smem:$0x7D7] =	sst s19  }
0x32: {  	s21 =	sadd.s32 $0x12800, s3;
	[smem:$0x7D8] =	sst s20  }
0x33: {  	s22 =	sadd.s32 $0x13000, s3;
	[smem:$0x7D9] =	sst s21  }
0x34: {  	s24 =	sadd.s32 $0x13800, s3;
	[smem:$0x7DA] =	sst s22  }
0x35: {  	s25 =	simm.s32 $0x300;
	[smem:$0x7DB] =	sst s24  }
0x36: {  	s26 =	simm.s32 $0x400;
	[smem:$0x7DC] =	sst s25  }
0x37: {  	s3 =	simm.s32 $0x500;
	[smem:$0x7DD] =	sst s26  }
0x38: {  	s5 =	simm.s32 $0x600;
	[smem:$0x7DE] =	sst s3  }
0x39: {  	s6 =	simm.s32 $0x700;
	[smem:$0x7DF] =	sst s5  }
0x3a: {  	s7 =	simm.s32 $0x800;
	[smem:$0x7E0] =	sst s6  }
0x3b: {  	s8 =	simm.s32 $0x900;
	[smem:$0x7E1] =	sst s7  }
0x3c: {  	s9 =	simm.s32 $0xA00;
	[smem:$0x7E2] =	sst s8  }
0x3d: {  	s10 =	simm.s32 $0xB00;
	[smem:$0x7E3] =	sst s9  }
0x3e: {  	s11 =	simm.s32 $0xC00;
	[smem:$0x7E4] =	sst s10  }
0x3f: {  	s12 =	simm.s32 $0xD00;
	[smem:$0x7E5] =	sst s11  }
0x40: {  	[smem:$0x7E6] =	sst s12;
	s14 =	simm.s32 $0xE00  }
0x41: {  	s15 =	simm.s32 $0xF00;
	[smem:$0x7E7] =	sst s14  }
0x42: {  	s31 =	simm.s32 $0xD;
	s16 =	simm.s32 $0x1000;
	[smem:$0x7E8] =	sst s15  }
0x43: {  	s30 =	simm.s32 $0x200;
	s17 =	simm.s32 $0x1100;
	[smem:$0x7E9] =	sst s16  }
0x44: {  	p0 =	por $0x0, $0x0;
	s18 =	simm.s32 $0x1200;
	[smem:$0x7EA] =	sst s17  }
0x45: {  	s28 =	simm.s32 $0x2500;
	s19 =	simm.s32 $0x1300;
	[smem:$0x7EB] =	sst s18  }
0x46: {  	s3 =	sadd.s32 $0xF43600, s0;
	s20 =	simm.s32 $0x1400;
	[smem:$0x7EC] =	sst s19  }
0x47: {  	s13 =	ssub.s32 $0x2, s4;
	s21 =	simm.s32 $0x1500;
	[smem:$0x7ED] =	sst s20  }
0x48: {  	s10 =	simm.s32 $0x6A00;
	s22 =	simm.s32 $0x1600;
	[smem:$0x7EE] =	sst s21  }
0x49: {  	s7 =	simm.s32 $0xAA00;
	s24 =	simm.s32 $0x1700;
	[smem:$0x7EF] =	sst s22  }
0x4a: {  	s5 =	simm.s32 $0xEA00;
	s25 =	simm.s32 $0x1800;
	[smem:$0x7F0] =	sst s24  }
0x4b: {  	s26 =	simm.s32 $0x1900;
	s6 =	simm.s32 $0x12A00;
	[smem:$0x7F1] =	sst s25  }
0x4c: {  	s8 =	simm.s32 $0x1A00;
	s9 =	simm.s32 $0x1B00;
	[smem:$0x7F2] =	sst s26  }
0x4d: {  	s11 =	simm.s32 $0x1C00;
	s12 =	simm.s32 $0x1D00;
	[smem:$0x7F3] =	sst s8  }
0x4e: {  	s4 =	sshrl.u32 s13, $0x1;
	s22 =	simm.s32 $0x1;
	[smem:$0x7F4] =	sst s9  }
0x4f: {  	s20 =	simm.s32 $0x2;
	s8 =	simm.s32 $0x16A00;
	[smem:$0x7F5] =	sst s11  }
0x50: {  	s17 =	simm.s32 $0x3;
	s9 =	simm.s32 $0x7;
	[smem:$0x7F6] =	sst s12  }
0x51: {  	s14 =	simm.s32 $0x1E00;
	s18 =	simm.s32 $0x4;
	s15 =	simm.s32 $0x1F00  }
0x52: {  	s11 =	simm.s32 $0x8;
	s16 =	simm.s32 $0x2000;
	s19 =	simm.s32 $0x5  }
0x53: {  	s21 =	simm.s32 $0x2100;
	s12 =	simm.s32 $0x9;
	[smem:$0x7F7] =	sst s14  }
0x54: {  	s24 =	simm.s32 $0x2200;
	s1 =	ssub.s32 s13, s4;
	[smem:$0x7F8] =	sst s15  }
0x55: {  	s25 =	simm.s32 $0x2300;
	[smem:$0x7F9] =	sst s16;
	s0 =	smax.u32 s1, $0x1  }
0x56: {  	s26 =	simm.s32 $0x2400;
	[smem:$0x7FA] =	sst s21;
	p1 =	sne.s32 s0, $0x1  }
.Ltmp0:
0x57: {  	s4 =	simm.s32 $0x100;
	[smem:$0x7FB] =	sst s24;
	(pc) =	sbr.rel @!p1 .LBB2_1-.Ltmp0, $4  }
0x58: {  	s13 =	simm.s32 $0x2A00;
	s21 =	simm.s32 $0x6;
	[smem:$0x7FC] =	sst s25  }
0x59: {  	s14 =	simm.s32 $0xA;
	[smem:$0x7FD] =	sst s26;
	s15 =	simm.s32 $0xB  }
0x5a: {  	s16 =	simm.s32 $0xC;
	s26 =	simm.s32 $0x2700;
	s25 =	simm.s32 $0x2800  }
0x5b: {  	s24 =	simm.s32 $0x2900;
	s1 =	rddreg [dreg:$0x5];
	s0 =	sadd.s32 $0xFFFFFFFF, s0  }
0x5c: {  	[tilespmem:s2], [sflag:$0xD] =	stream.linear.gather [hbm4b:s1+s2], $0x200, $0x38;
	[tilespmem:$0x1AA00] =	vst v63  }
0x5d: {  	_ =	swait.ge [sflag:s31], $0x200  }
0x5e: {  	[sflag:s31] =	ssyncset.done $0x0  }
0x5f: {  	s23 =	rddreg [dreg:$0x6];
	[sflag:s31] =	ssyncadd.s32 $0xFFFFFE00  }
0x60: {  	[tilespmem:s30], [sflag:$0xD] =	stream.linear.gather [hbm4b:s23+s2], $0x2800, $0x38;
	[tilespmem:$0x1AA00] =	vst v63  }
0x61: {  	_ =	swait.ge [sflag:s31], $0x2800  }
0x62: {  	[sflag:s31] =	ssyncset.done $0x0  }
0x63: {  	[sflag:s31] =	ssyncadd.s32 $0xFFFFD800  }
0x64: {  	[tilespmem:s13], [sflag:$0x1] =	stream.indirect.gather [hbm4b:s3+s4], $0x40, s2, s4, $0xb8;
	[tilespmem:$0x1AA00] =	vst v63  }
0x65: {  	_ = 	snop  }
0x66: {  	[tilespmem:s10], [sflag:$0x2] =	stream.indirect.gather [hbm4b:s3+s4], $0x40, s4, s4, $0xb8;
	[tilespmem:$0x1AA00] =	vst v63  }
0x67: {  	s23 =	sld [smem:$0x7DC]  }
0x68: {  	[tilespmem:s7], [sflag:$0x3] =	stream.indirect.gather [hbm4b:s3+s4], $0x40, s30, s4, $0xb8;
	[tilespmem:$0x1AA00] =	vst v63  }
0x69: {  	_ = 	snop  }
0x6a: {  	[tilespmem:s5], [sflag:$0x4] =	stream.indirect.gather [hbm4b:s3+s4], $0x40, s23, s4, $0xb8;
	[tilespmem:$0x1AA00] =	vst v63  }
0x6b: {  	_ =	swait.ge [sflag:s22], $0x4000  }
0x6c: {  	s1 =	rddreg [dreg:$0x7];
	[sflag:s22] =	ssyncset.done $0x0  }
0x6d: {  	s23 =	smov.u32 s0;
	s0 =	sld [smem:$0x7DD];
	[sflag:s22] =	ssyncadd.s32 $0xFFFFC000  }
0x6e: {  	[hbm4b:s1+s2] =	stream.linear.scatter [tilespmem:s13], [sflag:$0x7], $0x4000, $0x38;
	[tilespmem:$0x1AA00] =	vst v63  }
0x6f: {  	_ = 	snop  }
0x70: {  	[tilespmem:s6], [sflag:$0x5] =	stream.indirect.gather [hbm4b:s3+s4], $0x40, s0, s4, $0xb8;
	[tilespmem:$0x1AA00] =	vst v63  }
0x71: {  	_ =	swait.ge [sflag:s20], $0x4000  }
0x72: {  	s0 =	rddreg [dreg:$0x8];
	[sflag:s20] =	ssyncset.done $0x0  }
0x73: {  	s1 =	sld [smem:$0x7DE];
	[sflag:s20] =	ssyncadd.s32 $0xFFFFC000  }
0x74: {  	[hbm4b:s0+s2] =	stream.linear.scatter [tilespmem:s10], [sflag:$0x8], $0x4000, $0x38;
	[tilespmem:$0x1AA00] =	vst v63  }
0x75: {  	_ = 	snop  }
0x76: {  	[tilespmem:s8], [sflag:$0x6] =	stream.indirect.gather [hbm4b:s3+s4], $0x40, s1, s4, $0xb8;
	[tilespmem:$0x1AA00] =	vst v63  }
0x77: {  	_ =	swait.ge [sflag:s17], $0x4000  }
0x78: {  	[sflag:s17] =	ssyncset.done $0x0  }
0x79: {  	[sflag:s17] =	ssyncadd.s32 $0xFFFFC000  }
0x7a: {  	[hbm4b:s29+s2] =	stream.linear.scatter [tilespmem:s7], [sflag:$0x9], $0x4000, $0x38;
	[tilespmem:$0x1AA00] =	vst v63  }
0x7b: {  	_ =	swait.ge [sflag:s9], $0x4000  }
0x7c: {  	s1 =	sld [smem:$0x7DF]  }
0x7d: {  	[sflag:s9] =	ssyncset.done $0x0  }
0x7e: {  	[sflag:s9] =	ssyncadd.s32 $0xFFFFC000  }
0x7f: {  	[tilespmem:s13], [sflag:$0x1] =	stream.indirect.gather [hbm4b:s3+s4], $0x40, s1, s4, $0xb8;
	[tilespmem:$0x1AA00] =	vst v63  }
0x80: {  	_ =	swait.ge [sflag:s18], $0x4000  }
0x81: {  	[sflag:s18] =	ssyncset.done $0x0  }
0x82: {  	s1 =	rddreg [dreg:$0x9];
	[sflag:s18] =	ssyncadd.s32 $0xFFFFC000  }
0x83: {  	[hbm4b:s1+s2] =	stream.linear.scatter [tilespmem:s5], [sflag:$0xA], $0x4000, $0x38;
	[tilespmem:$0x1AA00] =	vst v63  }
0x84: {  	_ =	swait.ge [sflag:s11], $0x4000  }
0x85: {  	s1 =	sld [smem:$0x7E0]  }
0x86: {  	[sflag:s11] =	ssyncset.done $0x0  }
0x87: {  	[sflag:s11] =	ssyncadd.s32 $0xFFFFC000  }
0x88: {  	[tilespmem:s10], [sflag:$0x2] =	stream.indirect.gather [hbm4b:s3+s4], $0x40, s1, s4, $0xb8;
	[tilespmem:$0x1AA00] =	vst v63  }
0x89: {  	_ =	swait.ge [sflag:s19], $0x4000  }
0x8a: {  	[sflag:s19] =	ssyncset.done $0x0  }
0x8b: {  	s1 =	rddreg [dreg:$0xa];
	[sflag:s19] =	ssyncadd.s32 $0xFFFFC000  }
0x8c: {  	[hbm4b:s1+s2] =	stream.linear.scatter [tilespmem:s6], [sflag:$0xB], $0x4000, $0x38;
	[tilespmem:$0x1AA00] =	vst v63  }
0x8d: {  	_ =	swait.ge [sflag:s12], $0x4000  }
0x8e: {  	s1 =	sld [smem:$0x7E1]  }
0x8f: {  	[sflag:s12] =	ssyncset.done $0x0  }
0x90: {  	[sflag:s12] =	ssyncadd.s32 $0xFFFFC000  }
0x91: {  	[tilespmem:s7], [sflag:$0x3] =	stream.indirect.gather [hbm4b:s3+s4], $0x40, s1, s4, $0xb8;
	[tilespmem:$0x1AA00] =	vst v63  }
0x92: {  	_ =	swait.ge [sflag:s21], $0x4000  }
0x93: {  	[sflag:s21] =	ssyncset.done $0x0  }
0x94: {  	s1 =	rddreg [dreg:$0xb];
	[sflag:s21] =	ssyncadd.s32 $0xFFFFC000  }
0x95: {  	[hbm4b:s1+s2] =	stream.linear.scatter [tilespmem:s8], [sflag:$0xC], $0x4000, $0x38;
	[tilespmem:$0x1AA00] =	vst v63  }
0x96: {  	_ =	swait.ge [sflag:s14], $0x4000  }
0x97: {  	s1 =	sld [smem:$0x7E2]  }
0x98: {  	[sflag:s14] =	ssyncset.done $0x0  }
0x99: {  	[sflag:s14] =	ssyncadd.s32 $0xFFFFC000  }
0x9a: {  	[tilespmem:s5], [sflag:$0x4] =	stream.indirect.gather [hbm4b:s3+s4], $0x40, s1, s4, $0xb8;
	[tilespmem:$0x1AA00] =	vst v63  }
0x9b: {  	_ =	swait.ge [sflag:s22], $0x4000  }
0x9c: {  	[sflag:s22] =	ssyncset.done $0x0  }
0x9d: {  	s1 =	rddreg [dreg:$0xc];
	[sflag:s22] =	ssyncadd.s32 $0xFFFFC000  }
0x9e: {  	[hbm4b:s1+s2] =	stream.linear.scatter [tilespmem:s13], [sflag:$0x7], $0x4000, $0x38;
	[tilespmem:$0x1AA00] =	vst v63  }
0x9f: {  	_ =	swait.ge [sflag:s15], $0x4000  }
0xa0: {  	s1 =	sld [smem:$0x7E3]  }
0xa1: {  	[sflag:s15] =	ssyncset.done $0x0  }
0xa2: {  	[sflag:s15] =	ssyncadd.s32 $0xFFFFC000  }
0xa3: {  	[tilespmem:s6], [sflag:$0x5] =	stream.indirect.gather [hbm4b:s3+s4], $0x40, s1, s4, $0xb8;
	[tilespmem:$0x1AA00] =	vst v63  }
0xa4: {  	_ =	swait.ge [sflag:s20], $0x4000  }
0xa5: {  	[sflag:s20] =	ssyncset.done $0x0  }
0xa6: {  	s1 =	rddreg [dreg:$0xd];
	[sflag:s20] =	ssyncadd.s32 $0xFFFFC000  }
0xa7: {  	[hbm4b:s1+s2] =	stream.linear.scatter [tilespmem:s10], [sflag:$0x8], $0x4000, $0x38;
	[tilespmem:$0x1AA00] =	vst v63  }
0xa8: {  	_ =	swait.ge [sflag:s16], $0x4000  }
0xa9: {  	s1 =	sld [smem:$0x7E4]  }
0xaa: {  	[sflag:s16] =	ssyncset.done $0x0  }
0xab: {  	[sflag:s16] =	ssyncadd.s32 $0xFFFFC000  }
0xac: {  	[tilespmem:s8], [sflag:$0x6] =	stream.indirect.gather [hbm4b:s3+s4], $0x40, s1, s4, $0xb8;
	[tilespmem:$0x1AA00] =	vst v63  }
0xad: {  	_ =	swait.ge [sflag:s17], $0x4000  }
0xae: {  	[sflag:s17] =	ssyncset.done $0x0  }
0xaf: {  	s1 =	rddreg [dreg:$0xe];
	[sflag:s17] =	ssyncadd.s32 $0xFFFFC000  }
0xb0: {  	[hbm4b:s1+s2] =	stream.linear.scatter [tilespmem:s7], [sflag:$0x9], $0x4000, $0x38;
	[tilespmem:$0x1AA00] =	vst v63  }
0xb1: {  	_ =	swait.ge [sflag:s9], $0x4000  }
0xb2: {  	s1 =	sld [smem:$0x7E5]  }
0xb3: {  	[sflag:s9] =	ssyncset.done $0x0  }
0xb4: {  	[sflag:s9] =	ssyncadd.s32 $0xFFFFC000  }
0xb5: {  	[tilespmem:s13], [sflag:$0x1] =	stream.indirect.gather [hbm4b:s3+s4], $0x40, s1, s4, $0xb8;
	[tilespmem:$0x1AA00] =	vst v63  }
0xb6: {  	_ =	swait.ge [sflag:s18], $0x4000  }
0xb7: {  	[sflag:s18] =	ssyncset.done $0x0  }
0xb8: {  	s1 =	rddreg [dreg:$0xf];
	[sflag:s18] =	ssyncadd.s32 $0xFFFFC000  }
0xb9: {  	[hbm4b:s1+s2] =	stream.linear.scatter [tilespmem:s5], [sflag:$0xA], $0x4000, $0x38;
	[tilespmem:$0x1AA00] =	vst v63  }
0xba: {  	_ =	swait.ge [sflag:s11], $0x4000  }
0xbb: {  	s1 =	sld [smem:$0x7E6]  }
0xbc: {  	[sflag:s11] =	ssyncset.done $0x0  }
0xbd: {  	[sflag:s11] =	ssyncadd.s32 $0xFFFFC000  }
0xbe: {  	[tilespmem:s10], [sflag:$0x2] =	stream.indirect.gather [hbm4b:s3+s4], $0x40, s1, s4, $0xb8;
	[tilespmem:$0x1AA00] =	vst v63  }
0xbf: {  	_ =	swait.ge [sflag:s19], $0x4000  }
0xc0: {  	[sflag:s19] =	ssyncset.done $0x0  }
0xc1: {  	s1 =	rddreg [dreg:$0x10];
	[sflag:s19] =	ssyncadd.s32 $0xFFFFC000  }
0xc2: {  	[hbm4b:s1+s2] =	stream.linear.scatter [tilespmem:s6], [sflag:$0xB], $0x4000, $0x38;
	[tilespmem:$0x1AA00] =	vst v63  }
0xc3: {  	_ =	swait.ge [sflag:s12], $0x4000  }
0xc4: {  	s1 =	sld [smem:$0x7E7]  }
0xc5: {  	[sflag:s12] =	ssyncset.done $0x0  }
0xc6: {  	[sflag:s12] =	ssyncadd.s32 $0xFFFFC000  }
0xc7: {  	[tilespmem:s7], [sflag:$0x3] =	stream.indirect.gather [hbm4b:s3+s4], $0x40, s1, s4, $0xb8;
	[tilespmem:$0x1AA00] =	vst v63  }
0xc8: {  	_ =	swait.ge [sflag:s21], $0x4000  }
0xc9: {  	[sflag:s21] =	ssyncset.done $0x0  }
0xca: {  	s1 =	rddreg [dreg:$0x11];
	[sflag:s21] =	ssyncadd.s32 $0xFFFFC000  }
0xcb: {  	[hbm4b:s1+s2] =	stream.linear.scatter [tilespmem:s8], [sflag:$0xC], $0x4000, $0x38;
	[tilespmem:$0x1AA00] =	vst v63  }
0xcc: {  	_ =	swait.ge [sflag:s14], $0x4000  }
0xcd: {  	s1 =	sld [smem:$0x7E8]  }
0xce: {  	[sflag:s14] =	ssyncset.done $0x0  }
0xcf: {  	[sflag:s14] =	ssyncadd.s32 $0xFFFFC000  }
0xd0: {  	[tilespmem:s5], [sflag:$0x4] =	stream.indirect.gather [hbm4b:s3+s4], $0x40, s1, s4, $0xb8;
	[tilespmem:$0x1AA00] =	vst v63  }
0xd1: {  	_ =	swait.ge [sflag:s22], $0x4000  }
0xd2: {  	[sflag:s22] =	ssyncset.done $0x0  }
0xd3: {  	s1 =	rddreg [dreg:$0x12];
	[sflag:s22] =	ssyncadd.s32 $0xFFFFC000  }
0xd4: {  	[hbm4b:s1+s2] =	stream.linear.scatter [tilespmem:s13], [sflag:$0x7], $0x4000, $0x38;
	[tilespmem:$0x1AA00] =	vst v63  }
0xd5: {  	_ =	swait.ge [sflag:s15], $0x4000  }
0xd6: {  	s1 =	sld [smem:$0x7E9]  }
0xd7: {  	[sflag:s15] =	ssyncset.done $0x0  }
0xd8: {  	[sflag:s15] =	ssyncadd.s32 $0xFFFFC000  }
0xd9: {  	[tilespmem:s6], [sflag:$0x5] =	stream.indirect.gather [hbm4b:s3+s4], $0x40, s1, s4, $0xb8;
	[tilespmem:$0x1AA00] =	vst v63  }
0xda: {  	_ =	swait.ge [sflag:s20], $0x4000  }
0xdb: {  	[sflag:s20] =	ssyncset.done $0x0  }
0xdc: {  	s1 =	rddreg [dreg:$0x13];
	[sflag:s20] =	ssyncadd.s32 $0xFFFFC000  }
0xdd: {  	[hbm4b:s1+s2] =	stream.linear.scatter [tilespmem:s10], [sflag:$0x8], $0x4000, $0x38;
	[tilespmem:$0x1AA00] =	vst v63  }
0xde: {  	_ =	swait.ge [sflag:s16], $0x4000  }
0xdf: {  	s1 =	sld [smem:$0x7EA]  }
0xe0: {  	[sflag:s16] =	ssyncset.done $0x0  }
0xe1: {  	[sflag:s16] =	ssyncadd.s32 $0xFFFFC000  }
0xe2: {  	[tilespmem:s8], [sflag:$0x6] =	stream.indirect.gather [hbm4b:s3+s4], $0x40, s1, s4, $0xb8;
	[tilespmem:$0x1AA00] =	vst v63  }
0xe3: {  	_ =	swait.ge [sflag:s17], $0x4000  }
0xe4: {  	[sflag:s17] =	ssyncset.done $0x0  }
0xe5: {  	s1 =	rddreg [dreg:$0x14];
	[sflag:s17] =	ssyncadd.s32 $0xFFFFC000  }
0xe6: {  	[hbm4b:s1+s2] =	stream.linear.scatter [tilespmem:s7], [sflag:$0x9], $0x4000, $0x38;
	[tilespmem:$0x1AA00] =	vst v63  }
0xe7: {  	_ =	swait.ge [sflag:s9], $0x4000  }
0xe8: {  	s1 =	sld [smem:$0x7EB]  }
0xe9: {  	[sflag:s9] =	ssyncset.done $0x0  }
0xea: {  	[sflag:s9] =	ssyncadd.s32 $0xFFFFC000  }
0xeb: {  	[tilespmem:s13], [sflag:$0x1] =	stream.indirect.gather [hbm4b:s3+s4], $0x40, s1, s4, $0xb8;
	[tilespmem:$0x1AA00] =	vst v63  }
0xec: {  	_ =	swait.ge [sflag:s18], $0x4000  }
0xed: {  	[sflag:s18] =	ssyncset.done $0x0  }
0xee: {  	s1 =	rddreg [dreg:$0x15];
	[sflag:s18] =	ssyncadd.s32 $0xFFFFC000  }
0xef: {  	[hbm4b:s1+s2] =	stream.linear.scatter [tilespmem:s5], [sflag:$0xA], $0x4000, $0x38;
	[tilespmem:$0x1AA00] =	vst v63  }
0xf0: {  	_ =	swait.ge [sflag:s11], $0x4000  }
0xf1: {  	s1 =	sld [smem:$0x7EC]  }
0xf2: {  	[sflag:s11] =	ssyncset.done $0x0  }
0xf3: {  	[sflag:s11] =	ssyncadd.s32 $0xFFFFC000  }
0xf4: {  	[tilespmem:s10], [sflag:$0x2] =	stream.indirect.gather [hbm4b:s3+s4], $0x40, s1, s4, $0xb8;
	[tilespmem:$0x1AA00] =	vst v63  }
0xf5: {  	_ =	swait.ge [sflag:s19], $0x4000  }
0xf6: {  	[sflag:s19] =	ssyncset.done $0x0  }
0xf7: {  	s1 =	rddreg [dreg:$0x16];
	[sflag:s19] =	ssyncadd.s32 $0xFFFFC000  }
0xf8: {  	[hbm4b:s1+s2] =	stream.linear.scatter [tilespmem:s6], [sflag:$0xB], $0x4000, $0x38;
	[tilespmem:$0x1AA00] =	vst v63  }
0xf9: {  	_ =	swait.ge [sflag:s12], $0x4000  }
0xfa: {  	s1 =	sld [smem:$0x7ED]  }
0xfb: {  	[sflag:s12] =	ssyncset.done $0x0  }
0xfc: {  	[sflag:s12] =	ssyncadd.s32 $0xFFFFC000  }
0xfd: {  	[tilespmem:s7], [sflag:$0x3] =	stream.indirect.gather [hbm4b:s3+s4], $0x40, s1, s4, $0xb8;
	[tilespmem:$0x1AA00] =	vst v63  }
0xfe: {  	_ =	swait.ge [sflag:s21], $0x4000  }
0xff: {  	[sflag:s21] =	ssyncset.done $0x0  }
0x100: {  	s1 =	rddreg [dreg:$0x17];
	[sflag:s21] =	ssyncadd.s32 $0xFFFFC000  }
0x101: {  	[hbm4b:s1+s2] =	stream.linear.scatter [tilespmem:s8], [sflag:$0xC], $0x4000, $0x38;
	[tilespmem:$0x1AA00] =	vst v63  }
0x102: {  	_ =	swait.ge [sflag:s14], $0x4000  }
0x103: {  	s1 =	sld [smem:$0x7EE]  }
0x104: {  	[sflag:s14] =	ssyncset.done $0x0  }
0x105: {  	[sflag:s14] =	ssyncadd.s32 $0xFFFFC000  }
0x106: {  	[tilespmem:s5], [sflag:$0x4] =	stream.indirect.gather [hbm4b:s3+s4], $0x40, s1, s4, $0xb8;
	[tilespmem:$0x1AA00] =	vst v63  }
0x107: {  	_ =	swait.ge [sflag:s22], $0x4000  }
0x108: {  	[sflag:s22] =	ssyncset.done $0x0  }
0x109: {  	s1 =	rddreg [dreg:$0x18];
	[sflag:s22] =	ssyncadd.s32 $0xFFFFC000  }
0x10a: {  	[hbm4b:s1+s2] =	stream.linear.scatter [tilespmem:s13], [sflag:$0x7], $0x4000, $0x38;
	[tilespmem:$0x1AA00] =	vst v63  }
0x10b: {  	_ =	swait.ge [sflag:s15], $0x4000  }
0x10c: {  	s1 =	sld [smem:$0x7EF]  }
0x10d: {  	[sflag:s15] =	ssyncset.done $0x0  }
0x10e: {  	[sflag:s15] =	ssyncadd.s32 $0xFFFFC000  }
0x10f: {  	[tilespmem:s6], [sflag:$0x5] =	stream.indirect.gather [hbm4b:s3+s4], $0x40, s1, s4, $0xb8;
	[tilespmem:$0x1AA00] =	vst v63  }
0x110: {  	_ =	swait.ge [sflag:s20], $0x4000  }
0x111: {  	[sflag:s20] =	ssyncset.done $0x0  }
0x112: {  	s1 =	rddreg [dreg:$0x19];
	[sflag:s20] =	ssyncadd.s32 $0xFFFFC000  }
0x113: {  	[hbm4b:s1+s2] =	stream.linear.scatter [tilespmem:s10], [sflag:$0x8], $0x4000, $0x38;
	[tilespmem:$0x1AA00] =	vst v63  }
0x114: {  	_ =	swait.ge [sflag:s16], $0x4000  }
0x115: {  	s1 =	sld [smem:$0x7F0]  }
0x116: {  	[sflag:s16] =	ssyncset.done $0x0  }
0x117: {  	[sflag:s16] =	ssyncadd.s32 $0xFFFFC000  }
0x118: {  	[tilespmem:s8], [sflag:$0x6] =	stream.indirect.gather [hbm4b:s3+s4], $0x40, s1, s4, $0xb8;
	[tilespmem:$0x1AA00] =	vst v63  }
0x119: {  	_ =	swait.ge [sflag:s17], $0x4000  }
0x11a: {  	[sflag:s17] =	ssyncset.done $0x0  }
0x11b: {  	s1 =	rddreg [dreg:$0x1a];
	[sflag:s17] =	ssyncadd.s32 $0xFFFFC000  }
0x11c: {  	[hbm4b:s1+s2] =	stream.linear.scatter [tilespmem:s7], [sflag:$0x9], $0x4000, $0x38;
	[tilespmem:$0x1AA00] =	vst v63  }
0x11d: {  	_ =	swait.ge [sflag:s9], $0x4000  }
0x11e: {  	s1 =	sld [smem:$0x7F1]  }
0x11f: {  	[sflag:s9] =	ssyncset.done $0x0  }
0x120: {  	[sflag:s9] =	ssyncadd.s32 $0xFFFFC000  }
0x121: {  	[tilespmem:s13], [sflag:$0x1] =	stream.indirect.gather [hbm4b:s3+s4], $0x40, s1, s4, $0xb8;
	[tilespmem:$0x1AA00] =	vst v63  }
0x122: {  	_ =	swait.ge [sflag:s18], $0x4000  }
0x123: {  	[sflag:s18] =	ssyncset.done $0x0  }
0x124: {  	s1 =	rddreg [dreg:$0x1b];
	[sflag:s18] =	ssyncadd.s32 $0xFFFFC000  }
0x125: {  	[hbm4b:s1+s2] =	stream.linear.scatter [tilespmem:s5], [sflag:$0xA], $0x4000, $0x38;
	[tilespmem:$0x1AA00] =	vst v63  }
0x126: {  	_ =	swait.ge [sflag:s11], $0x4000  }
0x127: {  	s1 =	sld [smem:$0x7F2]  }
0x128: {  	[sflag:s11] =	ssyncset.done $0x0  }
0x129: {  	[sflag:s11] =	ssyncadd.s32 $0xFFFFC000  }
0x12a: {  	[tilespmem:s10], [sflag:$0x2] =	stream.indirect.gather [hbm4b:s3+s4], $0x40, s1, s4, $0xb8;
	[tilespmem:$0x1AA00] =	vst v63  }
0x12b: {  	_ =	swait.ge [sflag:s19], $0x4000  }
0x12c: {  	[sflag:s19] =	ssyncset.done $0x0  }
0x12d: {  	s1 =	rddreg [dreg:$0x1c];
	[sflag:s19] =	ssyncadd.s32 $0xFFFFC000  }
0x12e: {  	[hbm4b:s1+s2] =	stream.linear.scatter [tilespmem:s6], [sflag:$0xB], $0x4000, $0x38;
	[tilespmem:$0x1AA00] =	vst v63  }
0x12f: {  	_ =	swait.ge [sflag:s12], $0x4000  }
0x130: {  	s1 =	sld [smem:$0x7F3]  }
0x131: {  	[sflag:s12] =	ssyncset.done $0x0  }
0x132: {  	[sflag:s12] =	ssyncadd.s32 $0xFFFFC000  }
0x133: {  	[tilespmem:s7], [sflag:$0x3] =	stream.indirect.gather [hbm4b:s3+s4], $0x40, s1, s4, $0xb8;
	[tilespmem:$0x1AA00] =	vst v63  }
0x134: {  	_ =	swait.ge [sflag:s21], $0x4000  }
0x135: {  	[sflag:s21] =	ssyncset.done $0x0  }
0x136: {  	s1 =	rddreg [dreg:$0x1d];
	[sflag:s21] =	ssyncadd.s32 $0xFFFFC000  }
0x137: {  	[hbm4b:s1+s2] =	stream.linear.scatter [tilespmem:s8], [sflag:$0xC], $0x4000, $0x38;
	[tilespmem:$0x1AA00] =	vst v63  }
0x138: {  	_ =	swait.ge [sflag:s14], $0x4000  }
0x139: {  	s1 =	sld [smem:$0x7F4]  }
0x13a: {  	[sflag:s14] =	ssyncset.done $0x0  }
0x13b: {  	[sflag:s14] =	ssyncadd.s32 $0xFFFFC000  }
0x13c: {  	[tilespmem:s5], [sflag:$0x4] =	stream.indirect.gather [hbm4b:s3+s4], $0x40, s1, s4, $0xb8;
	[tilespmem:$0x1AA00] =	vst v63  }
0x13d: {  	_ =	swait.ge [sflag:s22], $0x4000  }
0x13e: {  	[sflag:s22] =	ssyncset.done $0x0  }
0x13f: {  	s1 =	rddreg [dreg:$0x1e];
	[sflag:s22] =	ssyncadd.s32 $0xFFFFC000  }
0x140: {  	[hbm4b:s1+s2] =	stream.linear.scatter [tilespmem:s13], [sflag:$0x7], $0x4000, $0x38;
	[tilespmem:$0x1AA00] =	vst v63  }
0x141: {  	_ =	swait.ge [sflag:s15], $0x4000  }
0x142: {  	s1 =	sld [smem:$0x7F5]  }
0x143: {  	[sflag:s15] =	ssyncset.done $0x0  }
0x144: {  	[sflag:s15] =	ssyncadd.s32 $0xFFFFC000  }
0x145: {  	[tilespmem:s6], [sflag:$0x5] =	stream.indirect.gather [hbm4b:s3+s4], $0x40, s1, s4, $0xb8;
	[tilespmem:$0x1AA00] =	vst v63  }
0x146: {  	_ =	swait.ge [sflag:s20], $0x4000  }
0x147: {  	[sflag:s20] =	ssyncset.done $0x0  }
0x148: {  	s1 =	rddreg [dreg:$0x1f];
	[sflag:s20] =	ssyncadd.s32 $0xFFFFC000  }
0x149: {  	[hbm4b:s1+s2] =	stream.linear.scatter [tilespmem:s10], [sflag:$0x8], $0x4000, $0x38;
	[tilespmem:$0x1AA00] =	vst v63  }
0x14a: {  	_ =	swait.ge [sflag:s16], $0x4000  }
0x14b: {  	s1 =	sld [smem:$0x7F6]  }
0x14c: {  	[sflag:s16] =	ssyncset.done $0x0  }
0x14d: {  	[sflag:s16] =	ssyncadd.s32 $0xFFFFC000  }
0x14e: {  	[tilespmem:s8], [sflag:$0x6] =	stream.indirect.gather [hbm4b:s3+s4], $0x40, s1, s4, $0xb8;
	[tilespmem:$0x1AA00] =	vst v63  }
0x14f: {  	_ =	swait.ge [sflag:s17], $0x4000  }
0x150: {  	s1 =	sld [smem:$0x7CC]  }
0x151: {  	[sflag:s17] =	ssyncset.done $0x0  }
0x152: {  	[sflag:s17] =	ssyncadd.s32 $0xFFFFC000  }
0x153: {  	[hbm4b:s1+s2] =	stream.linear.scatter [tilespmem:s7], [sflag:$0x9], $0x4000, $0x38;
	[tilespmem:$0x1AA00] =	vst v63  }
0x154: {  	_ =	swait.ge [sflag:s9], $0x4000  }
0x155: {  	s1 =	sld [smem:$0x7F7]  }
0x156: {  	[sflag:s9] =	ssyncset.done $0x0  }
0x157: {  	[sflag:s9] =	ssyncadd.s32 $0xFFFFC000  }
0x158: {  	[tilespmem:s13], [sflag:$0x1] =	stream.indirect.gather [hbm4b:s3+s4], $0x40, s1, s4, $0xb8;
	[tilespmem:$0x1AA00] =	vst v63  }
0x159: {  	_ =	swait.ge [sflag:s18], $0x4000  }
0x15a: {  	s1 =	sld [smem:$0x7CD]  }
0x15b: {  	[sflag:s18] =	ssyncset.done $0x0  }
0x15c: {  	[sflag:s18] =	ssyncadd.s32 $0xFFFFC000  }
0x15d: {  	[hbm4b:s1+s2] =	stream.linear.scatter [tilespmem:s5], [sflag:$0xA], $0x4000, $0x38;
	[tilespmem:$0x1AA00] =	vst v63  }
0x15e: {  	_ =	swait.ge [sflag:s11], $0x4000  }
0x15f: {  	s1 =	sld [smem:$0x7F8]  }
0x160: {  	[sflag:s11] =	ssyncset.done $0x0  }
0x161: {  	[sflag:s11] =	ssyncadd.s32 $0xFFFFC000  }
0x162: {  	[tilespmem:s10], [sflag:$0x2] =	stream.indirect.gather [hbm4b:s3+s4], $0x40, s1, s4, $0xb8;
	[tilespmem:$0x1AA00] =	vst v63  }
0x163: {  	_ =	swait.ge [sflag:s19], $0x4000  }
0x164: {  	s1 =	sld [smem:$0x7CE]  }
0x165: {  	[sflag:s19] =	ssyncset.done $0x0  }
0x166: {  	[sflag:s19] =	ssyncadd.s32 $0xFFFFC000  }
0x167: {  	[hbm4b:s1+s2] =	stream.linear.scatter [tilespmem:s6], [sflag:$0xB], $0x4000, $0x38;
	[tilespmem:$0x1AA00] =	vst v63  }
0x168: {  	_ =	swait.ge [sflag:s12], $0x4000  }
0x169: {  	s1 =	sld [smem:$0x7F9]  }
0x16a: {  	[sflag:s12] =	ssyncset.done $0x0  }
0x16b: {  	[sflag:s12] =	ssyncadd.s32 $0xFFFFC000  }
0x16c: {  	[tilespmem:s7], [sflag:$0x3] =	stream.indirect.gather [hbm4b:s3+s4], $0x40, s1, s4, $0xb8;
	[tilespmem:$0x1AA00] =	vst v63  }
0x16d: {  	_ =	swait.ge [sflag:s21], $0x4000  }
0x16e: {  	s1 =	sld [smem:$0x7CF]  }
0x16f: {  	[sflag:s21] =	ssyncset.done $0x0  }
0x170: {  	[sflag:s21] =	ssyncadd.s32 $0xFFFFC000  }
0x171: {  	[hbm4b:s1+s2] =	stream.linear.scatter [tilespmem:s8], [sflag:$0xC], $0x4000, $0x38;
	[tilespmem:$0x1AA00] =	vst v63  }
0x172: {  	_ =	swait.ge [sflag:s14], $0x4000  }
0x173: {  	s1 =	sld [smem:$0x7FA]  }
0x174: {  	[sflag:s14] =	ssyncset.done $0x0  }
0x175: {  	[sflag:s14] =	ssyncadd.s32 $0xFFFFC000  }
0x176: {  	[tilespmem:s5], [sflag:$0x4] =	stream.indirect.gather [hbm4b:s3+s4], $0x40, s1, s4, $0xb8;
	[tilespmem:$0x1AA00] =	vst v63  }
0x177: {  	_ =	swait.ge [sflag:s22], $0x4000  }
0x178: {  	s1 =	sld [smem:$0x7D0]  }
0x179: {  	[sflag:s22] =	ssyncset.done $0x0  }
0x17a: {  	[sflag:s22] =	ssyncadd.s32 $0xFFFFC000  }
0x17b: {  	[hbm4b:s1+s2] =	stream.linear.scatter [tilespmem:s13], [sflag:$0x7], $0x4000, $0x38;
	[tilespmem:$0x1AA00] =	vst v63  }
0x17c: {  	_ =	swait.ge [sflag:s15], $0x4000  }
0x17d: {  	s1 =	sld [smem:$0x7FB]  }
0x17e: {  	[sflag:s15] =	ssyncset.done $0x0  }
0x17f: {  	[sflag:s15] =	ssyncadd.s32 $0xFFFFC000  }
0x180: {  	[tilespmem:s6], [sflag:$0x5] =	stream.indirect.gather [hbm4b:s3+s4], $0x40, s1, s4, $0xb8;
	[tilespmem:$0x1AA00] =	vst v63  }
0x181: {  	_ =	swait.ge [sflag:s20], $0x4000  }
0x182: {  	s1 =	sld [smem:$0x7D1]  }
0x183: {  	[sflag:s20] =	ssyncset.done $0x0  }
0x184: {  	[sflag:s20] =	ssyncadd.s32 $0xFFFFC000  }
0x185: {  	[hbm4b:s1+s2] =	stream.linear.scatter [tilespmem:s10], [sflag:$0x8], $0x4000, $0x38;
	[tilespmem:$0x1AA00] =	vst v63  }
0x186: {  	_ =	swait.ge [sflag:s16], $0x4000  }
0x187: {  	s1 =	sld [smem:$0x7FC]  }
0x188: {  	[sflag:s16] =	ssyncset.done $0x0  }
0x189: {  	[sflag:s16] =	ssyncadd.s32 $0xFFFFC000  }
0x18a: {  	[tilespmem:s8], [sflag:$0x6] =	stream.indirect.gather [hbm4b:s3+s4], $0x40, s1, s4, $0xb8;
	[tilespmem:$0x1AA00] =	vst v63  }
0x18b: {  	_ =	swait.ge [sflag:s17], $0x4000  }
0x18c: {  	s1 =	sld [smem:$0x7D2]  }
0x18d: {  	[sflag:s17] =	ssyncset.done $0x0  }
0x18e: {  	[sflag:s17] =	ssyncadd.s32 $0xFFFFC000  }
0x18f: {  	[hbm4b:s1+s2] =	stream.linear.scatter [tilespmem:s7], [sflag:$0x9], $0x4000, $0x38;
	[tilespmem:$0x1AA00] =	vst v63  }
0x190: {  	_ =	swait.ge [sflag:s9], $0x4000  }
0x191: {  	s1 =	sld [smem:$0x7FD]  }
0x192: {  	[sflag:s9] =	ssyncset.done $0x0  }
0x193: {  	[sflag:s9] =	ssyncadd.s32 $0xFFFFC000  }
0x194: {  	[tilespmem:s13], [sflag:$0x1] =	stream.indirect.gather [hbm4b:s3+s4], $0x40, s1, s4, $0xb8;
	[tilespmem:$0x1AA00] =	vst v63  }
0x195: {  	_ =	swait.ge [sflag:s18], $0x4000  }
0x196: {  	s1 =	sld [smem:$0x7D3]  }
0x197: {  	[sflag:s18] =	ssyncset.done $0x0  }
0x198: {  	[sflag:s18] =	ssyncadd.s32 $0xFFFFC000  }
0x199: {  	[hbm4b:s1+s2] =	stream.linear.scatter [tilespmem:s5], [sflag:$0xA], $0x4000, $0x38;
	[tilespmem:$0x1AA00] =	vst v63  }
0x19a: {  	_ =	swait.ge [sflag:s11], $0x4000  }
0x19b: {  	[sflag:s11] =	ssyncset.done $0x0  }
0x19c: {  	[sflag:s11] =	ssyncadd.s32 $0xFFFFC000  }
0x19d: {  	[tilespmem:s10], [sflag:$0x2] =	stream.indirect.gather [hbm4b:s3+s4], $0x40, s28, s4, $0xb8;
	[tilespmem:$0x1AA00] =	vst v63  }
0x19e: {  	_ =	swait.ge [sflag:s19], $0x4000  }
0x19f: {  	s1 =	sld [smem:$0x7D4]  }
0x1a0: {  	[sflag:s19] =	ssyncset.done $0x0  }
0x1a1: {  	[sflag:s19] =	ssyncadd.s32 $0xFFFFC000  }
0x1a2: {  	[hbm4b:s1+s2] =	stream.linear.scatter [tilespmem:s6], [sflag:$0xB], $0x4000, $0x38;
	[tilespmem:$0x1AA00] =	vst v63  }
0x1a3: {  	_ =	swait.ge [sflag:s12], $0x4000  }
0x1a4: {  	[sflag:s12] =	ssyncset.done $0x0  }
0x1a5: {  	s1 =	simm.s32 $0x2600;
	[sflag:s12] =	ssyncadd.s32 $0xFFFFC000  }
0x1a6: {  	[tilespmem:s7], [sflag:$0x3] =	stream.indirect.gather [hbm4b:s3+s4], $0x40, s1, s4, $0xb8;
	[tilespmem:$0x1AA00] =	vst v63  }
0x1a7: {  	_ =	swait.ge [sflag:s21], $0x4000  }
0x1a8: {  	s1 =	sld [smem:$0x7D5]  }
0x1a9: {  	[sflag:s21] =	ssyncset.done $0x0  }
0x1aa: {  	[sflag:s21] =	ssyncadd.s32 $0xFFFFC000  }
0x1ab: {  	[hbm4b:s1+s2] =	stream.linear.scatter [tilespmem:s8], [sflag:$0xC], $0x4000, $0x38;
	[tilespmem:$0x1AA00] =	vst v63  }
0x1ac: {  	_ =	swait.ge [sflag:s14], $0x4000  }
0x1ad: {  	[sflag:s14] =	ssyncset.done $0x0  }
0x1ae: {  	[sflag:s14] =	ssyncadd.s32 $0xFFFFC000  }
0x1af: {  	[tilespmem:s5], [sflag:$0x4] =	stream.indirect.gather [hbm4b:s3+s4], $0x40, s26, s4, $0xb8;
	[tilespmem:$0x1AA00] =	vst v63  }
0x1b0: {  	_ =	swait.ge [sflag:s22], $0x4000  }
0x1b1: {  	s1 =	sld [smem:$0x7D6]  }
0x1b2: {  	[sflag:s22] =	ssyncset.done $0x0  }
0x1b3: {  	[sflag:s22] =	ssyncadd.s32 $0xFFFFC000  }
0x1b4: {  	[hbm4b:s1+s2] =	stream.linear.scatter [tilespmem:s13], [sflag:$0x7], $0x4000, $0x38;
	[tilespmem:$0x1AA00] =	vst v63  }
0x1b5: {  	_ =	swait.ge [sflag:s15], $0x4000  }
0x1b6: {  	[sflag:s15] =	ssyncset.done $0x0  }
0x1b7: {  	[sflag:s15] =	ssyncadd.s32 $0xFFFFC000  }
0x1b8: {  	[tilespmem:s6], [sflag:$0x5] =	stream.indirect.gather [hbm4b:s3+s4], $0x40, s25, s4, $0xb8;
	[tilespmem:$0x1AA00] =	vst v63  }
0x1b9: {  	_ =	swait.ge [sflag:s20], $0x4000  }
0x1ba: {  	s1 =	sld [smem:$0x7D7]  }
0x1bb: {  	[sflag:s20] =	ssyncset.done $0x0  }
0x1bc: {  	[sflag:s20] =	ssyncadd.s32 $0xFFFFC000  }
0x1bd: {  	[hbm4b:s1+s2] =	stream.linear.scatter [tilespmem:s10], [sflag:$0x8], $0x4000, $0x38;
	[tilespmem:$0x1AA00] =	vst v63  }
0x1be: {  	_ =	swait.ge [sflag:s16], $0x4000  }
0x1bf: {  	[sflag:s16] =	ssyncset.done $0x0  }
0x1c0: {  	[sflag:s16] =	ssyncadd.s32 $0xFFFFC000  }
0x1c1: {  	[tilespmem:s8], [sflag:$0x6] =	stream.indirect.gather [hbm4b:s3+s4], $0x40, s24, s4, $0xb8;
	[tilespmem:$0x1AA00] =	vst v63  }
0x1c2: {  	_ =	swait.ge [sflag:s17], $0x4000  }
0x1c3: {  	s1 =	sld [smem:$0x7D8]  }
0x1c4: {  	[sflag:s17] =	ssyncset.done $0x0  }
0x1c5: {  	[sflag:s17] =	ssyncadd.s32 $0xFFFFC000  }
0x1c6: {  	[hbm4b:s1+s2] =	stream.linear.scatter [tilespmem:s7], [sflag:$0x9], $0x4000, $0x38;
	[tilespmem:$0x1AA00] =	vst v63  }
0x1c7: {  	_ =	swait.ge [sflag:s18], $0x4000  }
0x1c8: {  	s1 =	sld [smem:$0x7D9]  }
0x1c9: {  	[sflag:s18] =	ssyncset.done $0x0  }
0x1ca: {  	[sflag:s18] =	ssyncadd.s32 $0xFFFFC000  }
0x1cb: {  	[hbm4b:s1+s2] =	stream.linear.scatter [tilespmem:s5], [sflag:$0xA], $0x4000, $0x38;
	[tilespmem:$0x1AA00] =	vst v63  }
0x1cc: {  	_ =	swait.ge [sflag:s19], $0x4000  }
0x1cd: {  	s1 =	sld [smem:$0x7DA]  }
0x1ce: {  	[sflag:s19] =	ssyncset.done $0x0  }
0x1cf: {  	[sflag:s19] =	ssyncadd.s32 $0xFFFFC000  }
0x1d0: {  	[hbm4b:s1+s2] =	stream.linear.scatter [tilespmem:s6], [sflag:$0xB], $0x4000, $0x38;
	[tilespmem:$0x1AA00] =	vst v63  }
0x1d1: {  	_ =	swait.ge [sflag:s21], $0x4000  }
0x1d2: {  	s1 =	sld [smem:$0x7DB]  }
0x1d3: {  	[sflag:s21] =	ssyncset.done $0x0  }
0x1d4: {  	[sflag:s21] =	ssyncadd.s32 $0xFFFFC000  }
0x1d5: {  	[hbm4b:s1+s2] =	stream.linear.scatter [tilespmem:s8], [sflag:$0xC], $0x4000, $0x38;
	[tilespmem:$0x1AA00] =	vst v63  }
0x1d6: {  	_ =	swait.ge [sflag:s9], $0x4000  }
0x1d7: {  	[sflag:s9] =	ssyncset.done $0x0  }
0x1d8: {  	[sflag:s9] =	ssyncadd.s32 $0xFFFFC000  }
0x1d9: {  	_ =	swait.ge [sflag:s11], $0x4000  }
0x1da: {  	[sflag:s11] =	ssyncset.done $0x0  }
0x1db: {  	[sflag:s11] =	ssyncadd.s32 $0xFFFFC000  }
0x1dc: {  	_ =	swait.ge [sflag:s12], $0x4000  }
0x1dd: {  	[sflag:s12] =	ssyncset.done $0x0  }
0x1de: {  	[sflag:s12] =	ssyncadd.s32 $0xFFFFC000  }
0x1df: {  	_ =	swait.ge [sflag:s14], $0x4000  }
0x1e0: {  	[sflag:s14] =	ssyncset.done $0x0  }
0x1e1: {  	p1 =	sne.s32 s23, $0x1;
	[sflag:s14] =	ssyncadd.s32 $0xFFFFC000  }
.Ltmp1:
0x1e2: {  	_ =	swait.ge [sflag:s15], $0x4000;
	(pc) =	sbr.rel @!p1 .LBB2_3-.Ltmp1, $4  }
0x1e3: {  	[sflag:s15] =	ssyncset.done $0x0  }
0x1e4: {  	[sflag:s15] =	ssyncadd.s32 $0xFFFFC000  }
0x1e5: {  	p0 =	por $0x1, $0x1;
	_ =	swait.ge [sflag:s16], $0x4000  }
0x1e6: {  	s0 =	sadd.s32 $0xFFFFFFFF, s23;
	s1 =	rddreg [dreg:$0x5];
	[sflag:s16] =	ssyncset.done $0x0  }
.LBB2_4:
0x1e7: {  	[sflag:s16] =	ssyncadd.s32 $0xFFFFC000  }
0x1e8: {  	[tilespmem:s2], [sflag:$0xD] =	stream.linear.gather [hbm4b:s1+s2], $0x200, $0x38;
	[tilespmem:$0x1AA00] =	vst v63  }
0x1e9: {  	_ =	swait.ge [sflag:s31], $0x200  }
0x1ea: {  	[sflag:s31] =	ssyncset.done $0x0  }
0x1eb: {  	s23 =	rddreg [dreg:$0x6];
	[sflag:s31] =	ssyncadd.s32 $0xFFFFFE00  }
0x1ec: {  	[tilespmem:s30], [sflag:$0xD] =	stream.linear.gather [hbm4b:s23+s2], $0x2800, $0x38;
	[tilespmem:$0x1AA00] =	vst v63  }
0x1ed: {  	_ =	swait.ge [sflag:s31], $0x2800  }
0x1ee: {  	[sflag:s31] =	ssyncset.done $0x0  }
0x1ef: {  	[sflag:s31] =	ssyncadd.s32 $0xFFFFD800  }
0x1f0: {  	[tilespmem:s13], [sflag:$0x1] =	stream.indirect.gather [hbm4b:s3+s4], $0x40, s2, s4, $0xb8;
	[tilespmem:$0x1AA00] =	vst v63  }
0x1f1: {  	_ = 	snop  }
0x1f2: {  	[tilespmem:s10], [sflag:$0x2] =	stream.indirect.gather [hbm4b:s3+s4], $0x40, s4, s4, $0xb8;
	[tilespmem:$0x1AA00] =	vst v63  }
0x1f3: {  	s23 =	sld [smem:$0x7DC]  }
0x1f4: {  	[tilespmem:s7], [sflag:$0x3] =	stream.indirect.gather [hbm4b:s3+s4], $0x40, s30, s4, $0xb8;
	[tilespmem:$0x1AA00] =	vst v63  }
0x1f5: {  	_ = 	snop  }
0x1f6: {  	[tilespmem:s5], [sflag:$0x4] =	stream.indirect.gather [hbm4b:s3+s4], $0x40, s23, s4, $0xb8;
	[tilespmem:$0x1AA00] =	vst v63  }
0x1f7: {  	_ =	swait.ge [sflag:s22], $0x4000  }
0x1f8: {  	s1 =	rddreg [dreg:$0x7];
	[sflag:s22] =	ssyncset.done $0x0  }
0x1f9: {  	s23 =	sld [smem:$0x7DD];
	[sflag:s22] =	ssyncadd.s32 $0xFFFFC000  }
0x1fa: {  	[hbm4b:s1+s2] =	stream.linear.scatter [tilespmem:s13], [sflag:$0x7], $0x4000, $0x38;
	[tilespmem:$0x1AA00] =	vst v63  }
0x1fb: {  	_ = 	snop  }
0x1fc: {  	[tilespmem:s6], [sflag:$0x5] =	stream.indirect.gather [hbm4b:s3+s4], $0x40, s23, s4, $0xb8;
	[tilespmem:$0x1AA00] =	vst v63  }
0x1fd: {  	_ =	swait.ge [sflag:s20], $0x4000  }
0x1fe: {  	s1 =	rddreg [dreg:$0x8];
	[sflag:s20] =	ssyncset.done $0x0  }
0x1ff: {  	s23 =	sld [smem:$0x7DE];
	[sflag:s20] =	ssyncadd.s32 $0xFFFFC000  }
0x200: {  	[hbm4b:s1+s2] =	stream.linear.scatter [tilespmem:s10], [sflag:$0x8], $0x4000, $0x38;
	[tilespmem:$0x1AA00] =	vst v63  }
0x201: {  	_ = 	snop  }
0x202: {  	[tilespmem:s8], [sflag:$0x6] =	stream.indirect.gather [hbm4b:s3+s4], $0x40, s23, s4, $0xb8;
	[tilespmem:$0x1AA00] =	vst v63  }
0x203: {  	_ =	swait.ge [sflag:s17], $0x4000  }
0x204: {  	[sflag:s17] =	ssyncset.done $0x0  }
0x205: {  	[sflag:s17] =	ssyncadd.s32 $0xFFFFC000  }
0x206: {  	[hbm4b:s29+s2] =	stream.linear.scatter [tilespmem:s7], [sflag:$0x9], $0x4000, $0x38;
	[tilespmem:$0x1AA00] =	vst v63  }
0x207: {  	_ =	swait.ge [sflag:s9], $0x4000  }
0x208: {  	s23 =	sld [smem:$0x7DF]  }
0x209: {  	[sflag:s9] =	ssyncset.done $0x0  }
0x20a: {  	[sflag:s9] =	ssyncadd.s32 $0xFFFFC000  }
0x20b: {  	[tilespmem:s13], [sflag:$0x1] =	stream.indirect.gather [hbm4b:s3+s4], $0x40, s23, s4, $0xb8;
	[tilespmem:$0x1AA00] =	vst v63  }
0x20c: {  	_ =	swait.ge [sflag:s18], $0x4000  }
0x20d: {  	[sflag:s18] =	ssyncset.done $0x0  }
0x20e: {  	s23 =	rddreg [dreg:$0x9];
	[sflag:s18] =	ssyncadd.s32 $0xFFFFC000  }
0x20f: {  	[hbm4b:s23+s2] =	stream.linear.scatter [tilespmem:s5], [sflag:$0xA], $0x4000, $0x38;
	[tilespmem:$0x1AA00] =	vst v63  }
0x210: {  	_ =	swait.ge [sflag:s11], $0x4000  }
0x211: {  	s23 =	sld [smem:$0x7E0]  }
0x212: {  	[sflag:s11] =	ssyncset.done $0x0  }
0x213: {  	[sflag:s11] =	ssyncadd.s32 $0xFFFFC000  }
0x214: {  	[tilespmem:s10], [sflag:$0x2] =	stream.indirect.gather [hbm4b:s3+s4], $0x40, s23, s4, $0xb8;
	[tilespmem:$0x1AA00] =	vst v63  }
0x215: {  	_ =	swait.ge [sflag:s19], $0x4000  }
0x216: {  	[sflag:s19] =	ssyncset.done $0x0  }
0x217: {  	s23 =	rddreg [dreg:$0xa];
	[sflag:s19] =	ssyncadd.s32 $0xFFFFC000  }
0x218: {  	[hbm4b:s23+s2] =	stream.linear.scatter [tilespmem:s6], [sflag:$0xB], $0x4000, $0x38;
	[tilespmem:$0x1AA00] =	vst v63  }
0x219: {  	_ =	swait.ge [sflag:s12], $0x4000  }
0x21a: {  	s23 =	sld [smem:$0x7E1]  }
0x21b: {  	[sflag:s12] =	ssyncset.done $0x0  }
0x21c: {  	[sflag:s12] =	ssyncadd.s32 $0xFFFFC000  }
0x21d: {  	[tilespmem:s7], [sflag:$0x3] =	stream.indirect.gather [hbm4b:s3+s4], $0x40, s23, s4, $0xb8;
	[tilespmem:$0x1AA00] =	vst v63  }
0x21e: {  	_ =	swait.ge [sflag:s21], $0x4000  }
0x21f: {  	[sflag:s21] =	ssyncset.done $0x0  }
0x220: {  	s23 =	rddreg [dreg:$0xb];
	[sflag:s21] =	ssyncadd.s32 $0xFFFFC000  }
0x221: {  	[hbm4b:s23+s2] =	stream.linear.scatter [tilespmem:s8], [sflag:$0xC], $0x4000, $0x38;
	[tilespmem:$0x1AA00] =	vst v63  }
0x222: {  	_ =	swait.ge [sflag:s14], $0x4000  }
0x223: {  	s23 =	sld [smem:$0x7E2]  }
0x224: {  	[sflag:s14] =	ssyncset.done $0x0  }
0x225: {  	[sflag:s14] =	ssyncadd.s32 $0xFFFFC000  }
0x226: {  	[tilespmem:s5], [sflag:$0x4] =	stream.indirect.gather [hbm4b:s3+s4], $0x40, s23, s4, $0xb8;
	[tilespmem:$0x1AA00] =	vst v63  }
0x227: {  	_ =	swait.ge [sflag:s22], $0x4000  }
0x228: {  	[sflag:s22] =	ssyncset.done $0x0  }
0x229: {  	s23 =	rddreg [dreg:$0xc];
	[sflag:s22] =	ssyncadd.s32 $0xFFFFC000  }
0x22a: {  	[hbm4b:s23+s2] =	stream.linear.scatter [tilespmem:s13], [sflag:$0x7], $0x4000, $0x38;
	[tilespmem:$0x1AA00] =	vst v63  }
0x22b: {  	_ =	swait.ge [sflag:s15], $0x4000  }
0x22c: {  	s23 =	sld [smem:$0x7E3]  }
0x22d: {  	[sflag:s15] =	ssyncset.done $0x0  }
0x22e: {  	[sflag:s15] =	ssyncadd.s32 $0xFFFFC000  }
0x22f: {  	[tilespmem:s6], [sflag:$0x5] =	stream.indirect.gather [hbm4b:s3+s4], $0x40, s23, s4, $0xb8;
	[tilespmem:$0x1AA00] =	vst v63  }
0x230: {  	_ =	swait.ge [sflag:s20], $0x4000  }
0x231: {  	[sflag:s20] =	ssyncset.done $0x0  }
0x232: {  	s23 =	rddreg [dreg:$0xd];
	[sflag:s20] =	ssyncadd.s32 $0xFFFFC000  }
0x233: {  	[hbm4b:s23+s2] =	stream.linear.scatter [tilespmem:s10], [sflag:$0x8], $0x4000, $0x38;
	[tilespmem:$0x1AA00] =	vst v63  }
0x234: {  	_ =	swait.ge [sflag:s16], $0x4000  }
0x235: {  	s23 =	sld [smem:$0x7E4]  }
0x236: {  	[sflag:s16] =	ssyncset.done $0x0  }
0x237: {  	[sflag:s16] =	ssyncadd.s32 $0xFFFFC000  }
0x238: {  	[tilespmem:s8], [sflag:$0x6] =	stream.indirect.gather [hbm4b:s3+s4], $0x40, s23, s4, $0xb8;
	[tilespmem:$0x1AA00] =	vst v63  }
0x239: {  	_ =	swait.ge [sflag:s17], $0x4000  }
0x23a: {  	[sflag:s17] =	ssyncset.done $0x0  }
0x23b: {  	s23 =	rddreg [dreg:$0xe];
	[sflag:s17] =	ssyncadd.s32 $0xFFFFC000  }
0x23c: {  	[hbm4b:s23+s2] =	stream.linear.scatter [tilespmem:s7], [sflag:$0x9], $0x4000, $0x38;
	[tilespmem:$0x1AA00] =	vst v63  }
0x23d: {  	_ =	swait.ge [sflag:s9], $0x4000  }
0x23e: {  	s23 =	sld [smem:$0x7E5]  }
0x23f: {  	[sflag:s9] =	ssyncset.done $0x0  }
0x240: {  	[sflag:s9] =	ssyncadd.s32 $0xFFFFC000  }
0x241: {  	[tilespmem:s13], [sflag:$0x1] =	stream.indirect.gather [hbm4b:s3+s4], $0x40, s23, s4, $0xb8;
	[tilespmem:$0x1AA00] =	vst v63  }
0x242: {  	_ =	swait.ge [sflag:s18], $0x4000  }
0x243: {  	[sflag:s18] =	ssyncset.done $0x0  }
0x244: {  	s23 =	rddreg [dreg:$0xf];
	[sflag:s18] =	ssyncadd.s32 $0xFFFFC000  }
0x245: {  	[hbm4b:s23+s2] =	stream.linear.scatter [tilespmem:s5], [sflag:$0xA], $0x4000, $0x38;
	[tilespmem:$0x1AA00] =	vst v63  }
0x246: {  	_ =	swait.ge [sflag:s11], $0x4000  }
0x247: {  	s23 =	sld [smem:$0x7E6]  }
0x248: {  	[sflag:s11] =	ssyncset.done $0x0  }
0x249: {  	[sflag:s11] =	ssyncadd.s32 $0xFFFFC000  }
0x24a: {  	[tilespmem:s10], [sflag:$0x2] =	stream.indirect.gather [hbm4b:s3+s4], $0x40, s23, s4, $0xb8;
	[tilespmem:$0x1AA00] =	vst v63  }
0x24b: {  	_ =	swait.ge [sflag:s19], $0x4000  }
0x24c: {  	[sflag:s19] =	ssyncset.done $0x0  }
0x24d: {  	s23 =	rddreg [dreg:$0x10];
	[sflag:s19] =	ssyncadd.s32 $0xFFFFC000  }
0x24e: {  	[hbm4b:s23+s2] =	stream.linear.scatter [tilespmem:s6], [sflag:$0xB], $0x4000, $0x38;
	[tilespmem:$0x1AA00] =	vst v63  }
0x24f: {  	_ =	swait.ge [sflag:s12], $0x4000  }
0x250: {  	s23 =	sld [smem:$0x7E7]  }
0x251: {  	[sflag:s12] =	ssyncset.done $0x0  }
0x252: {  	[sflag:s12] =	ssyncadd.s32 $0xFFFFC000  }
0x253: {  	[tilespmem:s7], [sflag:$0x3] =	stream.indirect.gather [hbm4b:s3+s4], $0x40, s23, s4, $0xb8;
	[tilespmem:$0x1AA00] =	vst v63  }
0x254: {  	_ =	swait.ge [sflag:s21], $0x4000  }
0x255: {  	[sflag:s21] =	ssyncset.done $0x0  }
0x256: {  	s23 =	rddreg [dreg:$0x11];
	[sflag:s21] =	ssyncadd.s32 $0xFFFFC000  }
0x257: {  	[hbm4b:s23+s2] =	stream.linear.scatter [tilespmem:s8], [sflag:$0xC], $0x4000, $0x38;
	[tilespmem:$0x1AA00] =	vst v63  }
0x258: {  	_ =	swait.ge [sflag:s14], $0x4000  }
0x259: {  	s23 =	sld [smem:$0x7E8]  }
0x25a: {  	[sflag:s14] =	ssyncset.done $0x0  }
0x25b: {  	[sflag:s14] =	ssyncadd.s32 $0xFFFFC000  }
0x25c: {  	[tilespmem:s5], [sflag:$0x4] =	stream.indirect.gather [hbm4b:s3+s4], $0x40, s23, s4, $0xb8;
	[tilespmem:$0x1AA00] =	vst v63  }
0x25d: {  	_ =	swait.ge [sflag:s22], $0x4000  }
0x25e: {  	[sflag:s22] =	ssyncset.done $0x0  }
0x25f: {  	s23 =	rddreg [dreg:$0x12];
	[sflag:s22] =	ssyncadd.s32 $0xFFFFC000  }
0x260: {  	[hbm4b:s23+s2] =	stream.linear.scatter [tilespmem:s13], [sflag:$0x7], $0x4000, $0x38;
	[tilespmem:$0x1AA00] =	vst v63  }
0x261: {  	_ =	swait.ge [sflag:s15], $0x4000  }
0x262: {  	s23 =	sld [smem:$0x7E9]  }
0x263: {  	[sflag:s15] =	ssyncset.done $0x0  }
0x264: {  	[sflag:s15] =	ssyncadd.s32 $0xFFFFC000  }
0x265: {  	[tilespmem:s6], [sflag:$0x5] =	stream.indirect.gather [hbm4b:s3+s4], $0x40, s23, s4, $0xb8;
	[tilespmem:$0x1AA00] =	vst v63  }
0x266: {  	_ =	swait.ge [sflag:s20], $0x4000  }
0x267: {  	[sflag:s20] =	ssyncset.done $0x0  }
0x268: {  	s23 =	rddreg [dreg:$0x13];
	[sflag:s20] =	ssyncadd.s32 $0xFFFFC000  }
0x269: {  	[hbm4b:s23+s2] =	stream.linear.scatter [tilespmem:s10], [sflag:$0x8], $0x4000, $0x38;
	[tilespmem:$0x1AA00] =	vst v63  }
0x26a: {  	_ =	swait.ge [sflag:s16], $0x4000  }
0x26b: {  	s23 =	sld [smem:$0x7EA]  }
0x26c: {  	[sflag:s16] =	ssyncset.done $0x0  }
0x26d: {  	[sflag:s16] =	ssyncadd.s32 $0xFFFFC000  }
0x26e: {  	[tilespmem:s8], [sflag:$0x6] =	stream.indirect.gather [hbm4b:s3+s4], $0x40, s23, s4, $0xb8;
	[tilespmem:$0x1AA00] =	vst v63  }
0x26f: {  	_ =	swait.ge [sflag:s17], $0x4000  }
0x270: {  	[sflag:s17] =	ssyncset.done $0x0  }
0x271: {  	s23 =	rddreg [dreg:$0x14];
	[sflag:s17] =	ssyncadd.s32 $0xFFFFC000  }
0x272: {  	[hbm4b:s23+s2] =	stream.linear.scatter [tilespmem:s7], [sflag:$0x9], $0x4000, $0x38;
	[tilespmem:$0x1AA00] =	vst v63  }
0x273: {  	_ =	swait.ge [sflag:s9], $0x4000  }
0x274: {  	s23 =	sld [smem:$0x7EB]  }
0x275: {  	[sflag:s9] =	ssyncset.done $0x0  }
0x276: {  	[sflag:s9] =	ssyncadd.s32 $0xFFFFC000  }
0x277: {  	[tilespmem:s13], [sflag:$0x1] =	stream.indirect.gather [hbm4b:s3+s4], $0x40, s23, s4, $0xb8;
	[tilespmem:$0x1AA00] =	vst v63  }
0x278: {  	_ =	swait.ge [sflag:s18], $0x4000  }
0x279: {  	[sflag:s18] =	ssyncset.done $0x0  }
0x27a: {  	s23 =	rddreg [dreg:$0x15];
	[sflag:s18] =	ssyncadd.s32 $0xFFFFC000  }
0x27b: {  	[hbm4b:s23+s2] =	stream.linear.scatter [tilespmem:s5], [sflag:$0xA], $0x4000, $0x38;
	[tilespmem:$0x1AA00] =	vst v63  }
0x27c: {  	_ =	swait.ge [sflag:s11], $0x4000  }
0x27d: {  	s23 =	sld [smem:$0x7EC]  }
0x27e: {  	[sflag:s11] =	ssyncset.done $0x0  }
0x27f: {  	[sflag:s11] =	ssyncadd.s32 $0xFFFFC000  }
0x280: {  	[tilespmem:s10], [sflag:$0x2] =	stream.indirect.gather [hbm4b:s3+s4], $0x40, s23, s4, $0xb8;
	[tilespmem:$0x1AA00] =	vst v63  }
0x281: {  	_ =	swait.ge [sflag:s19], $0x4000  }
0x282: {  	[sflag:s19] =	ssyncset.done $0x0  }
0x283: {  	s23 =	rddreg [dreg:$0x16];
	[sflag:s19] =	ssyncadd.s32 $0xFFFFC000  }
0x284: {  	[hbm4b:s23+s2] =	stream.linear.scatter [tilespmem:s6], [sflag:$0xB], $0x4000, $0x38;
	[tilespmem:$0x1AA00] =	vst v63  }
0x285: {  	_ =	swait.ge [sflag:s12], $0x4000  }
0x286: {  	s23 =	sld [smem:$0x7ED]  }
0x287: {  	[sflag:s12] =	ssyncset.done $0x0  }
0x288: {  	[sflag:s12] =	ssyncadd.s32 $0xFFFFC000  }
0x289: {  	[tilespmem:s7], [sflag:$0x3] =	stream.indirect.gather [hbm4b:s3+s4], $0x40, s23, s4, $0xb8;
	[tilespmem:$0x1AA00] =	vst v63  }
0x28a: {  	_ =	swait.ge [sflag:s21], $0x4000  }
0x28b: {  	[sflag:s21] =	ssyncset.done $0x0  }
0x28c: {  	s23 =	rddreg [dreg:$0x17];
	[sflag:s21] =	ssyncadd.s32 $0xFFFFC000  }
0x28d: {  	[hbm4b:s23+s2] =	stream.linear.scatter [tilespmem:s8], [sflag:$0xC], $0x4000, $0x38;
	[tilespmem:$0x1AA00] =	vst v63  }
0x28e: {  	_ =	swait.ge [sflag:s14], $0x4000  }
0x28f: {  	s23 =	sld [smem:$0x7EE]  }
0x290: {  	[sflag:s14] =	ssyncset.done $0x0  }
0x291: {  	[sflag:s14] =	ssyncadd.s32 $0xFFFFC000  }
0x292: {  	[tilespmem:s5], [sflag:$0x4] =	stream.indirect.gather [hbm4b:s3+s4], $0x40, s23, s4, $0xb8;
	[tilespmem:$0x1AA00] =	vst v63  }
0x293: {  	_ =	swait.ge [sflag:s22], $0x4000  }
0x294: {  	[sflag:s22] =	ssyncset.done $0x0  }
0x295: {  	s23 =	rddreg [dreg:$0x18];
	[sflag:s22] =	ssyncadd.s32 $0xFFFFC000  }
0x296: {  	[hbm4b:s23+s2] =	stream.linear.scatter [tilespmem:s13], [sflag:$0x7], $0x4000, $0x38;
	[tilespmem:$0x1AA00] =	vst v63  }
0x297: {  	_ =	swait.ge [sflag:s15], $0x4000  }
0x298: {  	s23 =	sld [smem:$0x7EF]  }
0x299: {  	[sflag:s15] =	ssyncset.done $0x0  }
0x29a: {  	[sflag:s15] =	ssyncadd.s32 $0xFFFFC000  }
0x29b: {  	[tilespmem:s6], [sflag:$0x5] =	stream.indirect.gather [hbm4b:s3+s4], $0x40, s23, s4, $0xb8;
	[tilespmem:$0x1AA00] =	vst v63  }
0x29c: {  	_ =	swait.ge [sflag:s20], $0x4000  }
0x29d: {  	[sflag:s20] =	ssyncset.done $0x0  }
0x29e: {  	s23 =	rddreg [dreg:$0x19];
	[sflag:s20] =	ssyncadd.s32 $0xFFFFC000  }
0x29f: {  	[hbm4b:s23+s2] =	stream.linear.scatter [tilespmem:s10], [sflag:$0x8], $0x4000, $0x38;
	[tilespmem:$0x1AA00] =	vst v63  }
0x2a0: {  	_ =	swait.ge [sflag:s16], $0x4000  }
0x2a1: {  	s23 =	sld [smem:$0x7F0]  }
0x2a2: {  	[sflag:s16] =	ssyncset.done $0x0  }
0x2a3: {  	[sflag:s16] =	ssyncadd.s32 $0xFFFFC000  }
0x2a4: {  	[tilespmem:s8], [sflag:$0x6] =	stream.indirect.gather [hbm4b:s3+s4], $0x40, s23, s4, $0xb8;
	[tilespmem:$0x1AA00] =	vst v63  }
0x2a5: {  	_ =	swait.ge [sflag:s17], $0x4000  }
0x2a6: {  	[sflag:s17] =	ssyncset.done $0x0  }
0x2a7: {  	s23 =	rddreg [dreg:$0x1a];
	[sflag:s17] =	ssyncadd.s32 $0xFFFFC000  }
0x2a8: {  	[hbm4b:s23+s2] =	stream.linear.scatter [tilespmem:s7], [sflag:$0x9], $0x4000, $0x38;
	[tilespmem:$0x1AA00] =	vst v63  }
0x2a9: {  	_ =	swait.ge [sflag:s9], $0x4000  }
0x2aa: {  	s23 =	sld [smem:$0x7F1]  }
0x2ab: {  	[sflag:s9] =	ssyncset.done $0x0  }
0x2ac: {  	[sflag:s9] =	ssyncadd.s32 $0xFFFFC000  }
0x2ad: {  	[tilespmem:s13], [sflag:$0x1] =	stream.indirect.gather [hbm4b:s3+s4], $0x40, s23, s4, $0xb8;
	[tilespmem:$0x1AA00] =	vst v63  }
0x2ae: {  	_ =	swait.ge [sflag:s18], $0x4000  }
0x2af: {  	[sflag:s18] =	ssyncset.done $0x0  }
0x2b0: {  	s23 =	rddreg [dreg:$0x1b];
	[sflag:s18] =	ssyncadd.s32 $0xFFFFC000  }
0x2b1: {  	[hbm4b:s23+s2] =	stream.linear.scatter [tilespmem:s5], [sflag:$0xA], $0x4000, $0x38;
	[tilespmem:$0x1AA00] =	vst v63  }
0x2b2: {  	_ =	swait.ge [sflag:s11], $0x4000  }
0x2b3: {  	s23 =	sld [smem:$0x7F2]  }
0x2b4: {  	[sflag:s11] =	ssyncset.done $0x0  }
0x2b5: {  	[sflag:s11] =	ssyncadd.s32 $0xFFFFC000  }
0x2b6: {  	[tilespmem:s10], [sflag:$0x2] =	stream.indirect.gather [hbm4b:s3+s4], $0x40, s23, s4, $0xb8;
	[tilespmem:$0x1AA00] =	vst v63  }
0x2b7: {  	_ =	swait.ge [sflag:s19], $0x4000  }
0x2b8: {  	[sflag:s19] =	ssyncset.done $0x0  }
0x2b9: {  	s23 =	rddreg [dreg:$0x1c];
	[sflag:s19] =	ssyncadd.s32 $0xFFFFC000  }
0x2ba: {  	[hbm4b:s23+s2] =	stream.linear.scatter [tilespmem:s6], [sflag:$0xB], $0x4000, $0x38;
	[tilespmem:$0x1AA00] =	vst v63  }
0x2bb: {  	_ =	swait.ge [sflag:s12], $0x4000  }
0x2bc: {  	s23 =	sld [smem:$0x7F3]  }
0x2bd: {  	[sflag:s12] =	ssyncset.done $0x0  }
0x2be: {  	[sflag:s12] =	ssyncadd.s32 $0xFFFFC000  }
0x2bf: {  	[tilespmem:s7], [sflag:$0x3] =	stream.indirect.gather [hbm4b:s3+s4], $0x40, s23, s4, $0xb8;
	[tilespmem:$0x1AA00] =	vst v63  }
0x2c0: {  	_ =	swait.ge [sflag:s21], $0x4000  }
0x2c1: {  	[sflag:s21] =	ssyncset.done $0x0  }
0x2c2: {  	s23 =	rddreg [dreg:$0x1d];
	[sflag:s21] =	ssyncadd.s32 $0xFFFFC000  }
0x2c3: {  	[hbm4b:s23+s2] =	stream.linear.scatter [tilespmem:s8], [sflag:$0xC], $0x4000, $0x38;
	[tilespmem:$0x1AA00] =	vst v63  }
0x2c4: {  	_ =	swait.ge [sflag:s14], $0x4000  }
0x2c5: {  	s23 =	sld [smem:$0x7F4]  }
0x2c6: {  	[sflag:s14] =	ssyncset.done $0x0  }
0x2c7: {  	[sflag:s14] =	ssyncadd.s32 $0xFFFFC000  }
0x2c8: {  	[tilespmem:s5], [sflag:$0x4] =	stream.indirect.gather [hbm4b:s3+s4], $0x40, s23, s4, $0xb8;
	[tilespmem:$0x1AA00] =	vst v63  }
0x2c9: {  	_ =	swait.ge [sflag:s22], $0x4000  }
0x2ca: {  	[sflag:s22] =	ssyncset.done $0x0  }
0x2cb: {  	s23 =	rddreg [dreg:$0x1e];
	[sflag:s22] =	ssyncadd.s32 $0xFFFFC000  }
0x2cc: {  	[hbm4b:s23+s2] =	stream.linear.scatter [tilespmem:s13], [sflag:$0x7], $0x4000, $0x38;
	[tilespmem:$0x1AA00] =	vst v63  }
0x2cd: {  	_ =	swait.ge [sflag:s15], $0x4000  }
0x2ce: {  	s23 =	sld [smem:$0x7F5]  }
0x2cf: {  	[sflag:s15] =	ssyncset.done $0x0  }
0x2d0: {  	[sflag:s15] =	ssyncadd.s32 $0xFFFFC000  }
0x2d1: {  	[tilespmem:s6], [sflag:$0x5] =	stream.indirect.gather [hbm4b:s3+s4], $0x40, s23, s4, $0xb8;
	[tilespmem:$0x1AA00] =	vst v63  }
0x2d2: {  	_ =	swait.ge [sflag:s20], $0x4000  }
0x2d3: {  	[sflag:s20] =	ssyncset.done $0x0  }
0x2d4: {  	s23 =	rddreg [dreg:$0x1f];
	[sflag:s20] =	ssyncadd.s32 $0xFFFFC000  }
0x2d5: {  	[hbm4b:s23+s2] =	stream.linear.scatter [tilespmem:s10], [sflag:$0x8], $0x4000, $0x38;
	[tilespmem:$0x1AA00] =	vst v63  }
0x2d6: {  	_ =	swait.ge [sflag:s16], $0x4000  }
0x2d7: {  	s23 =	sld [smem:$0x7F6]  }
0x2d8: {  	[sflag:s16] =	ssyncset.done $0x0  }
0x2d9: {  	[sflag:s16] =	ssyncadd.s32 $0xFFFFC000  }
0x2da: {  	[tilespmem:s8], [sflag:$0x6] =	stream.indirect.gather [hbm4b:s3+s4], $0x40, s23, s4, $0xb8;
	[tilespmem:$0x1AA00] =	vst v63  }
0x2db: {  	_ =	swait.ge [sflag:s17], $0x4000  }
0x2dc: {  	s23 =	sld [smem:$0x7CC]  }
0x2dd: {  	[sflag:s17] =	ssyncset.done $0x0  }
0x2de: {  	[sflag:s17] =	ssyncadd.s32 $0xFFFFC000  }
0x2df: {  	[hbm4b:s23+s2] =	stream.linear.scatter [tilespmem:s7], [sflag:$0x9], $0x4000, $0x38;
	[tilespmem:$0x1AA00] =	vst v63  }
0x2e0: {  	_ =	swait.ge [sflag:s9], $0x4000  }
0x2e1: {  	s23 =	sld [smem:$0x7F7]  }
0x2e2: {  	[sflag:s9] =	ssyncset.done $0x0  }
0x2e3: {  	[sflag:s9] =	ssyncadd.s32 $0xFFFFC000  }
0x2e4: {  	[tilespmem:s13], [sflag:$0x1] =	stream.indirect.gather [hbm4b:s3+s4], $0x40, s23, s4, $0xb8;
	[tilespmem:$0x1AA00] =	vst v63  }
0x2e5: {  	_ =	swait.ge [sflag:s18], $0x4000  }
0x2e6: {  	s23 =	sld [smem:$0x7CD]  }
0x2e7: {  	[sflag:s18] =	ssyncset.done $0x0  }
0x2e8: {  	[sflag:s18] =	ssyncadd.s32 $0xFFFFC000  }
0x2e9: {  	[hbm4b:s23+s2] =	stream.linear.scatter [tilespmem:s5], [sflag:$0xA], $0x4000, $0x38;
	[tilespmem:$0x1AA00] =	vst v63  }
0x2ea: {  	_ =	swait.ge [sflag:s11], $0x4000  }
0x2eb: {  	s23 =	sld [smem:$0x7F8]  }
0x2ec: {  	[sflag:s11] =	ssyncset.done $0x0  }
0x2ed: {  	[sflag:s11] =	ssyncadd.s32 $0xFFFFC000  }
0x2ee: {  	[tilespmem:s10], [sflag:$0x2] =	stream.indirect.gather [hbm4b:s3+s4], $0x40, s23, s4, $0xb8;
	[tilespmem:$0x1AA00] =	vst v63  }
0x2ef: {  	_ =	swait.ge [sflag:s19], $0x4000  }
0x2f0: {  	s23 =	sld [smem:$0x7CE]  }
0x2f1: {  	[sflag:s19] =	ssyncset.done $0x0  }
0x2f2: {  	[sflag:s19] =	ssyncadd.s32 $0xFFFFC000  }
0x2f3: {  	[hbm4b:s23+s2] =	stream.linear.scatter [tilespmem:s6], [sflag:$0xB], $0x4000, $0x38;
	[tilespmem:$0x1AA00] =	vst v63  }
0x2f4: {  	_ =	swait.ge [sflag:s12], $0x4000  }
0x2f5: {  	s23 =	sld [smem:$0x7F9]  }
0x2f6: {  	[sflag:s12] =	ssyncset.done $0x0  }
0x2f7: {  	[sflag:s12] =	ssyncadd.s32 $0xFFFFC000  }
0x2f8: {  	[tilespmem:s7], [sflag:$0x3] =	stream.indirect.gather [hbm4b:s3+s4], $0x40, s23, s4, $0xb8;
	[tilespmem:$0x1AA00] =	vst v63  }
0x2f9: {  	_ =	swait.ge [sflag:s21], $0x4000  }
0x2fa: {  	s23 =	sld [smem:$0x7CF]  }
0x2fb: {  	[sflag:s21] =	ssyncset.done $0x0  }
0x2fc: {  	[sflag:s21] =	ssyncadd.s32 $0xFFFFC000  }
0x2fd: {  	[hbm4b:s23+s2] =	stream.linear.scatter [tilespmem:s8], [sflag:$0xC], $0x4000, $0x38;
	[tilespmem:$0x1AA00] =	vst v63  }
0x2fe: {  	_ =	swait.ge [sflag:s14], $0x4000  }
0x2ff: {  	s23 =	sld [smem:$0x7FA]  }
0x300: {  	[sflag:s14] =	ssyncset.done $0x0  }
0x301: {  	[sflag:s14] =	ssyncadd.s32 $0xFFFFC000  }
0x302: {  	[tilespmem:s5], [sflag:$0x4] =	stream.indirect.gather [hbm4b:s3+s4], $0x40, s23, s4, $0xb8;
	[tilespmem:$0x1AA00] =	vst v63  }
0x303: {  	_ =	swait.ge [sflag:s22], $0x4000  }
0x304: {  	s23 =	sld [smem:$0x7D0]  }
0x305: {  	[sflag:s22] =	ssyncset.done $0x0  }
0x306: {  	[sflag:s22] =	ssyncadd.s32 $0xFFFFC000  }
0x307: {  	[hbm4b:s23+s2] =	stream.linear.scatter [tilespmem:s13], [sflag:$0x7], $0x4000, $0x38;
	[tilespmem:$0x1AA00] =	vst v63  }
0x308: {  	_ =	swait.ge [sflag:s15], $0x4000  }
0x309: {  	s23 =	sld [smem:$0x7FB]  }
0x30a: {  	[sflag:s15] =	ssyncset.done $0x0  }
0x30b: {  	[sflag:s15] =	ssyncadd.s32 $0xFFFFC000  }
0x30c: {  	[tilespmem:s6], [sflag:$0x5] =	stream.indirect.gather [hbm4b:s3+s4], $0x40, s23, s4, $0xb8;
	[tilespmem:$0x1AA00] =	vst v63  }
0x30d: {  	_ =	swait.ge [sflag:s20], $0x4000  }
0x30e: {  	s23 =	sld [smem:$0x7D1]  }
0x30f: {  	[sflag:s20] =	ssyncset.done $0x0  }
0x310: {  	[sflag:s20] =	ssyncadd.s32 $0xFFFFC000  }
0x311: {  	[hbm4b:s23+s2] =	stream.linear.scatter [tilespmem:s10], [sflag:$0x8], $0x4000, $0x38;
	[tilespmem:$0x1AA00] =	vst v63  }
0x312: {  	_ =	swait.ge [sflag:s16], $0x4000  }
0x313: {  	s23 =	sld [smem:$0x7FC]  }
0x314: {  	[sflag:s16] =	ssyncset.done $0x0  }
0x315: {  	[sflag:s16] =	ssyncadd.s32 $0xFFFFC000  }
0x316: {  	[tilespmem:s8], [sflag:$0x6] =	stream.indirect.gather [hbm4b:s3+s4], $0x40, s23, s4, $0xb8;
	[tilespmem:$0x1AA00] =	vst v63  }
0x317: {  	_ =	swait.ge [sflag:s17], $0x4000  }
0x318: {  	s23 =	sld [smem:$0x7D2]  }
0x319: {  	[sflag:s17] =	ssyncset.done $0x0  }
0x31a: {  	[sflag:s17] =	ssyncadd.s32 $0xFFFFC000  }
0x31b: {  	[hbm4b:s23+s2] =	stream.linear.scatter [tilespmem:s7], [sflag:$0x9], $0x4000, $0x38;
	[tilespmem:$0x1AA00] =	vst v63  }
0x31c: {  	_ =	swait.ge [sflag:s9], $0x4000  }
0x31d: {  	s23 =	sld [smem:$0x7FD]  }
0x31e: {  	[sflag:s9] =	ssyncset.done $0x0  }
0x31f: {  	[sflag:s9] =	ssyncadd.s32 $0xFFFFC000  }
0x320: {  	[tilespmem:s13], [sflag:$0x1] =	stream.indirect.gather [hbm4b:s3+s4], $0x40, s23, s4, $0xb8;
	[tilespmem:$0x1AA00] =	vst v63  }
0x321: {  	_ =	swait.ge [sflag:s18], $0x4000  }
0x322: {  	s23 =	sld [smem:$0x7D3]  }
0x323: {  	[sflag:s18] =	ssyncset.done $0x0  }
0x324: {  	[sflag:s18] =	ssyncadd.s32 $0xFFFFC000  }
0x325: {  	[hbm4b:s23+s2] =	stream.linear.scatter [tilespmem:s5], [sflag:$0xA], $0x4000, $0x38;
	[tilespmem:$0x1AA00] =	vst v63  }
0x326: {  	_ =	swait.ge [sflag:s11], $0x4000  }
0x327: {  	[sflag:s11] =	ssyncset.done $0x0  }
0x328: {  	[sflag:s11] =	ssyncadd.s32 $0xFFFFC000  }
0x329: {  	[tilespmem:s10], [sflag:$0x2] =	stream.indirect.gather [hbm4b:s3+s4], $0x40, s28, s4, $0xb8;
	[tilespmem:$0x1AA00] =	vst v63  }
0x32a: {  	_ =	swait.ge [sflag:s19], $0x4000  }
0x32b: {  	s23 =	sld [smem:$0x7D4]  }
0x32c: {  	[sflag:s19] =	ssyncset.done $0x0  }
0x32d: {  	[sflag:s19] =	ssyncadd.s32 $0xFFFFC000  }
0x32e: {  	[hbm4b:s23+s2] =	stream.linear.scatter [tilespmem:s6], [sflag:$0xB], $0x4000, $0x38;
	[tilespmem:$0x1AA00] =	vst v63  }
0x32f: {  	_ =	swait.ge [sflag:s12], $0x4000  }
0x330: {  	[sflag:s12] =	ssyncset.done $0x0  }
0x331: {  	s23 =	simm.s32 $0x2600;
	[sflag:s12] =	ssyncadd.s32 $0xFFFFC000  }
0x332: {  	[tilespmem:s7], [sflag:$0x3] =	stream.indirect.gather [hbm4b:s3+s4], $0x40, s23, s4, $0xb8;
	[tilespmem:$0x1AA00] =	vst v63  }
0x333: {  	_ =	swait.ge [sflag:s21], $0x4000  }
0x334: {  	s23 =	sld [smem:$0x7D5]  }
0x335: {  	[sflag:s21] =	ssyncset.done $0x0  }
0x336: {  	[sflag:s21] =	ssyncadd.s32 $0xFFFFC000  }
0x337: {  	[hbm4b:s23+s2] =	stream.linear.scatter [tilespmem:s8], [sflag:$0xC], $0x4000, $0x38;
	[tilespmem:$0x1AA00] =	vst v63  }
0x338: {  	_ =	swait.ge [sflag:s14], $0x4000  }
0x339: {  	[sflag:s14] =	ssyncset.done $0x0  }
0x33a: {  	[sflag:s14] =	ssyncadd.s32 $0xFFFFC000  }
0x33b: {  	[tilespmem:s5], [sflag:$0x4] =	stream.indirect.gather [hbm4b:s3+s4], $0x40, s26, s4, $0xb8;
	[tilespmem:$0x1AA00] =	vst v63  }
0x33c: {  	_ =	swait.ge [sflag:s22], $0x4000  }
0x33d: {  	s23 =	sld [smem:$0x7D6]  }
0x33e: {  	[sflag:s22] =	ssyncset.done $0x0  }
0x33f: {  	[sflag:s22] =	ssyncadd.s32 $0xFFFFC000  }
0x340: {  	[hbm4b:s23+s2] =	stream.linear.scatter [tilespmem:s13], [sflag:$0x7], $0x4000, $0x38;
	[tilespmem:$0x1AA00] =	vst v63  }
0x341: {  	_ =	swait.ge [sflag:s15], $0x4000  }
0x342: {  	[sflag:s15] =	ssyncset.done $0x0  }
0x343: {  	[sflag:s15] =	ssyncadd.s32 $0xFFFFC000  }
0x344: {  	[tilespmem:s6], [sflag:$0x5] =	stream.indirect.gather [hbm4b:s3+s4], $0x40, s25, s4, $0xb8;
	[tilespmem:$0x1AA00] =	vst v63  }
0x345: {  	_ =	swait.ge [sflag:s20], $0x4000  }
0x346: {  	s23 =	sld [smem:$0x7D7]  }
0x347: {  	[sflag:s20] =	ssyncset.done $0x0  }
0x348: {  	[sflag:s20] =	ssyncadd.s32 $0xFFFFC000  }
0x349: {  	[hbm4b:s23+s2] =	stream.linear.scatter [tilespmem:s10], [sflag:$0x8], $0x4000, $0x38;
	[tilespmem:$0x1AA00] =	vst v63  }
0x34a: {  	_ =	swait.ge [sflag:s16], $0x4000  }
0x34b: {  	[sflag:s16] =	ssyncset.done $0x0  }
0x34c: {  	[sflag:s16] =	ssyncadd.s32 $0xFFFFC000  }
0x34d: {  	[tilespmem:s8], [sflag:$0x6] =	stream.indirect.gather [hbm4b:s3+s4], $0x40, s24, s4, $0xb8;
	[tilespmem:$0x1AA00] =	vst v63  }
0x34e: {  	_ =	swait.ge [sflag:s17], $0x4000  }
0x34f: {  	s23 =	sld [smem:$0x7D8]  }
0x350: {  	[sflag:s17] =	ssyncset.done $0x0  }
0x351: {  	[sflag:s17] =	ssyncadd.s32 $0xFFFFC000  }
0x352: {  	[hbm4b:s23+s2] =	stream.linear.scatter [tilespmem:s7], [sflag:$0x9], $0x4000, $0x38;
	[tilespmem:$0x1AA00] =	vst v63  }
0x353: {  	_ =	swait.ge [sflag:s18], $0x4000  }
0x354: {  	s23 =	sld [smem:$0x7D9]  }
0x355: {  	[sflag:s18] =	ssyncset.done $0x0  }
0x356: {  	[sflag:s18] =	ssyncadd.s32 $0xFFFFC000  }
0x357: {  	[hbm4b:s23+s2] =	stream.linear.scatter [tilespmem:s5], [sflag:$0xA], $0x4000, $0x38;
	[tilespmem:$0x1AA00] =	vst v63  }
0x358: {  	_ =	swait.ge [sflag:s19], $0x4000  }
0x359: {  	s23 =	sld [smem:$0x7DA]  }
0x35a: {  	[sflag:s19] =	ssyncset.done $0x0  }
0x35b: {  	[sflag:s19] =	ssyncadd.s32 $0xFFFFC000  }
0x35c: {  	[hbm4b:s23+s2] =	stream.linear.scatter [tilespmem:s6], [sflag:$0xB], $0x4000, $0x38;
	[tilespmem:$0x1AA00] =	vst v63  }
0x35d: {  	_ =	swait.ge [sflag:s21], $0x4000  }
0x35e: {  	s23 =	sld [smem:$0x7DB]  }
0x35f: {  	[sflag:s21] =	ssyncset.done $0x0  }
0x360: {  	[sflag:s21] =	ssyncadd.s32 $0xFFFFC000  }
0x361: {  	[hbm4b:s23+s2] =	stream.linear.scatter [tilespmem:s8], [sflag:$0xC], $0x4000, $0x38;
	[tilespmem:$0x1AA00] =	vst v63  }
0x362: {  	_ =	swait.ge [sflag:s9], $0x4000  }
0x363: {  	[sflag:s9] =	ssyncset.done $0x0  }
0x364: {  	[sflag:s9] =	ssyncadd.s32 $0xFFFFC000  }
0x365: {  	_ =	swait.ge [sflag:s11], $0x4000  }
0x366: {  	[sflag:s11] =	ssyncset.done $0x0  }
0x367: {  	[sflag:s11] =	ssyncadd.s32 $0xFFFFC000  }
0x368: {  	_ =	swait.ge [sflag:s12], $0x4000  }
0x369: {  	[sflag:s12] =	ssyncset.done $0x0  }
0x36a: {  	[sflag:s12] =	ssyncadd.s32 $0xFFFFC000  }
0x36b: {  	_ =	swait.ge [sflag:s14], $0x4000  }
0x36c: {  	[sflag:s14] =	ssyncset.done $0x0  }
0x36d: {  	p1 =	sne.s32 s0, $0x1;
	[sflag:s14] =	ssyncadd.s32 $0xFFFFC000  }
.Ltmp2:
0x36e: {  	_ =	swait.ge [sflag:s15], $0x4000;
	(pc) =	sbr.rel @p1 .LBB2_4-.Ltmp2, $4  }
0x36f: {  	[sflag:s15] =	ssyncset.done $0x0  }
0x370: {  	[sflag:s15] =	ssyncadd.s32 $0xFFFFC000  }
0x371: {  	_ =	swait.ge [sflag:s16], $0x4000  }
0x372: {  	s0 =	sadd.s32 $0xFFFFFFFF, s0;
	s1 =	rddreg [dreg:$0x5];
	[sflag:s16] =	ssyncset.done $0x0  }
0x373: {  	s24 =	simm.s32 $0x2500;
	s28 =	simm.s32 $0x2600  }
0x374: {  	s26 =	simm.s32 $0x2700;
	s25 =	simm.s32 $0x2800;
	s23 =	rddreg [dreg:$0x4]  }
.LBB2_6:
0x375: {  	[sflag:s16] =	ssyncadd.s32 @p0 $0xFFFFC000  }
0x376: {  	[tilespmem:s2], [sflag:$0xD] =	stream.linear.gather [hbm4b:s1+s2], $0x200, $0x38;
	[tilespmem:$0x1AA00] =	vst v63  }
0x377: {  	_ =	swait.ge [sflag:s31], $0x200  }
0x378: {  	[sflag:s31] =	ssyncset.done $0x0  }
0x379: {  	s0 =	rddreg [dreg:$0x6];
	[sflag:s31] =	ssyncadd.s32 $0xFFFFFE00  }
0x37a: {  	[tilespmem:s30], [sflag:$0xD] =	stream.linear.gather [hbm4b:s0+s2], $0x2800, $0x38;
	[tilespmem:$0x1AA00] =	vst v63  }
0x37b: {  	_ =	swait.ge [sflag:s31], $0x2800  }
0x37c: {  	[sflag:s31] =	ssyncset.done $0x0  }
0x37d: {  	[sflag:s31] =	ssyncadd.s32 $0xFFFFD800  }
0x37e: {  	[tilespmem:s13], [sflag:$0x1] =	stream.indirect.gather [hbm4b:s3+s4], $0x40, s2, s4, $0xb8;
	[tilespmem:$0x1AA00] =	vst v63  }
0x37f: {  	_ = 	snop  }
0x380: {  	[tilespmem:s10], [sflag:$0x2] =	stream.indirect.gather [hbm4b:s3+s4], $0x40, s4, s4, $0xb8;
	[tilespmem:$0x1AA00] =	vst v63  }
0x381: {  	s1 =	sld [smem:$0x7DC]  }
0x382: {  	[tilespmem:s7], [sflag:$0x3] =	stream.indirect.gather [hbm4b:s3+s4], $0x40, s30, s4, $0xb8;
	[tilespmem:$0x1AA00] =	vst v63  }
0x383: {  	_ = 	snop  }
0x384: {  	[tilespmem:s5], [sflag:$0x4] =	stream.indirect.gather [hbm4b:s3+s4], $0x40, s1, s4, $0xb8;
	[tilespmem:$0x1AA00] =	vst v63  }
0x385: {  	_ =	swait.ge [sflag:s22], $0x4000  }
0x386: {  	s30 =	rddreg [dreg:$0x7];
	[sflag:s22] =	ssyncset.done $0x0  }
0x387: {  	s31 =	sld [smem:$0x7DD];
	[sflag:s22] =	ssyncadd.s32 $0xFFFFC000  }
0x388: {  	[hbm4b:s30+s2] =	stream.linear.scatter [tilespmem:s13], [sflag:$0x7], $0x4000, $0x38;
	[tilespmem:$0x1AA00] =	vst v63  }
0x389: {  	_ = 	snop  }
0x38a: {  	[tilespmem:s6], [sflag:$0x5] =	stream.indirect.gather [hbm4b:s3+s4], $0x40, s31, s4, $0xb8;
	[tilespmem:$0x1AA00] =	vst v63  }
0x38b: {  	_ =	swait.ge [sflag:s20], $0x4000  }
0x38c: {  	s30 =	rddreg [dreg:$0x8];
	[sflag:s20] =	ssyncset.done $0x0  }
0x38d: {  	s31 =	sld [smem:$0x7DE];
	[sflag:s20] =	ssyncadd.s32 $0xFFFFC000  }
0x38e: {  	[hbm4b:s30+s2] =	stream.linear.scatter [tilespmem:s10], [sflag:$0x8], $0x4000, $0x38;
	[tilespmem:$0x1AA00] =	vst v63  }
0x38f: {  	_ = 	snop  }
0x390: {  	[tilespmem:s8], [sflag:$0x6] =	stream.indirect.gather [hbm4b:s3+s4], $0x40, s31, s4, $0xb8;
	[tilespmem:$0x1AA00] =	vst v63  }
0x391: {  	_ =	swait.ge [sflag:s17], $0x4000  }
0x392: {  	[sflag:s17] =	ssyncset.done $0x0  }
0x393: {  	[sflag:s17] =	ssyncadd.s32 $0xFFFFC000  }
0x394: {  	[hbm4b:s29+s2] =	stream.linear.scatter [tilespmem:s7], [sflag:$0x9], $0x4000, $0x38;
	[tilespmem:$0x1AA00] =	vst v63  }
0x395: {  	_ =	swait.ge [sflag:s9], $0x4000  }
0x396: {  	s1 =	sld [smem:$0x7DF]  }
0x397: {  	[sflag:s9] =	ssyncset.done $0x0  }
0x398: {  	[sflag:s9] =	ssyncadd.s32 $0xFFFFC000  }
0x399: {  	[tilespmem:s13], [sflag:$0x1] =	stream.indirect.gather [hbm4b:s3+s4], $0x40, s1, s4, $0xb8;
	[tilespmem:$0x1AA00] =	vst v63  }
0x39a: {  	_ =	swait.ge [sflag:s18], $0x4000  }
0x39b: {  	[sflag:s18] =	ssyncset.done $0x0  }
0x39c: {  	s29 =	rddreg [dreg:$0x9];
	[sflag:s18] =	ssyncadd.s32 $0xFFFFC000  }
0x39d: {  	[hbm4b:s29+s2] =	stream.linear.scatter [tilespmem:s5], [sflag:$0xA], $0x4000, $0x38;
	[tilespmem:$0x1AA00] =	vst v63  }
0x39e: {  	_ =	swait.ge [sflag:s11], $0x4000  }
0x39f: {  	s30 =	sld [smem:$0x7E0]  }
0x3a0: {  	[sflag:s11] =	ssyncset.done $0x0  }
0x3a1: {  	[sflag:s11] =	ssyncadd.s32 $0xFFFFC000  }
0x3a2: {  	[tilespmem:s10], [sflag:$0x2] =	stream.indirect.gather [hbm4b:s3+s4], $0x40, s30, s4, $0xb8;
	[tilespmem:$0x1AA00] =	vst v63  }
0x3a3: {  	_ =	swait.ge [sflag:s19], $0x4000  }
0x3a4: {  	[sflag:s19] =	ssyncset.done $0x0  }
0x3a5: {  	s31 =	rddreg [dreg:$0xa];
	[sflag:s19] =	ssyncadd.s32 $0xFFFFC000  }
0x3a6: {  	[hbm4b:s31+s2] =	stream.linear.scatter [tilespmem:s6], [sflag:$0xB], $0x4000, $0x38;
	[tilespmem:$0x1AA00] =	vst v63  }
0x3a7: {  	_ =	swait.ge [sflag:s12], $0x4000  }
0x3a8: {  	s1 =	sld [smem:$0x7E1]  }
0x3a9: {  	[sflag:s12] =	ssyncset.done $0x0  }
0x3aa: {  	[sflag:s12] =	ssyncadd.s32 $0xFFFFC000  }
0x3ab: {  	[tilespmem:s7], [sflag:$0x3] =	stream.indirect.gather [hbm4b:s3+s4], $0x40, s1, s4, $0xb8;
	[tilespmem:$0x1AA00] =	vst v63  }
0x3ac: {  	_ =	swait.ge [sflag:s21], $0x4000  }
0x3ad: {  	[sflag:s21] =	ssyncset.done $0x0  }
0x3ae: {  	s29 =	rddreg [dreg:$0xb];
	[sflag:s21] =	ssyncadd.s32 $0xFFFFC000  }
0x3af: {  	[hbm4b:s29+s2] =	stream.linear.scatter [tilespmem:s8], [sflag:$0xC], $0x4000, $0x38;
	[tilespmem:$0x1AA00] =	vst v63  }
0x3b0: {  	_ =	swait.ge [sflag:s14], $0x4000  }
0x3b1: {  	s30 =	sld [smem:$0x7E2]  }
0x3b2: {  	[sflag:s14] =	ssyncset.done $0x0  }
0x3b3: {  	[sflag:s14] =	ssyncadd.s32 $0xFFFFC000  }
0x3b4: {  	[tilespmem:s5], [sflag:$0x4] =	stream.indirect.gather [hbm4b:s3+s4], $0x40, s30, s4, $0xb8;
	[tilespmem:$0x1AA00] =	vst v63  }
0x3b5: {  	_ =	swait.ge [sflag:s22], $0x4000  }
0x3b6: {  	[sflag:s22] =	ssyncset.done $0x0  }
0x3b7: {  	s31 =	rddreg [dreg:$0xc];
	[sflag:s22] =	ssyncadd.s32 $0xFFFFC000  }
0x3b8: {  	[hbm4b:s31+s2] =	stream.linear.scatter [tilespmem:s13], [sflag:$0x7], $0x4000, $0x38;
	[tilespmem:$0x1AA00] =	vst v63  }
0x3b9: {  	_ =	swait.ge [sflag:s15], $0x4000  }
0x3ba: {  	s1 =	sld [smem:$0x7E3]  }
0x3bb: {  	[sflag:s15] =	ssyncset.done $0x0  }
0x3bc: {  	[sflag:s15] =	ssyncadd.s32 $0xFFFFC000  }
0x3bd: {  	[tilespmem:s6], [sflag:$0x5] =	stream.indirect.gather [hbm4b:s3+s4], $0x40, s1, s4, $0xb8;
	[tilespmem:$0x1AA00] =	vst v63  }
0x3be: {  	_ =	swait.ge [sflag:s20], $0x4000  }
0x3bf: {  	[sflag:s20] =	ssyncset.done $0x0  }
0x3c0: {  	s29 =	rddreg [dreg:$0xd];
	[sflag:s20] =	ssyncadd.s32 $0xFFFFC000  }
0x3c1: {  	[hbm4b:s29+s2] =	stream.linear.scatter [tilespmem:s10], [sflag:$0x8], $0x4000, $0x38;
	[tilespmem:$0x1AA00] =	vst v63  }
0x3c2: {  	_ =	swait.ge [sflag:s16], $0x4000  }
0x3c3: {  	s30 =	sld [smem:$0x7E4]  }
0x3c4: {  	[sflag:s16] =	ssyncset.done $0x0  }
0x3c5: {  	[sflag:s16] =	ssyncadd.s32 $0xFFFFC000  }
0x3c6: {  	[tilespmem:s8], [sflag:$0x6] =	stream.indirect.gather [hbm4b:s3+s4], $0x40, s30, s4, $0xb8;
	[tilespmem:$0x1AA00] =	vst v63  }
0x3c7: {  	_ =	swait.ge [sflag:s17], $0x4000  }
0x3c8: {  	[sflag:s17] =	ssyncset.done $0x0  }
0x3c9: {  	s31 =	rddreg [dreg:$0xe];
	[sflag:s17] =	ssyncadd.s32 $0xFFFFC000  }
0x3ca: {  	[hbm4b:s31+s2] =	stream.linear.scatter [tilespmem:s7], [sflag:$0x9], $0x4000, $0x38;
	[tilespmem:$0x1AA00] =	vst v63  }
0x3cb: {  	_ =	swait.ge [sflag:s9], $0x4000  }
0x3cc: {  	s1 =	sld [smem:$0x7E5]  }
0x3cd: {  	[sflag:s9] =	ssyncset.done $0x0  }
0x3ce: {  	[sflag:s9] =	ssyncadd.s32 $0xFFFFC000  }
0x3cf: {  	[tilespmem:s13], [sflag:$0x1] =	stream.indirect.gather [hbm4b:s3+s4], $0x40, s1, s4, $0xb8;
	[tilespmem:$0x1AA00] =	vst v63  }
0x3d0: {  	_ =	swait.ge [sflag:s18], $0x4000  }
0x3d1: {  	[sflag:s18] =	ssyncset.done $0x0  }
0x3d2: {  	s29 =	rddreg [dreg:$0xf];
	[sflag:s18] =	ssyncadd.s32 $0xFFFFC000  }
0x3d3: {  	[hbm4b:s29+s2] =	stream.linear.scatter [tilespmem:s5], [sflag:$0xA], $0x4000, $0x38;
	[tilespmem:$0x1AA00] =	vst v63  }
0x3d4: {  	_ =	swait.ge [sflag:s11], $0x4000  }
0x3d5: {  	s30 =	sld [smem:$0x7E6]  }
0x3d6: {  	[sflag:s11] =	ssyncset.done $0x0  }
0x3d7: {  	[sflag:s11] =	ssyncadd.s32 $0xFFFFC000  }
0x3d8: {  	[tilespmem:s10], [sflag:$0x2] =	stream.indirect.gather [hbm4b:s3+s4], $0x40, s30, s4, $0xb8;
	[tilespmem:$0x1AA00] =	vst v63  }
0x3d9: {  	_ =	swait.ge [sflag:s19], $0x4000  }
0x3da: {  	[sflag:s19] =	ssyncset.done $0x0  }
0x3db: {  	s31 =	rddreg [dreg:$0x10];
	[sflag:s19] =	ssyncadd.s32 $0xFFFFC000  }
0x3dc: {  	[hbm4b:s31+s2] =	stream.linear.scatter [tilespmem:s6], [sflag:$0xB], $0x4000, $0x38;
	[tilespmem:$0x1AA00] =	vst v63  }
0x3dd: {  	_ =	swait.ge [sflag:s12], $0x4000  }
0x3de: {  	s1 =	sld [smem:$0x7E7]  }
0x3df: {  	[sflag:s12] =	ssyncset.done $0x0  }
0x3e0: {  	[sflag:s12] =	ssyncadd.s32 $0xFFFFC000  }
0x3e1: {  	[tilespmem:s7], [sflag:$0x3] =	stream.indirect.gather [hbm4b:s3+s4], $0x40, s1, s4, $0xb8;
	[tilespmem:$0x1AA00] =	vst v63  }
0x3e2: {  	_ =	swait.ge [sflag:s21], $0x4000  }
0x3e3: {  	[sflag:s21] =	ssyncset.done $0x0  }
0x3e4: {  	s29 =	rddreg [dreg:$0x11];
	[sflag:s21] =	ssyncadd.s32 $0xFFFFC000  }
0x3e5: {  	[hbm4b:s29+s2] =	stream.linear.scatter [tilespmem:s8], [sflag:$0xC], $0x4000, $0x38;
	[tilespmem:$0x1AA00] =	vst v63  }
0x3e6: {  	_ =	swait.ge [sflag:s14], $0x4000  }
0x3e7: {  	s30 =	sld [smem:$0x7E8]  }
0x3e8: {  	[sflag:s14] =	ssyncset.done $0x0  }
0x3e9: {  	[sflag:s14] =	ssyncadd.s32 $0xFFFFC000  }
0x3ea: {  	[tilespmem:s5], [sflag:$0x4] =	stream.indirect.gather [hbm4b:s3+s4], $0x40, s30, s4, $0xb8;
	[tilespmem:$0x1AA00] =	vst v63  }
0x3eb: {  	_ =	swait.ge [sflag:s22], $0x4000  }
0x3ec: {  	[sflag:s22] =	ssyncset.done $0x0  }
0x3ed: {  	s31 =	rddreg [dreg:$0x12];
	[sflag:s22] =	ssyncadd.s32 $0xFFFFC000  }
0x3ee: {  	[hbm4b:s31+s2] =	stream.linear.scatter [tilespmem:s13], [sflag:$0x7], $0x4000, $0x38;
	[tilespmem:$0x1AA00] =	vst v63  }
0x3ef: {  	_ =	swait.ge [sflag:s15], $0x4000  }
0x3f0: {  	s1 =	sld [smem:$0x7E9]  }
0x3f1: {  	[sflag:s15] =	ssyncset.done $0x0  }
0x3f2: {  	[sflag:s15] =	ssyncadd.s32 $0xFFFFC000  }
0x3f3: {  	[tilespmem:s6], [sflag:$0x5] =	stream.indirect.gather [hbm4b:s3+s4], $0x40, s1, s4, $0xb8;
	[tilespmem:$0x1AA00] =	vst v63  }
0x3f4: {  	_ =	swait.ge [sflag:s20], $0x4000  }
0x3f5: {  	[sflag:s20] =	ssyncset.done $0x0  }
0x3f6: {  	s29 =	rddreg [dreg:$0x13];
	[sflag:s20] =	ssyncadd.s32 $0xFFFFC000  }
0x3f7: {  	[hbm4b:s29+s2] =	stream.linear.scatter [tilespmem:s10], [sflag:$0x8], $0x4000, $0x38;
	[tilespmem:$0x1AA00] =	vst v63  }
0x3f8: {  	_ =	swait.ge [sflag:s16], $0x4000  }
0x3f9: {  	s30 =	sld [smem:$0x7EA]  }
0x3fa: {  	[sflag:s16] =	ssyncset.done $0x0  }
0x3fb: {  	[sflag:s16] =	ssyncadd.s32 $0xFFFFC000  }
0x3fc: {  	[tilespmem:s8], [sflag:$0x6] =	stream.indirect.gather [hbm4b:s3+s4], $0x40, s30, s4, $0xb8;
	[tilespmem:$0x1AA00] =	vst v63  }
0x3fd: {  	_ =	swait.ge [sflag:s17], $0x4000  }
0x3fe: {  	[sflag:s17] =	ssyncset.done $0x0  }
0x3ff: {  	s31 =	rddreg [dreg:$0x14];
	[sflag:s17] =	ssyncadd.s32 $0xFFFFC000  }
0x400: {  	[hbm4b:s31+s2] =	stream.linear.scatter [tilespmem:s7], [sflag:$0x9], $0x4000, $0x38;
	[tilespmem:$0x1AA00] =	vst v63  }
0x401: {  	_ =	swait.ge [sflag:s9], $0x4000  }
0x402: {  	s1 =	sld [smem:$0x7EB]  }
0x403: {  	[sflag:s9] =	ssyncset.done $0x0  }
0x404: {  	[sflag:s9] =	ssyncadd.s32 $0xFFFFC000  }
0x405: {  	[tilespmem:s13], [sflag:$0x1] =	stream.indirect.gather [hbm4b:s3+s4], $0x40, s1, s4, $0xb8;
	[tilespmem:$0x1AA00] =	vst v63  }
0x406: {  	_ =	swait.ge [sflag:s18], $0x4000  }
0x407: {  	[sflag:s18] =	ssyncset.done $0x0  }
0x408: {  	s29 =	rddreg [dreg:$0x15];
	[sflag:s18] =	ssyncadd.s32 $0xFFFFC000  }
0x409: {  	[hbm4b:s29+s2] =	stream.linear.scatter [tilespmem:s5], [sflag:$0xA], $0x4000, $0x38;
	[tilespmem:$0x1AA00] =	vst v63  }
0x40a: {  	_ =	swait.ge [sflag:s11], $0x4000  }
0x40b: {  	s30 =	sld [smem:$0x7EC]  }
0x40c: {  	[sflag:s11] =	ssyncset.done $0x0  }
0x40d: {  	[sflag:s11] =	ssyncadd.s32 $0xFFFFC000  }
0x40e: {  	[tilespmem:s10], [sflag:$0x2] =	stream.indirect.gather [hbm4b:s3+s4], $0x40, s30, s4, $0xb8;
	[tilespmem:$0x1AA00] =	vst v63  }
0x40f: {  	_ =	swait.ge [sflag:s19], $0x4000  }
0x410: {  	[sflag:s19] =	ssyncset.done $0x0  }
0x411: {  	s31 =	rddreg [dreg:$0x16];
	[sflag:s19] =	ssyncadd.s32 $0xFFFFC000  }
0x412: {  	[hbm4b:s31+s2] =	stream.linear.scatter [tilespmem:s6], [sflag:$0xB], $0x4000, $0x38;
	[tilespmem:$0x1AA00] =	vst v63  }
0x413: {  	_ =	swait.ge [sflag:s12], $0x4000  }
0x414: {  	s1 =	sld [smem:$0x7ED]  }
0x415: {  	[sflag:s12] =	ssyncset.done $0x0  }
0x416: {  	[sflag:s12] =	ssyncadd.s32 $0xFFFFC000  }
0x417: {  	[tilespmem:s7], [sflag:$0x3] =	stream.indirect.gather [hbm4b:s3+s4], $0x40, s1, s4, $0xb8;
	[tilespmem:$0x1AA00] =	vst v63  }
0x418: {  	_ =	swait.ge [sflag:s21], $0x4000  }
0x419: {  	[sflag:s21] =	ssyncset.done $0x0  }
0x41a: {  	s29 =	rddreg [dreg:$0x17];
	[sflag:s21] =	ssyncadd.s32 $0xFFFFC000  }
0x41b: {  	[hbm4b:s29+s2] =	stream.linear.scatter [tilespmem:s8], [sflag:$0xC], $0x4000, $0x38;
	[tilespmem:$0x1AA00] =	vst v63  }
0x41c: {  	_ =	swait.ge [sflag:s14], $0x4000  }
0x41d: {  	s30 =	sld [smem:$0x7EE]  }
0x41e: {  	[sflag:s14] =	ssyncset.done $0x0  }
0x41f: {  	[sflag:s14] =	ssyncadd.s32 $0xFFFFC000  }
0x420: {  	[tilespmem:s5], [sflag:$0x4] =	stream.indirect.gather [hbm4b:s3+s4], $0x40, s30, s4, $0xb8;
	[tilespmem:$0x1AA00] =	vst v63  }
0x421: {  	_ =	swait.ge [sflag:s22], $0x4000  }
0x422: {  	[sflag:s22] =	ssyncset.done $0x0  }
0x423: {  	s31 =	rddreg [dreg:$0x18];
	[sflag:s22] =	ssyncadd.s32 $0xFFFFC000  }
0x424: {  	[hbm4b:s31+s2] =	stream.linear.scatter [tilespmem:s13], [sflag:$0x7], $0x4000, $0x38;
	[tilespmem:$0x1AA00] =	vst v63  }
0x425: {  	_ =	swait.ge [sflag:s15], $0x4000  }
0x426: {  	s1 =	sld [smem:$0x7EF]  }
0x427: {  	[sflag:s15] =	ssyncset.done $0x0  }
0x428: {  	[sflag:s15] =	ssyncadd.s32 $0xFFFFC000  }
0x429: {  	[tilespmem:s6], [sflag:$0x5] =	stream.indirect.gather [hbm4b:s3+s4], $0x40, s1, s4, $0xb8;
	[tilespmem:$0x1AA00] =	vst v63  }
0x42a: {  	_ =	swait.ge [sflag:s20], $0x4000  }
0x42b: {  	[sflag:s20] =	ssyncset.done $0x0  }
0x42c: {  	s29 =	rddreg [dreg:$0x19];
	[sflag:s20] =	ssyncadd.s32 $0xFFFFC000  }
0x42d: {  	[hbm4b:s29+s2] =	stream.linear.scatter [tilespmem:s10], [sflag:$0x8], $0x4000, $0x38;
	[tilespmem:$0x1AA00] =	vst v63  }
0x42e: {  	_ =	swait.ge [sflag:s16], $0x4000  }
0x42f: {  	s30 =	sld [smem:$0x7F0]  }
0x430: {  	[sflag:s16] =	ssyncset.done $0x0  }
0x431: {  	[sflag:s16] =	ssyncadd.s32 $0xFFFFC000  }
0x432: {  	[tilespmem:s8], [sflag:$0x6] =	stream.indirect.gather [hbm4b:s3+s4], $0x40, s30, s4, $0xb8;
	[tilespmem:$0x1AA00] =	vst v63  }
0x433: {  	_ =	swait.ge [sflag:s17], $0x4000  }
0x434: {  	[sflag:s17] =	ssyncset.done $0x0  }
0x435: {  	s31 =	rddreg [dreg:$0x1a];
	[sflag:s17] =	ssyncadd.s32 $0xFFFFC000  }
0x436: {  	[hbm4b:s31+s2] =	stream.linear.scatter [tilespmem:s7], [sflag:$0x9], $0x4000, $0x38;
	[tilespmem:$0x1AA00] =	vst v63  }
0x437: {  	_ =	swait.ge [sflag:s9], $0x4000  }
0x438: {  	s1 =	sld [smem:$0x7F1]  }
0x439: {  	[sflag:s9] =	ssyncset.done $0x0  }
0x43a: {  	[sflag:s9] =	ssyncadd.s32 $0xFFFFC000  }
0x43b: {  	[tilespmem:s13], [sflag:$0x1] =	stream.indirect.gather [hbm4b:s3+s4], $0x40, s1, s4, $0xb8;
	[tilespmem:$0x1AA00] =	vst v63  }
0x43c: {  	_ =	swait.ge [sflag:s18], $0x4000  }
0x43d: {  	[sflag:s18] =	ssyncset.done $0x0  }
0x43e: {  	s29 =	rddreg [dreg:$0x1b];
	[sflag:s18] =	ssyncadd.s32 $0xFFFFC000  }
0x43f: {  	[hbm4b:s29+s2] =	stream.linear.scatter [tilespmem:s5], [sflag:$0xA], $0x4000, $0x38;
	[tilespmem:$0x1AA00] =	vst v63  }
0x440: {  	_ =	swait.ge [sflag:s11], $0x4000  }
0x441: {  	s30 =	sld [smem:$0x7F2]  }
0x442: {  	[sflag:s11] =	ssyncset.done $0x0  }
0x443: {  	[sflag:s11] =	ssyncadd.s32 $0xFFFFC000  }
0x444: {  	[tilespmem:s10], [sflag:$0x2] =	stream.indirect.gather [hbm4b:s3+s4], $0x40, s30, s4, $0xb8;
	[tilespmem:$0x1AA00] =	vst v63  }
0x445: {  	_ =	swait.ge [sflag:s19], $0x4000  }
0x446: {  	[sflag:s19] =	ssyncset.done $0x0  }
0x447: {  	s31 =	rddreg [dreg:$0x1c];
	[sflag:s19] =	ssyncadd.s32 $0xFFFFC000  }
0x448: {  	[hbm4b:s31+s2] =	stream.linear.scatter [tilespmem:s6], [sflag:$0xB], $0x4000, $0x38;
	[tilespmem:$0x1AA00] =	vst v63  }
0x449: {  	_ =	swait.ge [sflag:s12], $0x4000  }
0x44a: {  	s1 =	sld [smem:$0x7F3]  }
0x44b: {  	[sflag:s12] =	ssyncset.done $0x0  }
0x44c: {  	[sflag:s12] =	ssyncadd.s32 $0xFFFFC000  }
0x44d: {  	[tilespmem:s7], [sflag:$0x3] =	stream.indirect.gather [hbm4b:s3+s4], $0x40, s1, s4, $0xb8;
	[tilespmem:$0x1AA00] =	vst v63  }
0x44e: {  	_ =	swait.ge [sflag:s21], $0x4000  }
0x44f: {  	[sflag:s21] =	ssyncset.done $0x0  }
0x450: {  	s29 =	rddreg [dreg:$0x1d];
	[sflag:s21] =	ssyncadd.s32 $0xFFFFC000  }
0x451: {  	[hbm4b:s29+s2] =	stream.linear.scatter [tilespmem:s8], [sflag:$0xC], $0x4000, $0x38;
	[tilespmem:$0x1AA00] =	vst v63  }
0x452: {  	_ =	swait.ge [sflag:s14], $0x4000  }
0x453: {  	s30 =	sld [smem:$0x7F4]  }
0x454: {  	[sflag:s14] =	ssyncset.done $0x0  }
0x455: {  	[sflag:s14] =	ssyncadd.s32 $0xFFFFC000  }
0x456: {  	[tilespmem:s5], [sflag:$0x4] =	stream.indirect.gather [hbm4b:s3+s4], $0x40, s30, s4, $0xb8;
	[tilespmem:$0x1AA00] =	vst v63  }
0x457: {  	_ =	swait.ge [sflag:s22], $0x4000  }
0x458: {  	[sflag:s22] =	ssyncset.done $0x0  }
0x459: {  	s31 =	rddreg [dreg:$0x1e];
	[sflag:s22] =	ssyncadd.s32 $0xFFFFC000  }
0x45a: {  	[hbm4b:s31+s2] =	stream.linear.scatter [tilespmem:s13], [sflag:$0x7], $0x4000, $0x38;
	[tilespmem:$0x1AA00] =	vst v63  }
0x45b: {  	_ =	swait.ge [sflag:s15], $0x4000  }
0x45c: {  	s1 =	sld [smem:$0x7F5]  }
0x45d: {  	[sflag:s15] =	ssyncset.done $0x0  }
0x45e: {  	[sflag:s15] =	ssyncadd.s32 $0xFFFFC000  }
0x45f: {  	[tilespmem:s6], [sflag:$0x5] =	stream.indirect.gather [hbm4b:s3+s4], $0x40, s1, s4, $0xb8;
	[tilespmem:$0x1AA00] =	vst v63  }
0x460: {  	_ =	swait.ge [sflag:s20], $0x4000  }
0x461: {  	[sflag:s20] =	ssyncset.done $0x0  }
0x462: {  	s29 =	rddreg [dreg:$0x1f];
	[sflag:s20] =	ssyncadd.s32 $0xFFFFC000  }
0x463: {  	[hbm4b:s29+s2] =	stream.linear.scatter [tilespmem:s10], [sflag:$0x8], $0x4000, $0x38;
	[tilespmem:$0x1AA00] =	vst v63  }
0x464: {  	_ =	swait.ge [sflag:s16], $0x4000  }
0x465: {  	s30 =	sld [smem:$0x7F6]  }
0x466: {  	[sflag:s16] =	ssyncset.done $0x0  }
0x467: {  	[sflag:s16] =	ssyncadd.s32 $0xFFFFC000  }
0x468: {  	[tilespmem:s8], [sflag:$0x6] =	stream.indirect.gather [hbm4b:s3+s4], $0x40, s30, s4, $0xb8;
	[tilespmem:$0x1AA00] =	vst v63  }
0x469: {  	_ =	swait.ge [sflag:s17], $0x4000  }
0x46a: {  	s31 =	sld [smem:$0x7CC]  }
0x46b: {  	[sflag:s17] =	ssyncset.done $0x0  }
0x46c: {  	[sflag:s17] =	ssyncadd.s32 $0xFFFFC000  }
0x46d: {  	[hbm4b:s31+s2] =	stream.linear.scatter [tilespmem:s7], [sflag:$0x9], $0x4000, $0x38;
	[tilespmem:$0x1AA00] =	vst v63  }
0x46e: {  	_ =	swait.ge [sflag:s9], $0x4000  }
0x46f: {  	s1 =	sld [smem:$0x7F7]  }
0x470: {  	[sflag:s9] =	ssyncset.done $0x0  }
0x471: {  	[sflag:s9] =	ssyncadd.s32 $0xFFFFC000  }
0x472: {  	[tilespmem:s13], [sflag:$0x1] =	stream.indirect.gather [hbm4b:s3+s4], $0x40, s1, s4, $0xb8;
	[tilespmem:$0x1AA00] =	vst v63  }
0x473: {  	_ =	swait.ge [sflag:s18], $0x4000  }
0x474: {  	s29 =	sld [smem:$0x7CD]  }
0x475: {  	[sflag:s18] =	ssyncset.done $0x0  }
0x476: {  	[sflag:s18] =	ssyncadd.s32 $0xFFFFC000  }
0x477: {  	[hbm4b:s29+s2] =	stream.linear.scatter [tilespmem:s5], [sflag:$0xA], $0x4000, $0x38;
	[tilespmem:$0x1AA00] =	vst v63  }
0x478: {  	_ =	swait.ge [sflag:s11], $0x4000  }
0x479: {  	s30 =	sld [smem:$0x7F8]  }
0x47a: {  	[sflag:s11] =	ssyncset.done $0x0  }
0x47b: {  	[sflag:s11] =	ssyncadd.s32 $0xFFFFC000  }
0x47c: {  	[tilespmem:s10], [sflag:$0x2] =	stream.indirect.gather [hbm4b:s3+s4], $0x40, s30, s4, $0xb8;
	[tilespmem:$0x1AA00] =	vst v63  }
0x47d: {  	_ =	swait.ge [sflag:s19], $0x4000  }
0x47e: {  	s31 =	sld [smem:$0x7CE]  }
0x47f: {  	[sflag:s19] =	ssyncset.done $0x0  }
0x480: {  	[sflag:s19] =	ssyncadd.s32 $0xFFFFC000  }
0x481: {  	[hbm4b:s31+s2] =	stream.linear.scatter [tilespmem:s6], [sflag:$0xB], $0x4000, $0x38;
	[tilespmem:$0x1AA00] =	vst v63  }
0x482: {  	_ =	swait.ge [sflag:s12], $0x4000  }
0x483: {  	s1 =	sld [smem:$0x7F9]  }
0x484: {  	[sflag:s12] =	ssyncset.done $0x0  }
0x485: {  	[sflag:s12] =	ssyncadd.s32 $0xFFFFC000  }
0x486: {  	[tilespmem:s7], [sflag:$0x3] =	stream.indirect.gather [hbm4b:s3+s4], $0x40, s1, s4, $0xb8;
	[tilespmem:$0x1AA00] =	vst v63  }
0x487: {  	_ =	swait.ge [sflag:s21], $0x4000  }
0x488: {  	s29 =	sld [smem:$0x7CF]  }
0x489: {  	[sflag:s21] =	ssyncset.done $0x0  }
0x48a: {  	[sflag:s21] =	ssyncadd.s32 $0xFFFFC000  }
0x48b: {  	[hbm4b:s29+s2] =	stream.linear.scatter [tilespmem:s8], [sflag:$0xC], $0x4000, $0x38;
	[tilespmem:$0x1AA00] =	vst v63  }
0x48c: {  	_ =	swait.ge [sflag:s14], $0x4000  }
0x48d: {  	s30 =	sld [smem:$0x7FA]  }
0x48e: {  	[sflag:s14] =	ssyncset.done $0x0  }
0x48f: {  	[sflag:s14] =	ssyncadd.s32 $0xFFFFC000  }
0x490: {  	[tilespmem:s5], [sflag:$0x4] =	stream.indirect.gather [hbm4b:s3+s4], $0x40, s30, s4, $0xb8;
	[tilespmem:$0x1AA00] =	vst v63  }
0x491: {  	_ =	swait.ge [sflag:s22], $0x4000  }
0x492: {  	s31 =	sld [smem:$0x7D0]  }
0x493: {  	[sflag:s22] =	ssyncset.done $0x0  }
0x494: {  	[sflag:s22] =	ssyncadd.s32 $0xFFFFC000  }
0x495: {  	[hbm4b:s31+s2] =	stream.linear.scatter [tilespmem:s13], [sflag:$0x7], $0x4000, $0x38;
	[tilespmem:$0x1AA00] =	vst v63  }
0x496: {  	_ =	swait.ge [sflag:s15], $0x4000  }
0x497: {  	s1 =	sld [smem:$0x7FB]  }
0x498: {  	[sflag:s15] =	ssyncset.done $0x0  }
0x499: {  	[sflag:s15] =	ssyncadd.s32 $0xFFFFC000  }
0x49a: {  	[tilespmem:s6], [sflag:$0x5] =	stream.indirect.gather [hbm4b:s3+s4], $0x40, s1, s4, $0xb8;
	[tilespmem:$0x1AA00] =	vst v63  }
0x49b: {  	_ =	swait.ge [sflag:s20], $0x4000  }
0x49c: {  	s29 =	sld [smem:$0x7D1]  }
0x49d: {  	[sflag:s20] =	ssyncset.done $0x0  }
0x49e: {  	[sflag:s20] =	ssyncadd.s32 $0xFFFFC000  }
0x49f: {  	[hbm4b:s29+s2] =	stream.linear.scatter [tilespmem:s10], [sflag:$0x8], $0x4000, $0x38;
	[tilespmem:$0x1AA00] =	vst v63  }
0x4a0: {  	_ =	swait.ge [sflag:s16], $0x4000  }
0x4a1: {  	s30 =	sld [smem:$0x7FC]  }
0x4a2: {  	[sflag:s16] =	ssyncset.done $0x0  }
0x4a3: {  	[sflag:s16] =	ssyncadd.s32 $0xFFFFC000  }
0x4a4: {  	[tilespmem:s8], [sflag:$0x6] =	stream.indirect.gather [hbm4b:s3+s4], $0x40, s30, s4, $0xb8;
	[tilespmem:$0x1AA00] =	vst v63  }
0x4a5: {  	_ =	swait.ge [sflag:s17], $0x4000  }
0x4a6: {  	s31 =	sld [smem:$0x7D2]  }
0x4a7: {  	[sflag:s17] =	ssyncset.done $0x0  }
0x4a8: {  	[sflag:s17] =	ssyncadd.s32 $0xFFFFC000  }
0x4a9: {  	[hbm4b:s31+s2] =	stream.linear.scatter [tilespmem:s7], [sflag:$0x9], $0x4000, $0x38;
	[tilespmem:$0x1AA00] =	vst v63  }
0x4aa: {  	_ =	swait.ge [sflag:s9], $0x4000  }
0x4ab: {  	s1 =	sld [smem:$0x7FD]  }
0x4ac: {  	[sflag:s9] =	ssyncset.done $0x0  }
0x4ad: {  	[sflag:s9] =	ssyncadd.s32 $0xFFFFC000  }
0x4ae: {  	[tilespmem:s13], [sflag:$0x1] =	stream.indirect.gather [hbm4b:s3+s4], $0x40, s1, s4, $0xb8;
	[tilespmem:$0x1AA00] =	vst v63  }
0x4af: {  	_ =	swait.ge [sflag:s18], $0x4000  }
0x4b0: {  	s29 =	sld [smem:$0x7D3]  }
0x4b1: {  	[sflag:s18] =	ssyncset.done $0x0  }
0x4b2: {  	[sflag:s18] =	ssyncadd.s32 $0xFFFFC000  }
0x4b3: {  	[hbm4b:s29+s2] =	stream.linear.scatter [tilespmem:s5], [sflag:$0xA], $0x4000, $0x38;
	[tilespmem:$0x1AA00] =	vst v63  }
0x4b4: {  	_ =	swait.ge [sflag:s11], $0x4000  }
0x4b5: {  	[sflag:s11] =	ssyncset.done $0x0  }
0x4b6: {  	[sflag:s11] =	ssyncadd.s32 $0xFFFFC000  }
0x4b7: {  	[tilespmem:s10], [sflag:$0x2] =	stream.indirect.gather [hbm4b:s3+s4], $0x40, s24, s4, $0xb8;
	[tilespmem:$0x1AA00] =	vst v63  }
0x4b8: {  	_ =	swait.ge [sflag:s19], $0x4000  }
0x4b9: {  	s30 =	sld [smem:$0x7D4]  }
0x4ba: {  	[sflag:s19] =	ssyncset.done $0x0  }
0x4bb: {  	[sflag:s19] =	ssyncadd.s32 $0xFFFFC000  }
0x4bc: {  	[hbm4b:s30+s2] =	stream.linear.scatter [tilespmem:s6], [sflag:$0xB], $0x4000, $0x38;
	[tilespmem:$0x1AA00] =	vst v63  }
0x4bd: {  	_ =	swait.ge [sflag:s12], $0x4000  }
0x4be: {  	[sflag:s12] =	ssyncset.done $0x0  }
0x4bf: {  	[sflag:s12] =	ssyncadd.s32 $0xFFFFC000  }
0x4c0: {  	[tilespmem:s7], [sflag:$0x3] =	stream.indirect.gather [hbm4b:s3+s4], $0x40, s28, s4, $0xb8;
	[tilespmem:$0x1AA00] =	vst v63  }
0x4c1: {  	_ =	swait.ge [sflag:s21], $0x4000  }
0x4c2: {  	s31 =	sld [smem:$0x7D5]  }
0x4c3: {  	[sflag:s21] =	ssyncset.done $0x0  }
0x4c4: {  	[sflag:s21] =	ssyncadd.s32 $0xFFFFC000  }
0x4c5: {  	[hbm4b:s31+s2] =	stream.linear.scatter [tilespmem:s8], [sflag:$0xC], $0x4000, $0x38;
	[tilespmem:$0x1AA00] =	vst v63  }
0x4c6: {  	_ =	swait.ge [sflag:s14], $0x4000  }
0x4c7: {  	[sflag:s14] =	ssyncset.done $0x0  }
0x4c8: {  	[sflag:s14] =	ssyncadd.s32 $0xFFFFC000  }
0x4c9: {  	[tilespmem:s5], [sflag:$0x4] =	stream.indirect.gather [hbm4b:s3+s4], $0x40, s26, s4, $0xb8;
	[tilespmem:$0x1AA00] =	vst v63  }
0x4ca: {  	_ =	swait.ge [sflag:s22], $0x4000  }
0x4cb: {  	s1 =	sld [smem:$0x7D6]  }
0x4cc: {  	[sflag:s22] =	ssyncset.done $0x0  }
0x4cd: {  	[sflag:s22] =	ssyncadd.s32 $0xFFFFC000  }
0x4ce: {  	[hbm4b:s1+s2] =	stream.linear.scatter [tilespmem:s13], [sflag:$0x7], $0x4000, $0x38;
	[tilespmem:$0x1AA00] =	vst v63  }
0x4cf: {  	_ =	swait.ge [sflag:s15], $0x4000  }
0x4d0: {  	[sflag:s15] =	ssyncset.done $0x0  }
0x4d1: {  	[sflag:s15] =	ssyncadd.s32 $0xFFFFC000  }
0x4d2: {  	[tilespmem:s6], [sflag:$0x5] =	stream.indirect.gather [hbm4b:s3+s4], $0x40, s25, s4, $0xb8;
	[tilespmem:$0x1AA00] =	vst v63  }
0x4d3: {  	_ =	swait.ge [sflag:s20], $0x4000  }
0x4d4: {  	s24 =	sld [smem:$0x7D7]  }
0x4d5: {  	[sflag:s20] =	ssyncset.done $0x0  }
0x4d6: {  	[sflag:s20] =	ssyncadd.s32 $0xFFFFC000  }
0x4d7: {  	[hbm4b:s24+s2] =	stream.linear.scatter [tilespmem:s10], [sflag:$0x8], $0x4000, $0x38;
	[tilespmem:$0x1AA00] =	vst v63  }
0x4d8: {  	_ =	swait.ge [sflag:s16], $0x4000  }
0x4d9: {  	[sflag:s16] =	ssyncset.done $0x0  }
0x4da: {  	s25 =	simm.s32 $0x2900;
	[sflag:s16] =	ssyncadd.s32 $0xFFFFC000  }
0x4db: {  	[tilespmem:s8], [sflag:$0x6] =	stream.indirect.gather [hbm4b:s3+s4], $0x40, s25, s4, $0xb8;
	[tilespmem:$0x1AA00] =	vst v63  }
0x4dc: {  	_ =	swait.ge [sflag:s17], $0x4000  }
0x4dd: {  	s26 =	sld [smem:$0x7D8]  }
0x4de: {  	[sflag:s17] =	ssyncset.done $0x0  }
0x4df: {  	[sflag:s17] =	ssyncadd.s32 $0xFFFFC000  }
0x4e0: {  	[hbm4b:s26+s2] =	stream.linear.scatter [tilespmem:s7], [sflag:$0x9], $0x4000, $0x38;
	[tilespmem:$0x1AA00] =	vst v63  }
0x4e1: {  	_ =	swait.ge [sflag:s18], $0x4000  }
0x4e2: {  	s28 =	sld [smem:$0x7D9]  }
0x4e3: {  	[sflag:s18] =	ssyncset.done $0x0  }
0x4e4: {  	[sflag:s18] =	ssyncadd.s32 $0xFFFFC000  }
0x4e5: {  	[hbm4b:s28+s2] =	stream.linear.scatter [tilespmem:s5], [sflag:$0xA], $0x4000, $0x38;
	[tilespmem:$0x1AA00] =	vst v63  }
0x4e6: {  	_ =	swait.ge [sflag:s19], $0x4000  }
0x4e7: {  	s29 =	sld [smem:$0x7DA]  }
0x4e8: {  	[sflag:s19] =	ssyncset.done $0x0  }
0x4e9: {  	[sflag:s19] =	ssyncadd.s32 $0xFFFFC000  }
0x4ea: {  	[hbm4b:s29+s2] =	stream.linear.scatter [tilespmem:s6], [sflag:$0xB], $0x4000, $0x38;
	[tilespmem:$0x1AA00] =	vst v63  }
0x4eb: {  	_ =	swait.ge [sflag:s21], $0x4000  }
0x4ec: {  	s30 =	sld [smem:$0x7DB]  }
0x4ed: {  	[sflag:s21] =	ssyncset.done $0x0  }
0x4ee: {  	[sflag:s21] =	ssyncadd.s32 $0xFFFFC000  }
0x4ef: {  	[hbm4b:s30+s2] =	stream.linear.scatter [tilespmem:s8], [sflag:$0xC], $0x4000, $0x38;
	[tilespmem:$0x1AA00] =	vst v63  }
0x4f0: {  	_ =	swait.ge [sflag:s9], $0x4000  }
0x4f1: {  	[sflag:s9] =	ssyncset.done $0x0  }
0x4f2: {  	[sflag:s9] =	ssyncadd.s32 $0xFFFFC000  }
0x4f3: {  	_ =	swait.ge [sflag:s11], $0x4000  }
0x4f4: {  	[sflag:s11] =	ssyncset.done $0x0  }
0x4f5: {  	[sflag:s11] =	ssyncadd.s32 $0xFFFFC000  }
0x4f6: {  	_ =	swait.ge [sflag:s12], $0x4000  }
0x4f7: {  	[sflag:s12] =	ssyncset.done $0x0  }
0x4f8: {  	[sflag:s12] =	ssyncadd.s32 $0xFFFFC000  }
0x4f9: {  	_ =	swait.ge [sflag:s14], $0x4000  }
0x4fa: {  	[sflag:s14] =	ssyncset.done $0x0  }
0x4fb: {  	[sflag:s14] =	ssyncadd.s32 $0xFFFFC000  }
0x4fc: {  	_ =	swait.ge [sflag:s15], $0x4000  }
0x4fd: {  	[sflag:s15] =	ssyncset.done $0x0  }
0x4fe: {  	[sflag:s15] =	ssyncadd.s32 $0xFFFFC000  }
0x4ff: {  	_ =	swait.ge [sflag:s16], $0x4000  }
0x500: {  	[sflag:s16] =	ssyncset.done $0x0  }
0x501: {  	[sflag:s16] =	ssyncadd.s32 $0xFFFFC000  }
0x502: {  	_ =	sfence.sel $0x180000  }
0x503: {  	s31 =	stileid.u32;
	[bflag:$0x0] =	sbarrier.arrive $0xFFFF  }
0x504: {  	p0 =	sne.s32 s31, $0x0;
	_ =	strace $0x90000047  }
0x505: {  	s0 =	sadd.s32 @!p0 $0x100000, s23;
	[bflag:$0x2] =	sbarrier.arrive $0xFFFF  }
0x506: {  	[sflag:s0] =	ssyncadd.tile.s32 @!p0 $0x1;
	_ =	shalt  }
.LBB2_1:
.Ltmp3:
0x507: {  	(pc) =	sbr.rel .LBB2_6-.Ltmp3, $3  }
0x508: {  	_ =	sdelay $0x1  }
0x509: {  	s24 =	simm.s32 $0x2500  }
0x50a: {  	s28 =	simm.s32 $0x2600;
	s26 =	simm.s32 $0x2700;
	s25 =	simm.s32 $0x2800  }
.LBB2_3:
.Ltmp4:
0x50b: {  	(pc) =	sbr.rel .LBB2_6-.Ltmp4, $3  }
0x50c: {  	_ =	sdelay $0x1  }
0x50d: {  	s24 =	simm.s32 $0x2500;
	s28 =	simm.s32 $0x2600  }
0x50e: {  	s26 =	simm.s32 $0x2700;
	s25 =	simm.s32 $0x2800;
	s23 =	rddreg [dreg:$0x4]  }
.Lfunc_end2:
_tile_overlayer_lowered:
.L_overlay_start_2:
0x50f: {  	(tag) =	ssettag $0x2  }
0x510: {  	s0 =	rddreg [dreg:$0x0];
	s2 =	stileid.u32  }
0x511: {  	s1 =	rddreg [dreg:$0x1];
	p0 =	sne.s32 s2, $0x0  }
0x512: {  	s3 =	rddreg [dreg:$0x2];
	[bflag:$0x3] =	sbarrier.arrive $0xFFFF;
	s2 =	simm.s32 @!p0 $0x1C0D  }
0x513: {  	[timem:s3], [sflag:s2] =	dma.local @!p0 [hbm:s0], s1  }
0x514: {  	s0 =	simm.s32 @!p0 $0xD  }
0x515: {  	_ =	swait.ge @!p0 [sflag:s0], s1  }
0x516: {  	s1 =	ssub.s32 @!p0 $0x0, s1;
	[sflag:s0] =	ssyncset.done @!p0 $0x0  }
0x517: {  	[sflag:s0] =	ssyncadd.s32 @!p0 s1  }
0x518: {  	[bflag:$0x3] =	sbarrier.arrive $0xFFFF  }
0x519: {  	_ =	shalt  }

// kernel: sparse-core-data-format-call.cloned.1.call-start
scs
called_computation_lowered:
.L_overlay_start_0:
0x0: {  	s2 =	sld [smem:$0x3FD9]  }
0x1: {  	s3 =	sld [smem:$0x3FFE];
	_ =	sdelay $0x1  }
0x2: {  	s1 =	srdreg.scid  }
0x3: {  	s0 =	sand.u32 $0x1, s1  }
0x4: {  	s16 =	sshll.u32 s0, $0xA;
	s2 =	sadd.s32 s3, s2  }
0x5: {  	s2 =	sadd.s32 s2, s16  }
0x6: {  	[smem:$0x3FC3] =	sst s2  }
0x7: {  	_ = 	snop  }
0x8: {  	s2 =	sld [smem:$0x3FD0];
	_ =	sdelay $0x2  }
0x9: {  	s17 =	simm.s32 $0xB;
	s4 =	simm.s32 $0x10  }
0xa: {  	[smem:s4], [sflag:s17] =	dma.local [hbm:s2], $0x1  }
0xb: {  	_ =	swait.eq [sflag:s17], $0x1  }
0xc: {  	[sflag:s17] =	ssyncset.done $0x0  }
0xd: {  	[sflag:s17] =	ssyncadd.s32 $0xFFFFFFFF  }
0xe: {  	s18 =	sld [smem:$0x12];
	(tm) =	ssettm $0x1  }
0xf: {  	s19 =	sld [smem:$0x3FFB];
	_ =	sdelay $0x3  }
0x10: {  	_ =	strace s19  }
0x11: {  	s2 =	sld [smem:$0x3FFC];
	_ =	sdelay $0x3  }
0x12: {  	_ =	strace s2  }
0x13: {  	s2 =	sld [smem:$0x3FFD];
	_ =	sdelay $0x3  }
0x14: {  	_ =	strace s2  }
0x15: {  	_ =	strace $0x8FFFFFFF  }
0x16: {  	s20 =	sld [smem:$0x3FDB];
	_ =	sdelay $0x1  }
0x17: {  	s21 =	simm.s32 $_scs_section_size  }
0x18: {  	s5 =	simm.s32 $_size__tile_overlayer_lowered;
	s6 =	simm.s32 $_tile_overlayer_lowered  }
0x19: {  	s7 =	simm.s32 $0x1BFF;
	s22 =	sshll.u32 s6, $0x1;
	s4 =	sadd.s32 s21, s20  }
0x1a: {  	s23 =	simm.s32 $0x0;
	s5 =	sshll.u32 s5, $0x1;
	s6 =	sadd.s32 s22, s4  }
0x1b: {  	[timem:s23], [sflag:s7] =	dma.local [hbm:s6], s5  }
0x1c: {  	_ =	swait.ge [sflag:s7], s5  }
0x1d: {  	s5 =	ssub.s32 $0x0, s5;
	[sflag:s7] =	ssyncset.done $0x0  }
0x1e: {  	[sflag:s7] =	ssyncadd.s32 s5;
	_ =	sdelay $0x1  }
0x1f: {  	s24 =	simm.s32 $0x1B8B  }
0x20: {  	_ =	swait.ge [sflag:s24], $0x1  }
0x21: {  	[sflag:s24] =	ssyncset.done $0x0  }
0x22: {  	[sflag:s24] =	ssyncadd.s32 $0xFFFFFFFF  }
0x23: {  	s5 =	sld [smem:$0x0]  }
0x24: {  	s6 =	sand.u32 $0xFFFFFFFE, s1  }
0x25: {  	p0 =	sne.s32 s1, s6  }
0x26: {  	s6 =	sshll.u32 @p0 s6, $0xE  }
0x27: {  	s6 =	sadd.s32 @p0 $0x11B8D, s6;
	s7 =	sshll.u32 @p0 s5, $0x11  }
0x28: {  	s6 =	sor.u32 @p0 s7, s6  }
0x29: {  	[sflag:s6] =	ssyncadd.remote.s32 @p0 $0x1;
	_ =	sdelay $0x1  }
0x2a: {  	s6 =	simm.s32 @p0 $0x1B8D  }
0x2b: {  	_ =	swait.eq @p0 [sflag:s6], $0x1  }
0x2c: {  	[sflag:s6] =	ssyncadd.s32 @p0 $0xFFFFFFFF  }
0x2d: {  	s7 =	sshll.u32 @!p0 s1, $0xE  }
0x2e: {  	s7 =	sor.u32 @!p0 $0x4000, s7;
	s6 =	simm.s32 @!p0 $0x1B8D  }
0x2f: {  	s5 =	sshll.u32 @!p0 s5, $0x11;
	s7 =	sadd.s32 @!p0 $0x11B8D, s7;
	_ =	swait.eq @!p0 [sflag:s6], $0x1  }
0x30: {  	s5 =	sor.u32 @!p0 s5, s7;
	[sflag:s6] =	ssyncadd.s32 @!p0 $0xFFFFFFFF  }
0x31: {  	s26 =	simm.s32 $0x1B8E;
	s25 =	sld [smem:$0x3FFE];
	[sflag:s5] =	ssyncadd.remote.s32 @!p0 $0x1  }
0x32: {  	s27 =	simm.s32 $execute0_lowered;
	[smem:$0x3FD2] =	sst s26  }
0x33: {  	s6 =	sshll.u32 s27, $0x1;
	_ =	strace $0x8000004C;
	[dreg:$0x1] =	wrdreg $0xFFFFFFFF  }
0x34: {  	s28 =	simm.s32 $_size_execute0_lowered;
	s4 =	sadd.s32 s4, s6;
	[dreg:$0x0] =	wrdreg $0x0  }
0x35: {  	s6 =	sshll.u32 s28, $0x1;
	[dreg:$0x2] =	wrdreg s4  }
0x36: {  	[dreg:$0x3] =	wrdreg s6  }
0x37: {  	[dreg:$0x4] =	wrdreg $0xC0  }
0x38: {  	_ =	task [dreg:s23], $0x5FFFF  }
0x39: {  	[dreg:$0x1] =	wrdreg $0xFFFFFFFF  }
0x3a: {  	[dreg:$0x0] =	wrdreg $0x60  }
0x3b: {  	[dreg:$0x2] =	wrdreg s25  }
0x3c: {  	[dreg:$0x3] =	wrdreg s18  }
0x3d: {  	[dreg:$0x4] =	wrdreg $0xA  }
0x3e: {  	_ =	task.clear_ibuf [dreg:s23], $0x5FFFF;
	_ =	strace $0x9000004C  }
0x3f: {  	s29 =	simm.s32 $0xA;
	_ =	strace $0x8000004E  }
0x40: {  	_ =	swait.ge [sflag:s29], $0x1  }
0x41: {  	[sflag:s29] =	ssyncadd.s32 $0xFFFFFFFF  }
0x42: {  	_ =	strace $0x9000004E  }
0x43: {  	_ =	sfence  }
0x44: {  	s30 =	sld [smem:$0x0];
	_ =	sdelay $0x2  }
0x45: {  	s31 =	sshll.u32 s1, $0xD;
	s1 =	sshrl.u32 s1, $0x2  }
0x46: {  	s4 =	sand.u32 $0x4000, s31;
	s1 =	sadd.s32 s1, s30  }
0x47: {  	s0 =	sor.u32 s4, s0;
	s1 =	sshll.u32 s1, $0x11  }
0x48: {  	s0 =	sor.u32 s1, s0  }
0x49: {  	s0 =	sadd.s32 $0x8F2B, s0  }
0x4a: {  	[sflag:s0] =	ssyncadd.remote.s32 $0x1  }
0x4b: {  	_ =	sfence.sel $0xFFFF  }
0x4c: {  	[dreg:$0x0] =	wrdreg $0xFFFFFFFF;
	(pc) =	sbr.abs _section_cstart, $3  }
0x4d: {  	[dreg:$0x1] =	wrdreg $0xFFFFFFFF  }
0x4e: {  	_ =	task.clear_ibuf [dreg:s23], $0x2FFFF;
	_ =	strace $0x9FFFFFFF  }
0x4f: {  	(tm) =	ssettm $0x7FFFFFFF  }
tec
execute0_lowered:
.L_overlay_start_1:
0x0: {  	(tag) =	ssettag $0x1  }
0x1: {  	s0 =	srdreg.scid  }
0x2: {  	s1 =	sshll.u32 s0, $0x4  }
0x3: {  	s0 =	stileid.u32;
	s1 =	sand.u32 $0x10, s1  }
0x4: {  	s1 =	sor.u32 s0, s1  }
0x5: {  	s6 =	rddreg [dreg:$0x0];
	s4 =	simm.s32 $0x1;
	s2 =	sshll.u32 s1, $0x7  }
0x6: {  	s7 =	simm.s32 $0x2;
	s12 =	simm.s32 $0x0;
	s1 =	ssub.s32 $0x4000, s2  }
0x7: {  	s8 =	simm.s32 $0x20000;
	s13 =	simm.s32 $0x0;
	s3 =	sand.u32 $0xF80, s1  }
0x8: {  	s9 =	simm.s32 $0x0;
	s5 =	sshrl.u32 s1, $0xC;
	p0 =	sne.s32 s3, $0x0  }
.Ltmp0:
0x9: {  	s1 =	rddreg [dreg:$0x2];
	s4 =	simm.s32 @!p0 $0x0;
	(pc) =	sbr.rel .LBB1_1-.Ltmp0, $4  }
0xa: {  	s11 =	simm.s32 $0x0;
	s3 =	rddreg [dreg:$0x1];
	s5 =	sadd.s32 s4, s5  }
0xb: {  	_ =	strace $0x8000004D;
	s4 =	simm.s32 $0x1;
	s5 =	smul.u32 $0x14, s5  }
0xc: {  	s6 =	sadd.s32 $0x7C2400, s6;
	s10 =	smov.u32 s2;
	[sflag:s4] =	ssyncpa.u1 $0x0  }
0xd: {  	p0 =	por $0x0, $0x0;
	[sflag:s7] =	ssyncpa.u1 $0x0;
	s7 =	sor.u32 $0x1, s5  }
.LBB1_4:
0xe: {  	s16 =	sshll.u32 s13, $0x3;
	s17 =	sand.u32 $0x78, s13  }
0xf: {  	s30 =	sand.u32 $0x1F800, s13;
	s12 =	sshll.u32 s12, $0x11;
	s16 =	sand.u32 $0x3C00, s16  }
0x10: {  	[tilespmem:s15+$0x810 ss:$0x81] =	vst.msk $0xffff, v2;
	s31 =	sand.u32 $0x7, s13;
	s16 =	sor.u32 s17, s16;
	s17 =	sadd.s32 s3, s30  }
0x11: {  	[tilespmem:s15+$0x1020 ss:$0x81] =	vst.msk $0xffff, v0;
	s13 =	sshll.u32 s31, $0x12;
	s12 =	sadd.s32 s12, s17;
	s16 =	sshrl.u32 s16, $0x3  }
0x12: {  	[tilespmem:s15+$0x0 ss:$0x81] =	vst.msk $0xffff, v1;
	s13 =	sor.u32 $0x400, s13;
	s12 =	sadd.s32 s16, s12  }
0x13: {  	[hbm4b:s12+s13] =	stream.strided.scatter [tilespmem:s14], [sflag:$0x2], $0x2000, s8, s13, $0x20;
	[tilespmem:$0x8080] =	vst v63  }
.LBB1_5:
0x14: {  	s14 =	sadd.s32 $0x1, s9  }
0x15: {  	s12 =	sadd.s32 $0x1000, s10;
	s16 =	smov.u32 s10;
	p2 =	sgt.s32 s14, $0x13  }
0x16: {  	s16 =	smov.u32 @p2 s12  }
0x17: {  	s14 =	simm.s32 @p2 $0x0;
	p2 =	sgt.s32 s16, $0x3FFF  }
0x18: {  	s16 =	smov.u32 @p2 s2;
	p2 =	sne.s32 s11, s7  }
.Ltmp1:
0x19: {  	p1 =	slt.u32 s11, $0x2;
	(pc) =	sbr.rel @!p2 .LBB1_6-.Ltmp1, $4  }
0x1a: {  	s15 =	simm.s32 @!p1 $0x2  }
0x1b: {  	s13 =	smov.u32 s10;
	p0 =	por !p0, !p0;
	_ =	swait.ge @!p1 [sflag:s15], $0x2000  }
0x1c: {  	s12 =	smov.u32 s9;
	[sflag:s15] =	ssyncset.done @!p1 $0x0;
	s9 =	smov.u32 s14  }
0x1d: {  	s11 =	sadd.s32 $0x1, s11;
	[sflag:s15] =	ssyncadd.s32 @!p1 $0xFFFFE000;
	s10 =	smov.u32 s16  }
.LBB1_1:
0x1e: {  	p1 =	sge.u32 s11, s5  }
0x1f: {  	s14 =	sand.u32 @!p1 $0x1FFFFFF, s9  }
0x20: {  	s15 =	smulhi.u32 @!p1 $0xAAAAAAB, s14;
	_ =	sdelay $0x1  }
0x21: {  	s15 =	smul.u32 @!p1 $0x18, s15  }
0x22: {  	s16 =	sxor.u32 @!p1 $0xFFFFFFFF, s11;
	s17 =	smul.u32 @!p1 $0x180, s10  }
0x23: {  	s31 =	sadd.s32 $0xFFFFFFFF, s11;
	s16 =	sshll.u32 @!p1 s16, $0xD;
	s14 =	ssub.s32 @!p1 s14, s15  }
0x24: {  	s15 =	sand.u32 @!p1 $0x2000, s16;
	s16 =	sadd.s32 @!p1 s6, s17;
	s14 =	sshll.u32 @!p1 s14, $0x4  }
0x25: {  	s17 =	simm.s32 @!p1 $0xC00;
	s14 =	sadd.s32 @!p1 s14, s16;
	s16 =	simm.s32 @!p1 $0x40  }
0x26: {  	[tilespmem:s15], [sflag:$0x1] =	stream.strided.gather @!p1 [hbm4b:s14+s16], $0x2000, s17, s16, $0x38;
	[tilespmem:$0x8080] =	vst v63  }
0x27: {  	p1 =	sge.u32 s31, s5  }
.Ltmp2:
0x28: {  	_ = 	snop;
	(pc) =	sbr.rel @p1 .LBB1_5-.Ltmp2, $1  }
0x29: {  	_ =	sdelay $0x3  }
0x2a: {  	s14 =	simm.s32 $0x1  }
0x2b: {  	_ =	swait.ge [sflag:s4], $0x2000;
	s14 =	simm.s32 @!p0 $0x0  }
0x2c: {  	[sflag:s4] =	ssyncset.done $0x0;
	s15 =	sshll.u32 s14, $0xD  }
0x2d: {  	[sflag:s4] =	ssyncadd.s32 $0xFFFFE000;
	s18 =	sor.u32 $0x20, s15  }
0x2e: {  	s14 =	smul.u32 $0x8100, s14;
	v3 =	vld [tilespmem:s18+$0x10]  }
0x2f: {  	s30 =	sand.u32 $0x1, s11;
	v2 =	vld [tilespmem:s18+$0xFFFFFFF0]  }
0x30: {  	s15 =	smul.u32 $0x8100, s30;
	s14 =	sshrl.u32 s14, $0x2;
	v0 =	vld [tilespmem:s18+$0x0]  }
0x31: {  	v1 =	vld [tilespmem:s18+$0xFFFFFFE0];
	s16 =	sor.u32 $0x4000, s14  }
0x32: {  	s31 =	sshrl.u32 s15, $0x2;
	s15 =	sadd.s32 $0x0, s16  }
0x33: {  	s17 =	simm.s32 $0x4;
	s18 =	sadd.s32 $0x40, s18;
	s14 =	sor.u32 $0x4000, s31;
	[tilespmem:s15+$0x1830 ss:$0x81] =	vst.msk $0xffff, v3  }
.LBB1_3:
0x34: {  	v3 =	vld [tilespmem:s18+$0x10];
	p1 =	sne.s32 s17, $0x1FC;
	[tilespmem:s15+$0x810 ss:$0x81] =	vst.msk $0xffff, v2;
	s19 =	smov.u32 s17;
	s17 =	sadd.s32 $0x4, s17  }
.Ltmp3:
0x35: {  	v2 =	vld [tilespmem:s18+$0xFFFFFFF0];
	[tilespmem:s15+$0x1020 ss:$0x81] =	vst.msk $0xffff, v0;
	(pc) =	sbr.rel @p1 .LBB1_3-.Ltmp3, $4  }
0x36: {  	v0 =	vld [tilespmem:s18+$0x0];
	[tilespmem:s15+$0x0 ss:$0x81] =	vst.msk $0xffff, v1  }
0x37: {  	s15 =	sshra.s32 s19, $0x2;
	v1 =	vld [tilespmem:s18+$0xFFFFFFE0]  }
0x38: {  	s15 =	sadd.s32 s15, s16  }
0x39: {  	s18 =	sadd.s32 $0x40, s18;
	[tilespmem:s15+$0x1830 ss:$0x81] =	vst.msk $0xffff, v3  }
.Ltmp4:
0x3a: {  	_ = 	snop;
	(pc) =	sbr.rel .LBB1_4-.Ltmp4, $1  }
0x3b: {  	_ =	sdelay $0x3  }
.LBB1_6:
0x3c: {  	_ =	sfence.sel $0x180000  }
0x3d: {  	s2 =	simm.s32 $0x1;
	[bflag:$0x0] =	sbarrier.arrive $0xFFFF  }
0x3e: {  	s31 =	simm.s32 $0x2;
	[sflag:s2] =	ssyncpa.u1 $0x1  }
0x3f: {  	[sflag:s31] =	ssyncpa.u1 $0x1  }
0x40: {  	p0 =	sne.s32 s0, $0x0;
	_ =	strace $0x9000004D  }
0x41: {  	s0 =	sadd.s32 @!p0 $0x100000, s1;
	[bflag:$0x2] =	sbarrier.arrive $0xFFFF  }
0x42: {  	[sflag:s0] =	ssyncadd.tile.s32 @!p0 $0x1;
	_ =	shalt  }
.Lfunc_end1:
_tile_overlayer_lowered:
.L_overlay_start_2:
0x43: {  	(tag) =	ssettag $0x2  }
0x44: {  	s0 =	rddreg [dreg:$0x0];
	s2 =	stileid.u32  }
0x45: {  	s1 =	rddreg [dreg:$0x1];
	p0 =	sne.s32 s2, $0x0  }
0x46: {  	s3 =	rddreg [dreg:$0x2];
	[bflag:$0x3] =	sbarrier.arrive $0xFFFF;
	s2 =	simm.s32 @!p0 $0x1C01  }
0x47: {  	[timem:s3], [sflag:s2] =	dma.local @!p0 [hbm:s0], s1  }
0x48: {  	s0 =	simm.s32 @!p0 $0x1  }
0x49: {  	_ =	swait.ge @!p0 [sflag:s0], s1  }
0x4a: {  	s1 =	ssub.s32 @!p0 $0x0, s1;
	[sflag:s0] =	ssyncset.done @!p0 $0x0  }
0x4b: {  	[sflag:s0] =	ssyncadd.s32 @!p0 s1  }
0x4c: {  	[bflag:$0x3] =	sbarrier.arrive $0xFFFF  }
0x4d: {  	_ =	shalt  }

</sc_bundles>
